<compile_context>
chip_gen: v7x
topology: tpu7x:2x2x1
jax: 0.10.2.dev20260603
libtpu: 0.0.44.dev20260713+nightly
codegen_flags: <defaults>
</compile_context>

<pallas_src>
import functools

import jax
import jax.numpy as jnp
from jax import lax
from jax.experimental import pallas as pl
from jax.experimental.pallas import tpu as pltpu
from jax.experimental.pallas import tpu_sc as plsc

_N = 100000
_E = 1600000
_NC = 2
_NS = 16
_NW = _NC * _NS
_EPT = _E // _NW
_NP = 100096
_RPT = _NP // _NS
_NO = 3136

_mesh = plsc.VectorSubcoreMesh(core_axis_name="c", subcore_axis_name="s")
_params = pltpu.CompilerParams(needs_layout_passes=False)


def _seg_sum(xf, src, dst, norm, F, CS):
    SH = F.bit_length() - 1

    @functools.partial(
        pl.kernel,
        out_type=jax.ShapeDtypeStruct((_NC * _NP * F,), jnp.float32),
        mesh=_mesh,
        compiler_params=_params,
        scratch_types=[
            pltpu.VMEM_SHARED((_NP * F,), jnp.float32),
            pltpu.VMEM((CS,), jnp.int32),
            pltpu.VMEM((CS,), jnp.int32),
            pltpu.VMEM((CS,), jnp.float32),
            pltpu.VMEM((CS * F,), jnp.float32),
            pltpu.VMEM((CS * F,), jnp.int32),
            pltpu.VMEM((_RPT,), jnp.float32),
            pltpu.SemaphoreType.DMA,
        ],
    )
    def k(x_hbm, src_hbm, dst_hbm, norm_hbm, out_hbm,
          acc, srcb, dstb, normb, rows, idxb, stage, sem):
        c = lax.axis_index("c")
        s = lax.axis_index("s")
        w = c * _NS + s
        iota = lax.iota(jnp.int32, 16)
        QW = _RPT

        def zero16(j, _):
            stage[pl.ds(j * 16, 16)] = jnp.zeros((16,), jnp.float32)
            return 0

        lax.fori_loop(0, QW // 16, zero16, 0)

        def zcopy(q, _):
            pltpu.sync_copy(stage, acc.at[pl.ds(s * _RPT * F + q * QW, QW)])
            return 0

        lax.fori_loop(0, F, zcopy, 0)
        plsc.subcore_barrier()

        def chunk(kk, _):
            base = w * _EPT + kk * CS
            pltpu.sync_copy(src_hbm.at[pl.ds(base, CS)], srcb)
            pltpu.sync_copy(dst_hbm.at[pl.ds(base, CS)], dstb)
            pltpu.sync_copy(norm_hbm.at[pl.ds(base, CS)], normb)

            def mkidx(j, _):
                t = iota + j * 16
                sv = plsc.load_gather(srcb, [t >> SH])
                idxb[pl.ds(j * 16, 16)] = sv * F + (t & (F - 1))
                return 0

            lax.fori_loop(0, (CS * F) // 16, mkidx, 0)
            pltpu.async_copy(x_hbm.at[idxb], rows, sem).wait()

            def mulnorm(j, _):
                t = iota + j * 16
                nv = plsc.load_gather(normb, [t >> SH])
                rows[pl.ds(j * 16, 16)] = rows[pl.ds(j * 16, 16)] * nv
                return 0

            lax.fori_loop(0, (CS * F) // 16, mulnorm, 0)

            def mkdidx(j, _):
                t = iota + j * 16
                dv = plsc.load_gather(dstb, [t >> SH])
                idxb[pl.ds(j * 16, 16)] = dv * F + (t & (F - 1))
                return 0

            lax.fori_loop(0, (CS * F) // 16, mkdidx, 0)
            pltpu.sync_copy(rows, acc.at[idxb], add=True)
            return 0

        lax.fori_loop(0, _EPT // CS, chunk, 0)
        plsc.subcore_barrier()

        def wb(q, _):
            pltpu.sync_copy(acc.at[pl.ds(s * _RPT * F + q * QW, QW)], stage)
            pltpu.sync_copy(
                stage,
                out_hbm.at[pl.ds(c * _NP * F + s * _RPT * F + q * QW, QW)])
            return 0

        lax.fori_loop(0, F, wb, 0)

    return k(xf, src, dst, norm)


def _seg_max(xf, src, dst, F, CM, BE, init, sel_inf):
    ACCW = _NO * F
    SH = F.bit_length() - 1

    @functools.partial(
        pl.kernel,
        out_type=jax.ShapeDtypeStruct((_NW * ACCW,), jnp.float32),
        mesh=_mesh,
        compiler_params=_params,
        scratch_types=[
            pltpu.VMEM((ACCW + 32,), jnp.float32),
            pltpu.VMEM((CM,), jnp.int32),
            pltpu.VMEM((CM,), jnp.int32),
            pltpu.VMEM((CM + 32,), jnp.int32),
            pltpu.VMEM((CM + 32,), jnp.int32),
            pltpu.VMEM((BE * F,), jnp.int32),
            pltpu.VMEM((BE * F + 16,), jnp.float32),
            pltpu.SemaphoreType.DMA,
        ],
    )
    def k(x_hbm, src_hbm, dst_hbm, out_hbm,
          acc, srcb, dstb, msrc, mdl, idxb, rows, sem):
        c = lax.axis_index("c")
        s = lax.axis_index("s")
        w = c * _NS + s
        iota = lax.iota(jnp.int32, 16)

        def ainit(j, _):
            acc[pl.ds(j * 16, 16)] = jnp.full((16,), init, jnp.float32)
            return 0

        lax.fori_loop(0, (ACCW + 32) // 16, ainit, 0)

        def pfill(j, _):
            msrc[pl.ds(j * 16, 16)] = (iota + j * 16) & 8191
            return 0

        lax.fori_loop(0, (CM + 32) // 16, pfill, 0)

        def chunk(kk, _):
            base = kk * CM
            pltpu.sync_copy(src_hbm.at[pl.ds(base, CM)], srcb)
            pltpu.sync_copy(dst_hbm.at[pl.ds(base, CM)], dstb)

            def scan16(j, cntv):
                dv = dstb[pl.ds(j * 16, 16)]
                sv = srcb[pl.ds(j * 16, 16)]
                m = (dv & 31) == w
                rank = plsc.cumsum(jnp.where(m, 1, 0).astype(jnp.int32))
                pos = cntv + rank - 1
                plsc.store_scatter(msrc, [pos], sv, mask=m)
                plsc.store_scatter(mdl, [pos], dv >> 5, mask=m)
                return cntv + plsc.all_reduce_population_count(m)

            cntv = lax.fori_loop(0, CM // 16, scan16,
                                 jnp.zeros((16,), jnp.int32))
            cnt = cntv[0]

            def flush(off):
                def mkidx(j, _):
                    t = iota + j * 16
                    iv = jnp.minimum(off + (t >> SH), cnt - 1)
                    sv = plsc.load_gather(msrc, [iv])
                    idxb[pl.ds(j * 16, 16)] = sv * F + (t & (F - 1))
                    return 0

                lax.fori_loop(0, (BE * F) // 16, mkidx, 0)
                pltpu.async_copy(x_hbm.at[idxb], rows.at[pl.ds(0, BE * F)],
                                 sem).wait()
                nloc = jnp.minimum(BE, cnt - off)

                def accum(e, _):
                    dl = plsc.load_gather(
                        mdl, [jnp.full((16,), off + e, jnp.int32)])[0]
                    if F == 2:
                        ridx = e * 2 + iota
                        aidx = dl * 2 + iota
                        r = plsc.load_gather(rows, [ridx])
                        a = plsc.load_gather(acc, [aidx])
                        mx = jnp.maximum(a, r)
                        plsc.store_scatter(acc, [aidx], mx, mask=iota < 2)
                    else:
                        r0 = rows[pl.ds(e * 32, 16)]
                        a0 = acc[pl.ds(dl * 32, 16)]
                        acc[pl.ds(dl * 32, 16)] = jnp.maximum(a0, r0)
                        r1 = rows[pl.ds(e * 32 + 16, 16)]
                        a1 = acc[pl.ds(dl * 32 + 16, 16)]
                        acc[pl.ds(dl * 32 + 16, 16)] = jnp.maximum(a1, r1)
                    return 0

                lax.fori_loop(0, nloc, accum, 0)
                return off + BE

            lax.while_loop(lambda off: off < cnt, flush, jnp.int32(0))
            return 0

        lax.fori_loop(0, _E // CM, chunk, 0)

        if sel_inf:
            def fixinf(j, _):
                v = acc[pl.ds(j * 16, 16)]
                acc[pl.ds(j * 16, 16)] = jnp.where(v == init, 0.0, v)
                return 0

            lax.fori_loop(0, ACCW // 16, fixinf, 0)

        pltpu.sync_copy(acc.at[pl.ds(0, ACCW)],
                        out_hbm.at[pl.ds(w * ACCW, ACCW)])

    return k(xf, src, dst)


def _tc_layer1(x, s0, s1, mx, W1lT, b1l, W1rT, Wm1lT, bm1l, Wm1rT, W2lpT):
    B = 4000

    def body(x_r, s0_r, s1_r, mx_r, w1l_r, b1l_r, w1r_r, wm1l_r, bm1l_r,
             wm1r_r, w2lp_r, h_r, p_r):
        xb = x_r[...]
        agg = s0_r[...] + s1_r[...]
        y = jnp.maximum(agg @ w1l_r[...] + b1l_r[...] + xb @ w1r_r[...], 0.0)
        z = jnp.maximum(
            mx_r[...] @ wm1l_r[...] + bm1l_r[...] + xb @ wm1r_r[...], 0.0)
        h = jnp.concatenate([y, z], axis=1)
        h_r[...] = h
        p_r[...] = h @ w2lp_r[...]

    reps = lambda shp: pl.BlockSpec(shp, lambda i: (0, 0))
    h, p = pl.pallas_call(
        body,
        grid=(_N // B,),
        in_specs=[
            pl.BlockSpec((B, 2), lambda i: (i, 0)),
            pl.BlockSpec((B, 2), lambda i: (i, 0)),
            pl.BlockSpec((B, 2), lambda i: (i, 0)),
            pl.BlockSpec((B, 2), lambda i: (i, 0)),
            reps((2, 24)), reps((1, 24)), reps((2, 24)),
            reps((2, 8)), reps((1, 8)), reps((2, 8)),
            reps((32, 16)),
        ],
        out_specs=[pl.BlockSpec((B, 32), lambda i: (i, 0)),
                   pl.BlockSpec((B, 16), lambda i: (i, 0))],
        out_shape=[jax.ShapeDtypeStruct((_N, 32), jnp.float32),
                   jax.ShapeDtypeStruct((_N, 16), jnp.float32)],
    )(x, s0, s1, mx, W1lT, b1l, W1rT, Wm1lT, bm1l, Wm1rT, W2lpT)
    return h, p


def _tc_layer2(h, s0, s1, mx2, b2l, W2rT, Wm2lT, bm2l, Wm2rT, W3T, b3, W4T,
               b4, W5T):
    B = 4000

    def body(h_r, s0_r, s1_r, mx_r, b2l_r, w2r_r, wm2l_r, bm2l_r, wm2r_r,
             w3_r, b3_r, w4_r, b4_r, w5_r, o_r):
        hb = h_r[...]
        sp = (s0_r[...] + s1_r[...])[:, :12]
        y2 = jnp.maximum(sp + b2l_r[...] + hb @ w2r_r[...], 0.0)
        z2 = jnp.maximum(
            mx_r[...] @ wm2l_r[...] + bm2l_r[...] + hb @ wm2r_r[...], 0.0)
        h2 = jnp.concatenate([y2, z2], axis=1)
        h3 = jnp.maximum(h2 @ w3_r[...] + b3_r[...], 0.0)
        h4 = jnp.maximum(h3 @ w4_r[...] + b4_r[...], 0.0)
        o_r[...] = h4 @ w5_r[...]

    reps = lambda shp: pl.BlockSpec(shp, lambda i: (0, 0))
    out = pl.pallas_call(
        body,
        grid=(_N // B,),
        in_specs=[
            pl.BlockSpec((B, 32), lambda i: (i, 0)),
            pl.BlockSpec((B, 16), lambda i: (i, 0)),
            pl.BlockSpec((B, 16), lambda i: (i, 0)),
            pl.BlockSpec((B, 32), lambda i: (i, 0)),
            reps((1, 12)), reps((32, 12)),
            reps((32, 4)), reps((1, 4)), reps((32, 4)),
            reps((16, 8)), reps((1, 8)),
            reps((8, 5)), reps((1, 5)),
            reps((5, 1)),
        ],
        out_specs=pl.BlockSpec((B, 1), lambda i: (i, 0)),
        out_shape=jax.ShapeDtypeStruct((_N, 1), jnp.float32),
    )(h, s0, s1, mx2, b2l.reshape(1, 12), W2rT, Wm2lT, bm2l.reshape(1, 4),
      Wm2rT, W3T, b3.reshape(1, 8), W4T, b4.reshape(1, 5), W5T)
    return out


def kernel(x, edge_index, norm, W1l, b1l, W1r, Wm1l, bm1l, Wm1r, W2l, b2l, W2r,
           Wm2l, bm2l, Wm2r, W3, b3, W4, b4, W5, b5):
    src = edge_index[0]
    dst = edge_index[1]

    sp1 = _seg_sum(x.reshape(-1), src, dst, norm, 2, 2000)
    sp1 = sp1.reshape(_NC, _NP, 2)
    mx1 = _seg_max(x.reshape(-1), src, dst, 2, 12800, 256,
                   float(jnp.finfo(jnp.float32).min), True)
    mx1 = mx1.reshape(_NW, _NO, 2)[:, :3125]
    mx1 = jnp.transpose(mx1, (1, 0, 2)).reshape(_N, 2)

    W2lp = jnp.concatenate([W2l, jnp.zeros((4, 32), jnp.float32)], axis=0)
    h, p = _tc_layer1(x, sp1[0, :_N], sp1[1, :_N], mx1,
                      W1l.T, b1l.reshape(1, 24), W1r.T,
                      Wm1l.T, bm1l.reshape(1, 8), Wm1r.T, W2lp.T)

    sp2 = _seg_sum(p.reshape(-1), src, dst, norm, 16, 400)
    sp2 = sp2.reshape(_NC, _NP, 16)
    mx2 = _seg_max(h.reshape(-1), src, dst, 32, 4000, 128, 0.0, False)
    mx2 = mx2.reshape(_NW, _NO, 32)[:, :3125]
    mx2 = jnp.transpose(mx2, (1, 0, 2)).reshape(_N, 32)

    out = _tc_layer2(h, sp2[0, :_N], sp2[1, :_N], mx2,
                     b2l, W2r.T, Wm2l.T, bm2l, Wm2r.T,
                     W3.T, b3, W4.T, b4, W5.T)
    return out[:, 0] + b5[0]

# --- scband reference (transcript-rebuilt; emitter-appended) ---
"""Pipeline reference for scband-net-9225589752152 (READ-ONLY COPY).

The authoritative reference and input builder live on the scoring server;
editing this copy changes nothing except your own understanding.
"""

import jax, jax.numpy as jnp
import numpy as np

N = 100000
E = 1600000


def _lin(k, out_d, in_d, bias=True):
    b = 1.0 / np.sqrt(in_d)
    k1, k2 = jax.random.split(k)
    W = jax.random.uniform(k1, (out_d, in_d), minval=-b, maxval=b, dtype=jnp.float32)
    if bias:
        bb = jax.random.uniform(k2, (out_d,), minval=-b, maxval=b, dtype=jnp.float32)
        return W, bb
    return W, None


def setup_inputs(seed: int = 0):
    key = jax.random.key(seed)
    ks = jax.random.split(key, 16)
    inp = {}
    inp['x'] = jax.random.normal(ks[0], (N, 2), dtype=jnp.float32)
    inp['edge_index'] = jax.random.randint(ks[1], (2, E), 0, N, dtype=jnp.int32)
    inp['norm'] = jax.random.uniform(ks[2], (E,), dtype=jnp.float32)
    inp['W1l'], inp['b1l'] = _lin(ks[3], 24, 2)
    inp['W1r'], _ = _lin(ks[4], 24, 2, bias=False)
    inp['Wm1l'], inp['bm1l'] = _lin(ks[5], 8, 2)
    inp['Wm1r'], _ = _lin(ks[6], 8, 2, bias=False)
    inp['W2l'], inp['b2l'] = _lin(ks[7], 12, 32)
    inp['W2r'], _ = _lin(ks[8], 12, 32, bias=False)
    inp['Wm2l'], inp['bm2l'] = _lin(ks[9], 4, 32)
    inp['Wm2r'], _ = _lin(ks[10], 4, 32, bias=False)
    inp['W3'], inp['b3'] = _lin(ks[11], 8, 16)
    inp['W4'], inp['b4'] = _lin(ks[12], 5, 8)
    inp['W5'], inp['b5'] = _lin(ks[13], 1, 5)
    return inp


def reference(x, edge_index, norm, W1l, b1l, W1r, Wm1l, bm1l, Wm1r, W2l, b2l, W2r, Wm2l, bm2l, Wm2r, W3, b3, W4, b4, W5, b5):
    src = edge_index[0]
    dst = edge_index[1]
    n = x.shape[0]

    def wsage(h, Wl, bl, Wr):
        msg = h[src] * norm[:, None]
        agg = jax.ops.segment_sum(msg, dst, num_segments=n)
        return agg @ Wl.T + bl + h @ Wr.T

    def sage_max(h, Wl, bl, Wr):
        agg = jax.ops.segment_max(h[src], dst, num_segments=n)
        agg = jnp.where(jnp.isfinite(agg), agg, 0.0)
        return agg @ Wl.T + bl + h @ Wr.T

    y = jax.nn.relu(wsage(x, W1l, b1l, W1r))
    z = jax.nn.relu(sage_max(x, Wm1l, bm1l, Wm1r))
    h = jnp.concatenate([y, z], axis=1)
    y2 = jax.nn.relu(wsage(h, W2l, b2l, W2r))
    z2 = jax.nn.relu(sage_max(h, Wm2l, bm2l, Wm2r))
    h2 = jnp.concatenate([y2, z2], axis=1)
    h3 = jax.nn.relu(h2 @ W3.T + b3)
    h4 = jax.nn.relu(h3 @ W4.T + b4)
    out = h4 @ W5.T + b5
    return jnp.squeeze(out)

if __name__ == "__main__":
    import jax
    _d = setup_inputs()
    print(jax.jit(kernel)(*tuple(_d.values())))

</pallas_src>

<mosaic_0001>
#map = affine_map<(d0, d1) -> (0)>
module attributes {stable_mosaic.version = 14 : i64} {
  func.func @k(%arg0: i32, %arg1: i32, %arg2: memref<200000xf32, #tpu.memory_space<hbm>>, %arg3: memref<1600000xi32, #tpu.memory_space<hbm>>, %arg4: memref<1600000xi32, #tpu.memory_space<hbm>>, %arg5: memref<1600000xf32, #tpu.memory_space<hbm>>, %arg6: memref<400384xf32, #tpu.memory_space<hbm>>, %arg7: memref<200192xf32, #tpu.memory_space<vmem_shared>>, %arg8: memref<2000xi32, #tpu.memory_space<vmem>>, %arg9: memref<2000xi32, #tpu.memory_space<vmem>>, %arg10: memref<2000xf32, #tpu.memory_space<vmem>>, %arg11: memref<4000xf32, #tpu.memory_space<vmem>>, %arg12: memref<4000xi32, #tpu.memory_space<vmem>>, %arg13: memref<6256xf32, #tpu.memory_space<vmem>>, %arg14: memref<!tpu.dma_semaphore, #tpu.memory_space<semaphore_mem>>) attributes {dimension_semantics = [#tpu.dimension_semantics<core_parallel>, #tpu.dimension_semantics<subcore_parallel>], iteration_bounds = array<i64: 2, 16>, scalar_prefetch = 0 : i64, scratch_operands = 8 : i64, tpu.core_type = #tpu.core_type<sc_vector_subcore>, window_params = [{transform_indices = #map}, {transform_indices = #map}, {transform_indices = #map}, {transform_indices = #map}, {transform_indices = #map}]} {
    %mul3A = arith.constant 16 : i32
    %mul3A_0 = arith.muli %arg0, %mul3A : i32
    %add3A = arith.addi %mul3A_0, %arg1 : i32
    %iota3A = tpu.iota {dimensions = array<i32: 0>} : vector<16xi32>
    %scan3A = arith.constant 0 : i32
    %scan3A_1 = arith.constant 0 : i32
    %scan3A_2 = arith.constant 391 : i32
    %scan3A_3 = arith.addi %scan3A_1, %scan3A_2 : i32
    %scan3A_4 = arith.constant 1 : i32
    %scan3A_5 = scf.for %scan3A_29 = %scan3A_1 to %scan3A_3 step %scan3A_4 iter_args(%scan3A_30 = %scan3A) -> (i32)  : i32 {
      %broadcast_in_dim3A = arith.constant 0.000000e+00 : f32
      %broadcast_in_dim3A_31 = vector.broadcast %broadcast_in_dim3A : f32 to vector<16xf32>
      %mul3A_32 = arith.constant 16 : i32
      %mul3A_33 = arith.muli %scan3A_29, %mul3A_32 : i32
      %swap3A = arith.index_cast %mul3A_33 : i32 to index
      %swap3A_34 = tpu.vector_load %arg13[%swap3A] {strides = array<i32>} : memref<6256xf32, #tpu.memory_space<vmem>>, vector<16xf32>,
      tpu.vector_store %arg13[%swap3A], %broadcast_in_dim3A_31 {strides = array<i32>} : memref<6256xf32, #tpu.memory_space<vmem>>, vector<16xf32>,
      %scan3A_35 = arith.constant 0 : i32
      scf.yield %scan3A_35 : i32
    }
    %scan3A_6 = arith.constant 391 : i32
    %scan3A_7 = arith.constant 0 : i32
    %scan3A_8 = arith.constant 0 : i32
    %scan3A_9 = arith.constant 2 : i32
    %scan3A_10 = arith.addi %scan3A_8, %scan3A_9 : i32
    %scan3A_11 = arith.constant 1 : i32
    %scan3A_12 = scf.for %scan3A_29 = %scan3A_8 to %scan3A_10 step %scan3A_11 iter_args(%scan3A_30 = %scan3A_7) -> (i32)  : i32 {
      %mul3A_31 = arith.constant 6256 : i32
      %mul3A_32 = arith.muli %arg1, %mul3A_31 : i32
      %mul3A_33 = arith.constant 2 : i32
      %mul3A_34 = arith.muli %mul3A_32, %mul3A_33 : i32
      %mul3A_35 = arith.constant 6256 : i32
      %mul3A_36 = arith.muli %scan3A_29, %mul3A_35 : i32
      %add3A_37 = arith.addi %mul3A_34, %mul3A_36 : i32
      "tpu.region"() ({
        %run_scoped3A = tpu.sem_alloc : memref<!tpu.dma_semaphore, #tpu.memory_space<semaphore_mem>>
        %dma_start3A = tpu.memref_slice %arg7[%add3A_37] : memref<200192xf32, #tpu.memory_space<vmem_shared>> -> memref<6256xf32, #tpu.memory_space<vmem_shared>>
        %dma_start3A_39 = tpu.memref_slice %arg7[%add3A_37] : memref<200192xf32, #tpu.memory_space<vmem_shared>> -> memref<6256xf32, #tpu.memory_space<vmem_shared>>
        tpu.enqueue_dma source(%arg13 : memref<6256xf32, #tpu.memory_space<vmem>>) target(%dma_start3A_39 : memref<6256xf32, #tpu.memory_space<vmem_shared>>) target_semaphore(%run_scoped3A : memref<!tpu.dma_semaphore, #tpu.memory_space<semaphore_mem>>)
        %dma_wait3A = tpu.memref_slice %arg7[%add3A_37] : memref<200192xf32, #tpu.memory_space<vmem_shared>> -> memref<6256xf32, #tpu.memory_space<vmem_shared>>
        %dma_wait3A_40 = tpu.memref_slice %arg7[%add3A_37] : memref<200192xf32, #tpu.memory_space<vmem_shared>> -> memref<6256xf32, #tpu.memory_space<vmem_shared>>
        tpu.wait_dma2 semaphore(%run_scoped3A : memref<!tpu.dma_semaphore, #tpu.memory_space<semaphore_mem>>) src(%arg13 : memref<6256xf32, #tpu.memory_space<vmem>>) dst(%dma_wait3A_40 : memref<6256xf32, #tpu.memory_space<vmem_shared>>)
        tpu.yield
      }) : () -> ()
      %scan3A_38 = arith.constant 0 : i32
      scf.yield %scan3A_38 : i32
    }
    %scan3A_13 = arith.constant 2 : i32
    %barrier3A = arith.constant 0 : index
    tpu.barrier barrier_id(%barrier3A)
    %scan3A_14 = arith.constant 0 : i32
    %scan3A_15 = arith.constant 0 : i32
    %scan3A_16 = arith.constant 25 : i32
    %scan3A_17 = arith.addi %scan3A_15, %scan3A_16 : i32
    %scan3A_18 = arith.constant 1 : i32
    %scan3A_19 = scf.for %scan3A_29 = %scan3A_15 to %scan3A_17 step %scan3A_18 iter_args(%scan3A_30 = %scan3A_14) -> (i32)  : i32 {
      %mul3A_31 = arith.constant 50000 : i32
      %mul3A_32 = arith.muli %add3A, %mul3A_31 : i32
      %mul3A_33 = arith.constant 2000 : i32
      %mul3A_34 = arith.muli %scan3A_29, %mul3A_33 : i32
      %add3A_35 = arith.addi %mul3A_32, %mul3A_34 : i32
      "tpu.region"() ({
        %run_scoped3A = tpu.sem_alloc : memref<!tpu.dma_semaphore, #tpu.memory_space<semaphore_mem>>
        %dma_start3A_60 = tpu.memref_slice %arg3[%add3A_35] : memref<1600000xi32, #tpu.memory_space<hbm>> -> memref<2000xi32, #tpu.memory_space<hbm>>
        %dma_start3A_61 = tpu.memref_slice %arg3[%add3A_35] : memref<1600000xi32, #tpu.memory_space<hbm>> -> memref<2000xi32, #tpu.memory_space<hbm>>
        tpu.enqueue_dma source(%dma_start3A_61 : memref<2000xi32, #tpu.memory_space<hbm>>) target(%arg8 : memref<2000xi32, #tpu.memory_space<vmem>>) target_semaphore(%run_scoped3A : memref<!tpu.dma_semaphore, #tpu.memory_space<semaphore_mem>>)
        %dma_wait3A_62 = tpu.memref_slice %arg3[%add3A_35] : memref<1600000xi32, #tpu.memory_space<hbm>> -> memref<2000xi32, #tpu.memory_space<hbm>>
        %dma_wait3A_63 = tpu.memref_slice %arg3[%add3A_35] : memref<1600000xi32, #tpu.memory_space<hbm>> -> memref<2000xi32, #tpu.memory_space<hbm>>
        tpu.wait_dma2 semaphore(%run_scoped3A : memref<!tpu.dma_semaphore, #tpu.memory_space<semaphore_mem>>) src(%dma_wait3A_63 : memref<2000xi32, #tpu.memory_space<hbm>>) dst(%arg8 : memref<2000xi32, #tpu.memory_space<vmem>>)
        tpu.yield
      }) : () -> ()
      "tpu.region"() ({
        %run_scoped3A = tpu.sem_alloc : memref<!tpu.dma_semaphore, #tpu.memory_space<semaphore_mem>>
        %dma_start3A_60 = tpu.memref_slice %arg4[%add3A_35] : memref<1600000xi32, #tpu.memory_space<hbm>> -> memref<2000xi32, #tpu.memory_space<hbm>>
        %dma_start3A_61 = tpu.memref_slice %arg4[%add3A_35] : memref<1600000xi32, #tpu.memory_space<hbm>> -> memref<2000xi32, #tpu.memory_space<hbm>>
        tpu.enqueue_dma source(%dma_start3A_61 : memref<2000xi32, #tpu.memory_space<hbm>>) target(%arg9 : memref<2000xi32, #tpu.memory_space<vmem>>) target_semaphore(%run_scoped3A : memref<!tpu.dma_semaphore, #tpu.memory_space<semaphore_mem>>)
        %dma_wait3A_62 = tpu.memref_slice %arg4[%add3A_35] : memref<1600000xi32, #tpu.memory_space<hbm>> -> memref<2000xi32, #tpu.memory_space<hbm>>
        %dma_wait3A_63 = tpu.memref_slice %arg4[%add3A_35] : memref<1600000xi32, #tpu.memory_space<hbm>> -> memref<2000xi32, #tpu.memory_space<hbm>>
        tpu.wait_dma2 semaphore(%run_scoped3A : memref<!tpu.dma_semaphore, #tpu.memory_space<semaphore_mem>>) src(%dma_wait3A_63 : memref<2000xi32, #tpu.memory_space<hbm>>) dst(%arg9 : memref<2000xi32, #tpu.memory_space<vmem>>)
        tpu.yield
      }) : () -> ()
      "tpu.region"() ({
        %run_scoped3A = tpu.sem_alloc : memref<!tpu.dma_semaphore, #tpu.memory_space<semaphore_mem>>
        %dma_start3A_60 = tpu.memref_slice %arg5[%add3A_35] : memref<1600000xf32, #tpu.memory_space<hbm>> -> memref<2000xf32, #tpu.memory_space<hbm>>
        %dma_start3A_61 = tpu.memref_slice %arg5[%add3A_35] : memref<1600000xf32, #tpu.memory_space<hbm>> -> memref<2000xf32, #tpu.memory_space<hbm>>
        tpu.enqueue_dma source(%dma_start3A_61 : memref<2000xf32, #tpu.memory_space<hbm>>) target(%arg10 : memref<2000xf32, #tpu.memory_space<vmem>>) target_semaphore(%run_scoped3A : memref<!tpu.dma_semaphore, #tpu.memory_space<semaphore_mem>>)
        %dma_wait3A_62 = tpu.memref_slice %arg5[%add3A_35] : memref<1600000xf32, #tpu.memory_space<hbm>> -> memref<2000xf32, #tpu.memory_space<hbm>>
        %dma_wait3A_63 = tpu.memref_slice %arg5[%add3A_35] : memref<1600000xf32, #tpu.memory_space<hbm>> -> memref<2000xf32, #tpu.memory_space<hbm>>
        tpu.wait_dma2 semaphore(%run_scoped3A : memref<!tpu.dma_semaphore, #tpu.memory_space<semaphore_mem>>) src(%dma_wait3A_63 : memref<2000xf32, #tpu.memory_space<hbm>>) dst(%arg10 : memref<2000xf32, #tpu.memory_space<vmem>>)
        tpu.yield
      }) : () -> ()
      %scan3A_36 = arith.constant 0 : i32
      %scan3A_37 = arith.constant 0 : i32
      %scan3A_38 = arith.constant 250 : i32
      %scan3A_39 = arith.addi %scan3A_37, %scan3A_38 : i32
      %scan3A_40 = arith.constant 1 : i32
      %scan3A_41 = scf.for %scan3A_60 = %scan3A_37 to %scan3A_39 step %scan3A_40 iter_args(%scan3A_61 = %scan3A_36) -> (i32)  : i32 {
        %mul3A_62 = arith.constant 16 : i32
        %mul3A_63 = arith.muli %scan3A_60, %mul3A_62 : i32
        %add3A_64 = vector.broadcast %mul3A_63 : i32 to vector<16xi32>
        %add3A_65 = arith.addi %iota3A, %add3A_64 : vector<16xi32>
        %shift_right_arithmetic3A = arith.constant 1 : i32
        %shift_right_arithmetic3A_66 = vector.broadcast %shift_right_arithmetic3A : i32 to vector<16xi32>
        %shift_right_arithmetic3A_67 = arith.shrsi %add3A_65, %shift_right_arithmetic3A_66 : vector<16xi32>
        %gather3A = tpu.vector_load_idx %arg8[%shift_right_arithmetic3A_67] : memref<2000xi32, #tpu.memory_space<vmem>>[vector<16xi32>], vector<16xi32>,
        %mul3A_68 = arith.constant 2 : i32
        %mul3A_69 = vector.broadcast %mul3A_68 : i32 to vector<16xi32>
        %mul3A_70 = arith.muli %gather3A, %mul3A_69 : vector<16xi32>
        %and3A = arith.constant 1 : i32
        %and3A_71 = vector.broadcast %and3A : i32 to vector<16xi32>
        %and3A_72 = arith.andi %add3A_65, %and3A_71 : vector<16xi32>
        %add3A_73 = arith.addi %mul3A_70, %and3A_72 : vector<16xi32>
        %mul3A_74 = arith.constant 16 : i32
        %mul3A_75 = arith.muli %scan3A_60, %mul3A_74 : i32
        %swap3A = arith.index_cast %mul3A_75 : i32 to index
        %swap3A_76 = tpu.vector_load %arg12[%swap3A] {strides = array<i32>} : memref<4000xi32, #tpu.memory_space<vmem>>, vector<16xi32>,
        tpu.vector_store %arg12[%swap3A], %add3A_73 {strides = array<i32>} : memref<4000xi32, #tpu.memory_space<vmem>>, vector<16xi32>,
        %scan3A_77 = arith.constant 0 : i32
        scf.yield %scan3A_77 : i32
      }
      %scan3A_42 = arith.constant 250 : i32
      %dma_start3A = arith.constant 0 : i32
      %dma_start3A_43 = tpu.memref_slice %arg2[%dma_start3A] : memref<200000xf32, #tpu.memory_space<hbm>> -> memref<200000xf32, #tpu.memory_space<hbm>>
      tpu.enqueue_indirect_dma source(%dma_start3A_43 : memref<200000xf32, #tpu.memory_space<hbm>>) target(%arg11 : memref<4000xf32, #tpu.memory_space<vmem>>) offsets(%arg12 : memref<4000xi32, #tpu.memory_space<vmem>>) semaphore(%arg14 : memref<!tpu.dma_semaphore, #tpu.memory_space<semaphore_mem>>)
      %dma_wait3A = arith.constant 0 : i32
      %dma_wait3A_44 = tpu.memref_slice %arg2[%dma_wait3A] : memref<200000xf32, #tpu.memory_space<hbm>> -> memref<200000xf32, #tpu.memory_space<hbm>>
      tpu.wait_indirect_dma semaphore(%arg14 : memref<!tpu.dma_semaphore, #tpu.memory_space<semaphore_mem>>) src(%dma_wait3A_44 : memref<200000xf32, #tpu.memory_space<hbm>>) dst(%arg11 : memref<4000xf32, #tpu.memory_space<vmem>>)
      %scan3A_45 = arith.constant 0 : i32
      %scan3A_46 = arith.constant 0 : i32
      %scan3A_47 = arith.constant 250 : i32
      %scan3A_48 = arith.addi %scan3A_46, %scan3A_47 : i32
      %scan3A_49 = arith.constant 1 : i32
      %scan3A_50 = scf.for %scan3A_60 = %scan3A_46 to %scan3A_48 step %scan3A_49 iter_args(%scan3A_61 = %scan3A_45) -> (i32)  : i32 {
        %mul3A_62 = arith.constant 16 : i32
        %mul3A_63 = arith.muli %scan3A_60, %mul3A_62 : i32
        %add3A_64 = vector.broadcast %mul3A_63 : i32 to vector<16xi32>
        %add3A_65 = arith.addi %iota3A, %add3A_64 : vector<16xi32>
        %shift_right_arithmetic3A = arith.constant 1 : i32
        %shift_right_arithmetic3A_66 = vector.broadcast %shift_right_arithmetic3A : i32 to vector<16xi32>
        %shift_right_arithmetic3A_67 = arith.shrsi %add3A_65, %shift_right_arithmetic3A_66 : vector<16xi32>
        %gather3A = tpu.vector_load_idx %arg10[%shift_right_arithmetic3A_67] : memref<2000xf32, #tpu.memory_space<vmem>>[vector<16xi32>], vector<16xf32>,
        %mul3A_68 = arith.constant 16 : i32
        %mul3A_69 = arith.muli %scan3A_60, %mul3A_68 : i32
        %get3A = arith.index_cast %mul3A_69 : i32 to index
        %get3A_70 = tpu.vector_load %arg11[%get3A] {strides = array<i32>} : memref<4000xf32, #tpu.memory_space<vmem>>, vector<16xf32>,
        %mul3A_71 = arith.mulf %get3A_70, %gather3A : vector<16xf32>
        %mul3A_72 = arith.constant 16 : i32
        %mul3A_73 = arith.muli %scan3A_60, %mul3A_72 : i32
        %swap3A = arith.index_cast %mul3A_73 : i32 to index
        %swap3A_74 = tpu.vector_load %arg11[%swap3A] {strides = array<i32>} : memref<4000xf32, #tpu.memory_space<vmem>>, vector<16xf32>,
        tpu.vector_store %arg11[%swap3A], %mul3A_71 {strides = array<i32>} : memref<4000xf32, #tpu.memory_space<vmem>>, vector<16xf32>,
        %scan3A_75 = arith.constant 0 : i32
        scf.yield %scan3A_75 : i32
      }
      %scan3A_51 = arith.constant 250 : i32
      %scan3A_52 = arith.constant 0 : i32
      %scan3A_53 = arith.constant 0 : i32
      %scan3A_54 = arith.constant 250 : i32
      %scan3A_55 = arith.addi %scan3A_53, %scan3A_54 : i32
      %scan3A_56 = arith.constant 1 : i32
      %scan3A_57 = scf.for %scan3A_60 = %scan3A_53 to %scan3A_55 step %scan3A_56 iter_args(%scan3A_61 = %scan3A_52) -> (i32)  : i32 {
        %mul3A_62 = arith.constant 16 : i32
        %mul3A_63 = arith.muli %scan3A_60, %mul3A_62 : i32
        %add3A_64 = vector.broadcast %mul3A_63 : i32 to vector<16xi32>
        %add3A_65 = arith.addi %iota3A, %add3A_64 : vector<16xi32>
        %shift_right_arithmetic3A = arith.constant 1 : i32
        %shift_right_arithmetic3A_66 = vector.broadcast %shift_right_arithmetic3A : i32 to vector<16xi32>
        %shift_right_arithmetic3A_67 = arith.shrsi %add3A_65, %shift_right_arithmetic3A_66 : vector<16xi32>
        %gather3A = tpu.vector_load_idx %arg9[%shift_right_arithmetic3A_67] : memref<2000xi32, #tpu.memory_space<vmem>>[vector<16xi32>], vector<16xi32>,
        %mul3A_68 = arith.constant 2 : i32
        %mul3A_69 = vector.broadcast %mul3A_68 : i32 to vector<16xi32>
        %mul3A_70 = arith.muli %gather3A, %mul3A_69 : vector<16xi32>
        %and3A = arith.constant 1 : i32
        %and3A_71 = vector.broadcast %and3A : i32 to vector<16xi32>
        %and3A_72 = arith.andi %add3A_65, %and3A_71 : vector<16xi32>
        %add3A_73 = arith.addi %mul3A_70, %and3A_72 : vector<16xi32>
        %mul3A_74 = arith.constant 16 : i32
        %mul3A_75 = arith.muli %scan3A_60, %mul3A_74 : i32
        %swap3A = arith.index_cast %mul3A_75 : i32 to index
        %swap3A_76 = tpu.vector_load %arg12[%swap3A] {strides = array<i32>} : memref<4000xi32, #tpu.memory_space<vmem>>, vector<16xi32>,
        tpu.vector_store %arg12[%swap3A], %add3A_73 {strides = array<i32>} : memref<4000xi32, #tpu.memory_space<vmem>>, vector<16xi32>,
        %scan3A_77 = arith.constant 0 : i32
        scf.yield %scan3A_77 : i32
      }
      %scan3A_58 = arith.constant 250 : i32
      "tpu.region"() ({
        %run_scoped3A = tpu.sem_alloc : memref<!tpu.dma_semaphore, #tpu.memory_space<semaphore_mem>>
        %dma_start3A_60 = arith.constant 0 : i32
        %dma_start3A_61 = tpu.memref_slice %arg7[%dma_start3A_60] : memref<200192xf32, #tpu.memory_space<vmem_shared>> -> memref<200192xf32, #tpu.memory_space<vmem_shared>>
        tpu.enqueue_indirect_dma source(%arg11 : memref<4000xf32, #tpu.memory_space<vmem>>) target(%dma_start3A_61 : memref<200192xf32, #tpu.memory_space<vmem_shared>>) offsets(%arg12 : memref<4000xi32, #tpu.memory_space<vmem>>) semaphore(%run_scoped3A : memref<!tpu.dma_semaphore, #tpu.memory_space<semaphore_mem>>) {add = true}
        %dma_wait3A_62 = arith.constant 0 : i32
        %dma_wait3A_63 = tpu.memref_slice %arg7[%dma_wait3A_62] : memref<200192xf32, #tpu.memory_space<vmem_shared>> -> memref<200192xf32, #tpu.memory_space<vmem_shared>>
        tpu.wait_indirect_dma semaphore(%run_scoped3A : memref<!tpu.dma_semaphore, #tpu.memory_space<semaphore_mem>>) src(%arg11 : memref<4000xf32, #tpu.memory_space<vmem>>) dst(%dma_wait3A_63 : memref<200192xf32, #tpu.memory_space<vmem_shared>>)
        tpu.yield
      }) : () -> ()
      %scan3A_59 = arith.constant 0 : i32
      scf.yield %scan3A_59 : i32
    }
    %scan3A_20 = arith.constant 25 : i32
    %barrier3A_21 = arith.constant 0 : index
    tpu.barrier barrier_id(%barrier3A_21)
    %scan3A_22 = arith.constant 0 : i32
    %scan3A_23 = arith.constant 0 : i32
    %scan3A_24 = arith.constant 2 : i32
    %scan3A_25 = arith.addi %scan3A_23, %scan3A_24 : i32
    %scan3A_26 = arith.constant 1 : i32
    %scan3A_27 = scf.for %scan3A_29 = %scan3A_23 to %scan3A_25 step %scan3A_26 iter_args(%scan3A_30 = %scan3A_22) -> (i32)  : i32 {
      %mul3A_31 = arith.constant 6256 : i32
      %mul3A_32 = arith.muli %arg1, %mul3A_31 : i32
      %mul3A_33 = arith.constant 2 : i32
      %mul3A_34 = arith.muli %mul3A_32, %mul3A_33 : i32
      %mul3A_35 = arith.constant 6256 : i32
      %mul3A_36 = arith.muli %scan3A_29, %mul3A_35 : i32
      %add3A_37 = arith.addi %mul3A_34, %mul3A_36 : i32
      "tpu.region"() ({
        %run_scoped3A = tpu.sem_alloc : memref<!tpu.dma_semaphore, #tpu.memory_space<semaphore_mem>>
        %dma_start3A = tpu.memref_slice %arg7[%add3A_37] : memref<200192xf32, #tpu.memory_space<vmem_shared>> -> memref<6256xf32, #tpu.memory_space<vmem_shared>>
        %dma_start3A_51 = tpu.memref_slice %arg7[%add3A_37] : memref<200192xf32, #tpu.memory_space<vmem_shared>> -> memref<6256xf32, #tpu.memory_space<vmem_shared>>
        tpu.enqueue_dma source(%dma_start3A_51 : memref<6256xf32, #tpu.memory_space<vmem_shared>>) target(%arg13 : memref<6256xf32, #tpu.memory_space<vmem>>) target_semaphore(%run_scoped3A : memref<!tpu.dma_semaphore, #tpu.memory_space<semaphore_mem>>)
        %dma_wait3A = tpu.memref_slice %arg7[%add3A_37] : memref<200192xf32, #tpu.memory_space<vmem_shared>> -> memref<6256xf32, #tpu.memory_space<vmem_shared>>
        %dma_wait3A_52 = tpu.memref_slice %arg7[%add3A_37] : memref<200192xf32, #tpu.memory_space<vmem_shared>> -> memref<6256xf32, #tpu.memory_space<vmem_shared>>
        tpu.wait_dma2 semaphore(%run_scoped3A : memref<!tpu.dma_semaphore, #tpu.memory_space<semaphore_mem>>) src(%dma_wait3A_52 : memref<6256xf32, #tpu.memory_space<vmem_shared>>) dst(%arg13 : memref<6256xf32, #tpu.memory_space<vmem>>)
        tpu.yield
      }) : () -> ()
      %mul3A_38 = arith.constant 100096 : i32
      %mul3A_39 = arith.muli %arg0, %mul3A_38 : i32
      %mul3A_40 = arith.constant 2 : i32
      %mul3A_41 = arith.muli %mul3A_39, %mul3A_40 : i32
      %mul3A_42 = arith.constant 6256 : i32
      %mul3A_43 = arith.muli %arg1, %mul3A_42 : i32
      %mul3A_44 = arith.constant 2 : i32
      %mul3A_45 = arith.muli %mul3A_43, %mul3A_44 : i32
      %add3A_46 = arith.addi %mul3A_41, %mul3A_45 : i32
      %mul3A_47 = arith.constant 6256 : i32
      %mul3A_48 = arith.muli %scan3A_29, %mul3A_47 : i32
      %add3A_49 = arith.addi %add3A_46, %mul3A_48 : i32
      "tpu.region"() ({
        %run_scoped3A = tpu.sem_alloc : memref<!tpu.dma_semaphore, #tpu.memory_space<semaphore_mem>>
        %dma_start3A = tpu.memref_slice %arg6[%add3A_49] : memref<400384xf32, #tpu.memory_space<hbm>> -> memref<6256xf32, #tpu.memory_space<hbm>>
        %dma_start3A_51 = tpu.memref_slice %arg6[%add3A_49] : memref<400384xf32, #tpu.memory_space<hbm>> -> memref<6256xf32, #tpu.memory_space<hbm>>
        tpu.enqueue_dma source(%arg13 : memref<6256xf32, #tpu.memory_space<vmem>>) target(%dma_start3A_51 : memref<6256xf32, #tpu.memory_space<hbm>>) target_semaphore(%run_scoped3A : memref<!tpu.dma_semaphore, #tpu.memory_space<semaphore_mem>>)
        %dma_wait3A = tpu.memref_slice %arg6[%add3A_49] : memref<400384xf32, #tpu.memory_space<hbm>> -> memref<6256xf32, #tpu.memory_space<hbm>>
        %dma_wait3A_52 = tpu.memref_slice %arg6[%add3A_49] : memref<400384xf32, #tpu.memory_space<hbm>> -> memref<6256xf32, #tpu.memory_space<hbm>>
        tpu.wait_dma2 semaphore(%run_scoped3A : memref<!tpu.dma_semaphore, #tpu.memory_space<semaphore_mem>>) src(%arg13 : memref<6256xf32, #tpu.memory_space<vmem>>) dst(%dma_wait3A_52 : memref<6256xf32, #tpu.memory_space<hbm>>)
        tpu.yield
      }) : () -> ()
      %scan3A_50 = arith.constant 0 : i32
      scf.yield %scan3A_50 : i32
    }
    %scan3A_28 = arith.constant 2 : i32
    return
  }
}

#map = affine_map<(d0, d1) -> (0)>
module attributes {stable_mosaic.version = 14 : i64} {
  func.func @k(%arg0: i32, %arg1: i32, %arg2: memref<3200000xf32, #tpu.memory_space<hbm>>, %arg3: memref<1600000xi32, #tpu.memory_space<hbm>>, %arg4: memref<1600000xi32, #tpu.memory_space<hbm>>, %arg5: memref<3211264xf32, #tpu.memory_space<hbm>>, %arg6: memref<100384xf32, #tpu.memory_space<vmem>>, %arg7: memref<4000xi32, #tpu.memory_space<vmem>>, %arg8: memref<4000xi32, #tpu.memory_space<vmem>>, %arg9: memref<4032xi32, #tpu.memory_space<vmem>>, %arg10: memref<4032xi32, #tpu.memory_space<vmem>>, %arg11: memref<4096xi32, #tpu.memory_space<vmem>>, %arg12: memref<4112xf32, #tpu.memory_space<vmem>>, %arg13: memref<!tpu.dma_semaphore, #tpu.memory_space<semaphore_mem>>) attributes {dimension_semantics = [#tpu.dimension_semantics<core_parallel>, #tpu.dimension_semantics<subcore_parallel>], iteration_bounds = array<i64: 2, 16>, scalar_prefetch = 0 : i64, scratch_operands = 8 : i64, tpu.core_type = #tpu.core_type<sc_vector_subcore>, window_params = [{transform_indices = #map}, {transform_indices = #map}, {transform_indices = #map}, {transform_indices = #map}]} {
    %mul3A = arith.constant 16 : i32
    %mul3A_0 = arith.muli %arg0, %mul3A : i32
    %add3A = arith.addi %mul3A_0, %arg1 : i32
    %iota3A = tpu.iota {dimensions = array<i32: 0>} : vector<16xi32>
    %scan3A = arith.constant 0 : i32
    %scan3A_1 = arith.constant 0 : i32
    %scan3A_2 = arith.constant 6274 : i32
    %scan3A_3 = arith.addi %scan3A_1, %scan3A_2 : i32
    %scan3A_4 = arith.constant 1 : i32
    %scan3A_5 = scf.for %scan3A_23 = %scan3A_1 to %scan3A_3 step %scan3A_4 iter_args(%scan3A_24 = %scan3A) -> (i32)  : i32 {
      %broadcast_in_dim3A = arith.constant 0.000000e+00 : f32
      %broadcast_in_dim3A_25 = vector.broadcast %broadcast_in_dim3A : f32 to vector<16xf32>
      %mul3A_26 = arith.constant 16 : i32
      %mul3A_27 = arith.muli %scan3A_23, %mul3A_26 : i32
      %swap3A = arith.index_cast %mul3A_27 : i32 to index
      %swap3A_28 = tpu.vector_load %arg6[%swap3A] {strides = array<i32>} : memref<100384xf32, #tpu.memory_space<vmem>>, vector<16xf32>,
      tpu.vector_store %arg6[%swap3A], %broadcast_in_dim3A_25 {strides = array<i32>} : memref<100384xf32, #tpu.memory_space<vmem>>, vector<16xf32>,
      %scan3A_29 = arith.constant 0 : i32
      scf.yield %scan3A_29 : i32
    }
    %scan3A_6 = arith.constant 6274 : i32
    %scan3A_7 = arith.constant 0 : i32
    %scan3A_8 = arith.constant 0 : i32
    %scan3A_9 = arith.constant 252 : i32
    %scan3A_10 = arith.addi %scan3A_8, %scan3A_9 : i32
    %scan3A_11 = arith.constant 1 : i32
    %scan3A_12 = scf.for %scan3A_23 = %scan3A_8 to %scan3A_10 step %scan3A_11 iter_args(%scan3A_24 = %scan3A_7) -> (i32)  : i32 {
      %mul3A_25 = arith.constant 16 : i32
      %mul3A_26 = arith.muli %scan3A_23, %mul3A_25 : i32
      %add3A_27 = vector.broadcast %mul3A_26 : i32 to vector<16xi32>
      %add3A_28 = arith.addi %iota3A, %add3A_27 : vector<16xi32>
      %and3A = arith.constant 8191 : i32
      %and3A_29 = vector.broadcast %and3A : i32 to vector<16xi32>
      %and3A_30 = arith.andi %add3A_28, %and3A_29 : vector<16xi32>
      %mul3A_31 = arith.constant 16 : i32
      %mul3A_32 = arith.muli %scan3A_23, %mul3A_31 : i32
      %swap3A = arith.index_cast %mul3A_32 : i32 to index
      %swap3A_33 = tpu.vector_load %arg9[%swap3A] {strides = array<i32>} : memref<4032xi32, #tpu.memory_space<vmem>>, vector<16xi32>,
      tpu.vector_store %arg9[%swap3A], %and3A_30 {strides = array<i32>} : memref<4032xi32, #tpu.memory_space<vmem>>, vector<16xi32>,
      %scan3A_34 = arith.constant 0 : i32
      scf.yield %scan3A_34 : i32
    }
    %scan3A_13 = arith.constant 252 : i32
    %scan3A_14 = arith.constant 0 : i32
    %scan3A_15 = arith.constant 0 : i32
    %scan3A_16 = arith.constant 400 : i32
    %scan3A_17 = arith.addi %scan3A_15, %scan3A_16 : i32
    %scan3A_18 = arith.constant 1 : i32
    %scan3A_19 = scf.for %scan3A_23 = %scan3A_15 to %scan3A_17 step %scan3A_18 iter_args(%scan3A_24 = %scan3A_14) -> (i32)  : i32 {
      %mul3A_25 = arith.constant 4000 : i32
      %mul3A_26 = arith.muli %scan3A_23, %mul3A_25 : i32
      "tpu.region"() ({
        %run_scoped3A = tpu.sem_alloc : memref<!tpu.dma_semaphore, #tpu.memory_space<semaphore_mem>>
        %dma_start3A = tpu.memref_slice %arg3[%mul3A_26] : memref<1600000xi32, #tpu.memory_space<hbm>> -> memref<4000xi32, #tpu.memory_space<hbm>>
        %dma_start3A_36 = tpu.memref_slice %arg3[%mul3A_26] : memref<1600000xi32, #tpu.memory_space<hbm>> -> memref<4000xi32, #tpu.memory_space<hbm>>
        tpu.enqueue_dma source(%dma_start3A_36 : memref<4000xi32, #tpu.memory_space<hbm>>) target(%arg7 : memref<4000xi32, #tpu.memory_space<vmem>>) target_semaphore(%run_scoped3A : memref<!tpu.dma_semaphore, #tpu.memory_space<semaphore_mem>>)
        %dma_wait3A = tpu.memref_slice %arg3[%mul3A_26] : memref<1600000xi32, #tpu.memory_space<hbm>> -> memref<4000xi32, #tpu.memory_space<hbm>>
        %dma_wait3A_37 = tpu.memref_slice %arg3[%mul3A_26] : memref<1600000xi32, #tpu.memory_space<hbm>> -> memref<4000xi32, #tpu.memory_space<hbm>>
        tpu.wait_dma2 semaphore(%run_scoped3A : memref<!tpu.dma_semaphore, #tpu.memory_space<semaphore_mem>>) src(%dma_wait3A_37 : memref<4000xi32, #tpu.memory_space<hbm>>) dst(%arg7 : memref<4000xi32, #tpu.memory_space<vmem>>)
        tpu.yield
      }) : () -> ()
      "tpu.region"() ({
        %run_scoped3A = tpu.sem_alloc : memref<!tpu.dma_semaphore, #tpu.memory_space<semaphore_mem>>
        %dma_start3A = tpu.memref_slice %arg4[%mul3A_26] : memref<1600000xi32, #tpu.memory_space<hbm>> -> memref<4000xi32, #tpu.memory_space<hbm>>
        %dma_start3A_36 = tpu.memref_slice %arg4[%mul3A_26] : memref<1600000xi32, #tpu.memory_space<hbm>> -> memref<4000xi32, #tpu.memory_space<hbm>>
        tpu.enqueue_dma source(%dma_start3A_36 : memref<4000xi32, #tpu.memory_space<hbm>>) target(%arg8 : memref<4000xi32, #tpu.memory_space<vmem>>) target_semaphore(%run_scoped3A : memref<!tpu.dma_semaphore, #tpu.memory_space<semaphore_mem>>)
        %dma_wait3A = tpu.memref_slice %arg4[%mul3A_26] : memref<1600000xi32, #tpu.memory_space<hbm>> -> memref<4000xi32, #tpu.memory_space<hbm>>
        %dma_wait3A_37 = tpu.memref_slice %arg4[%mul3A_26] : memref<1600000xi32, #tpu.memory_space<hbm>> -> memref<4000xi32, #tpu.memory_space<hbm>>
        tpu.wait_dma2 semaphore(%run_scoped3A : memref<!tpu.dma_semaphore, #tpu.memory_space<semaphore_mem>>) src(%dma_wait3A_37 : memref<4000xi32, #tpu.memory_space<hbm>>) dst(%arg8 : memref<4000xi32, #tpu.memory_space<vmem>>)
        tpu.yield
      }) : () -> ()
      %broadcast_in_dim3A = arith.constant 0 : i32
      %broadcast_in_dim3A_27 = vector.broadcast %broadcast_in_dim3A : i32 to vector<16xi32>
      %scan3A_28 = arith.constant 0 : i32
      %scan3A_29 = arith.constant 250 : i32
      %scan3A_30 = arith.addi %scan3A_28, %scan3A_29 : i32
      %scan3A_31 = arith.constant 1 : i32
      %scan3A_32 = scf.for %scan3A_36 = %scan3A_28 to %scan3A_30 step %scan3A_31 iter_args(%scan3A_37 = %broadcast_in_dim3A_27) -> (vector<16xi32>)  : i32 {
        %mul3A_38 = arith.constant 16 : i32
        %mul3A_39 = arith.muli %scan3A_36, %mul3A_38 : i32
        %get3A = arith.index_cast %mul3A_39 : i32 to index
        %get3A_40 = tpu.vector_load %arg8[%get3A] {strides = array<i32>} : memref<4000xi32, #tpu.memory_space<vmem>>, vector<16xi32>,
        %mul3A_41 = arith.constant 16 : i32
        %mul3A_42 = arith.muli %scan3A_36, %mul3A_41 : i32
        %get3A_43 = arith.index_cast %mul3A_42 : i32 to index
        %get3A_44 = tpu.vector_load %arg7[%get3A_43] {strides = array<i32>} : memref<4000xi32, #tpu.memory_space<vmem>>, vector<16xi32>,
        %and3A = arith.constant 31 : i32
        %and3A_45 = vector.broadcast %and3A : i32 to vector<16xi32>
        %and3A_46 = arith.andi %get3A_40, %and3A_45 : vector<16xi32>
        %eq3A = vector.broadcast %add3A : i32 to vector<16xi32>
        %eq3A_47 = arith.cmpi eq, %and3A_46, %eq3A : vector<16xi32>
        %jit3A = arith.constant 1 : i32
        %jit3A_48 = arith.constant 0 : i32
        %broadcast_in_dim3A_49 = vector.broadcast %jit3A : i32 to vector<16xi32>
        %broadcast_in_dim3A_50 = vector.broadcast %jit3A_48 : i32 to vector<16xi32>
        %select_n3A = arith.select %eq3A_47, %broadcast_in_dim3A_49, %broadcast_in_dim3A_50 : vector<16xi1>, vector<16xi32>
        %broadcast_in_dim3A_51 = arith.constant true
        %broadcast_in_dim3A_52 = vector.broadcast %broadcast_in_dim3A_51 : i1 to vector<16xi1>
        %masked_cumsum3A = tpu.scan <sum>, %select_n3A masked %broadcast_in_dim3A_52 : vector<16xi32>, vector<16xi1> -> vector<16xi32>
        %add3A_53 = arith.addi %scan3A_37, %masked_cumsum3A : vector<16xi32>
        %sub3A = arith.constant 1 : i32
        %sub3A_54 = vector.broadcast %sub3A : i32 to vector<16xi32>
        %sub3A_55 = arith.subi %add3A_53, %sub3A_54 : vector<16xi32>
        tpu.vector_store_idx %arg9[%sub3A_55], %get3A_44 masked %eq3A_47 : memref<4032xi32, #tpu.memory_space<vmem>>[vector<16xi32>], vector<16xi32>, vector<16xi1>
        %shift_right_arithmetic3A = arith.constant 5 : i32
        %shift_right_arithmetic3A_56 = vector.broadcast %shift_right_arithmetic3A : i32 to vector<16xi32>
        %shift_right_arithmetic3A_57 = arith.shrsi %get3A_40, %shift_right_arithmetic3A_56 : vector<16xi32>
        tpu.vector_store_idx %arg10[%sub3A_55], %shift_right_arithmetic3A_57 masked %eq3A_47 : memref<4032xi32, #tpu.memory_space<vmem>>[vector<16xi32>], vector<16xi32>, vector<16xi1>
        %all_reduce_population_count3A = tpu.all_reduce %eq3A_47 {dim = 0 : i64, kind = #tpu.reduction_kind<sum>} : vector<16xi1> -> vector<16xi32>
        %add3A_58 = arith.addi %scan3A_37, %all_reduce_population_count3A : vector<16xi32>
        scf.yield %add3A_58 : vector<16xi32>
      }
      %scan3A_33 = arith.constant 250 : i32
      %slice3A = vector.extract_strided_slice %scan3A_32 {offsets = [0], sizes = [1], strides = [1]} : vector<16xi32> to vector<1xi32>
      %squeeze3A = vector.extract %slice3A[0] : i32 from vector<1xi32>
      %while3A = arith.constant 0 : i32
      %while3A_34 = scf.while (%while3A_36 = %while3A) : (i32) -> i32 {
        %lt3A = arith.cmpi slt, %while3A_36, %squeeze3A : i32
        scf.condition(%lt3A) %while3A_36 : i32
      } do {
      ^bb0(%while3A_36: i32):
        %scan3A_37 = arith.constant 0 : i32
        %scan3A_38 = arith.constant 0 : i32
        %scan3A_39 = arith.constant 256 : i32
        %scan3A_40 = arith.addi %scan3A_38, %scan3A_39 : i32
        %scan3A_41 = arith.constant 1 : i32
        %scan3A_42 = scf.for %scan3A_65 = %scan3A_38 to %scan3A_40 step %scan3A_41 iter_args(%scan3A_66 = %scan3A_37) -> (i32)  : i32 {
          %mul3A_67 = arith.constant 16 : i32
          %mul3A_68 = arith.muli %scan3A_65, %mul3A_67 : i32
          %add3A_69 = vector.broadcast %mul3A_68 : i32 to vector<16xi32>
          %add3A_70 = arith.addi %iota3A, %add3A_69 : vector<16xi32>
          %shift_right_arithmetic3A = arith.constant 5 : i32
          %shift_right_arithmetic3A_71 = vector.broadcast %shift_right_arithmetic3A : i32 to vector<16xi32>
          %shift_right_arithmetic3A_72 = arith.shrsi %add3A_70, %shift_right_arithmetic3A_71 : vector<16xi32>
          %add3A_73 = vector.broadcast %while3A_36 : i32 to vector<16xi32>
          %add3A_74 = arith.addi %add3A_73, %shift_right_arithmetic3A_72 : vector<16xi32>
          %sub3A_75 = arith.constant 1 : i32
          %sub3A_76 = arith.subi %squeeze3A, %sub3A_75 : i32
          %min3A_77 = vector.broadcast %sub3A_76 : i32 to vector<16xi32>
          %min3A_78 = arith.minsi %add3A_74, %min3A_77 : vector<16xi32>
          %gather3A = tpu.vector_load_idx %arg9[%min3A_78] : memref<4032xi32, #tpu.memory_space<vmem>>[vector<16xi32>], vector<16xi32>,
          %mul3A_79 = arith.constant 32 : i32
          %mul3A_80 = vector.broadcast %mul3A_79 : i32 to vector<16xi32>
          %mul3A_81 = arith.muli %gather3A, %mul3A_80 : vector<16xi32>
          %and3A = arith.constant 31 : i32
          %and3A_82 = vector.broadcast %and3A : i32 to vector<16xi32>
          %and3A_83 = arith.andi %add3A_70, %and3A_82 : vector<16xi32>
          %add3A_84 = arith.addi %mul3A_81, %and3A_83 : vector<16xi32>
          %mul3A_85 = arith.constant 16 : i32
          %mul3A_86 = arith.muli %scan3A_65, %mul3A_85 : i32
          %swap3A = arith.index_cast %mul3A_86 : i32 to index
          %swap3A_87 = tpu.vector_load %arg11[%swap3A] {strides = array<i32>} : memref<4096xi32, #tpu.memory_space<vmem>>, vector<16xi32>,
          tpu.vector_store %arg11[%swap3A], %add3A_84 {strides = array<i32>} : memref<4096xi32, #tpu.memory_space<vmem>>, vector<16xi32>,
          %scan3A_88 = arith.constant 0 : i32
          scf.yield %scan3A_88 : i32
        }
        %scan3A_43 = arith.constant 256 : i32
        %dma_start3A = arith.constant 0 : i32
        %dma_start3A_44 = tpu.memref_slice %arg12[%dma_start3A] : memref<4112xf32, #tpu.memory_space<vmem>> -> memref<4096xf32, #tpu.memory_space<vmem>>
        %dma_start3A_45 = arith.constant 0 : i32
        %dma_start3A_46 = tpu.memref_slice %arg2[%dma_start3A_45] : memref<3200000xf32, #tpu.memory_space<hbm>> -> memref<3200000xf32, #tpu.memory_space<hbm>>
        tpu.enqueue_indirect_dma source(%dma_start3A_46 : memref<3200000xf32, #tpu.memory_space<hbm>>) target(%dma_start3A_44 : memref<4096xf32, #tpu.memory_space<vmem>>) offsets(%arg11 : memref<4096xi32, #tpu.memory_space<vmem>>) semaphore(%arg13 : memref<!tpu.dma_semaphore, #tpu.memory_space<semaphore_mem>>)
        %dma_wait3A = arith.constant 0 : i32
        %dma_wait3A_47 = tpu.memref_slice %arg12[%dma_wait3A] : memref<4112xf32, #tpu.memory_space<vmem>> -> memref<4096xf32, #tpu.memory_space<vmem>>
        %dma_wait3A_48 = arith.constant 0 : i32
        %dma_wait3A_49 = tpu.memref_slice %arg2[%dma_wait3A_48] : memref<3200000xf32, #tpu.memory_space<hbm>> -> memref<3200000xf32, #tpu.memory_space<hbm>>
        tpu.wait_indirect_dma semaphore(%arg13 : memref<!tpu.dma_semaphore, #tpu.memory_space<semaphore_mem>>) src(%dma_wait3A_49 : memref<3200000xf32, #tpu.memory_space<hbm>>) dst(%dma_wait3A_47 : memref<4096xf32, #tpu.memory_space<vmem>>)
        %sub3A = arith.subi %squeeze3A, %while3A_36 : i32
        %min3A = arith.constant 128 : i32
        %min3A_50 = arith.minsi %min3A, %sub3A : i32
        %while3A_51 = arith.constant 0 : i32
        %while3A_52 = arith.constant 0 : i32
        %while3A_53 = arith.subi %min3A_50, %while3A_51 : i32
        %while3A_54 = arith.addi %while3A_51, %while3A_53 : i32
        %while3A_55 = arith.constant 1 : i32
        %while3A_56 = arith.divsi %while3A_53, %while3A_55 : i32
        %while3A_57 = arith.muli %while3A_56, %while3A_55 : i32
        %while3A_58 = arith.addi %while3A_51, %while3A_57 : i32
        %while3A_59 = arith.constant 1 : i32
        %while3A_60 = scf.for %while3A_65 = %while3A_51 to %while3A_58 step %while3A_59 iter_args(%while3A_66 = %while3A_52) -> (i32)  : i32 {
          %add3A_67 = arith.addi %while3A_36, %while3A_65 : i32
          %broadcast_in_dim3A_68 = vector.broadcast %add3A_67 : i32 to vector<16xi32>
          %gather3A = tpu.vector_load_idx %arg10[%broadcast_in_dim3A_68] : memref<4032xi32, #tpu.memory_space<vmem>>[vector<16xi32>], vector<16xi32>,
          %slice3A_69 = vector.extract_strided_slice %gather3A {offsets = [0], sizes = [1], strides = [1]} : vector<16xi32> to vector<1xi32>
          %squeeze3A_70 = vector.extract %slice3A_69[0] : i32 from vector<1xi32>
          %mul3A_71 = arith.constant 32 : i32
          %mul3A_72 = arith.muli %while3A_65, %mul3A_71 : i32
          %get3A = arith.index_cast %mul3A_72 : i32 to index
          %get3A_73 = tpu.vector_load %arg12[%get3A] {strides = array<i32>} : memref<4112xf32, #tpu.memory_space<vmem>>, vector<16xf32>,
          %mul3A_74 = arith.constant 32 : i32
          %mul3A_75 = arith.muli %squeeze3A_70, %mul3A_74 : i32
          %get3A_76 = arith.index_cast %mul3A_75 : i32 to index
          %get3A_77 = tpu.vector_load %arg6[%get3A_76] {strides = array<i32>} : memref<100384xf32, #tpu.memory_space<vmem>>, vector<16xf32>,
          %max3A = arith.maximumf %get3A_77, %get3A_73 : vector<16xf32>
          %mul3A_78 = arith.constant 32 : i32
          %mul3A_79 = arith.muli %squeeze3A_70, %mul3A_78 : i32
          %swap3A = arith.index_cast %mul3A_79 : i32 to index
          %swap3A_80 = tpu.vector_load %arg6[%swap3A] {strides = array<i32>} : memref<100384xf32, #tpu.memory_space<vmem>>, vector<16xf32>,
          tpu.vector_store %arg6[%swap3A], %max3A {strides = array<i32>} : memref<100384xf32, #tpu.memory_space<vmem>>, vector<16xf32>,
          %mul3A_81 = arith.constant 32 : i32
          %mul3A_82 = arith.muli %while3A_65, %mul3A_81 : i32
          %add3A_83 = arith.constant 16 : i32
          %add3A_84 = arith.addi %mul3A_82, %add3A_83 : i32
          %get3A_85 = arith.index_cast %add3A_84 : i32 to index
          %get3A_86 = tpu.vector_load %arg12[%get3A_85] {strides = array<i32>} : memref<4112xf32, #tpu.memory_space<vmem>>, vector<16xf32>,
          %mul3A_87 = arith.constant 32 : i32
          %mul3A_88 = arith.muli %squeeze3A_70, %mul3A_87 : i32
          %add3A_89 = arith.constant 16 : i32
          %add3A_90 = arith.addi %mul3A_88, %add3A_89 : i32
          %get3A_91 = arith.index_cast %add3A_90 : i32 to index
          %get3A_92 = tpu.vector_load %arg6[%get3A_91] {strides = array<i32>} : memref<100384xf32, #tpu.memory_space<vmem>>, vector<16xf32>,
          %max3A_93 = arith.maximumf %get3A_92, %get3A_86 : vector<16xf32>
          %mul3A_94 = arith.constant 32 : i32
          %mul3A_95 = arith.muli %squeeze3A_70, %mul3A_94 : i32
          %add3A_96 = arith.constant 16 : i32
          %add3A_97 = arith.addi %mul3A_95, %add3A_96 : i32
          %swap3A_98 = arith.index_cast %add3A_97 : i32 to index
          %swap3A_99 = tpu.vector_load %arg6[%swap3A_98] {strides = array<i32>} : memref<100384xf32, #tpu.memory_space<vmem>>, vector<16xf32>,
          tpu.vector_store %arg6[%swap3A_98], %max3A_93 {strides = array<i32>} : memref<100384xf32, #tpu.memory_space<vmem>>, vector<16xf32>,
          %while3A_100 = arith.constant 0 : i32
          scf.yield %while3A_100 : i32
        }
        %while3A_61 = arith.constant 1 : i32
        %while3A_62 = scf.for %while3A_65 = %while3A_58 to %while3A_54 step %while3A_61 iter_args(%while3A_66 = %while3A_60) -> (i32)  : i32 {
          %add3A_67 = arith.addi %while3A_36, %while3A_65 : i32
          %broadcast_in_dim3A_68 = vector.broadcast %add3A_67 : i32 to vector<16xi32>
          %gather3A = tpu.vector_load_idx %arg10[%broadcast_in_dim3A_68] : memref<4032xi32, #tpu.memory_space<vmem>>[vector<16xi32>], vector<16xi32>,
          %slice3A_69 = vector.extract_strided_slice %gather3A {offsets = [0], sizes = [1], strides = [1]} : vector<16xi32> to vector<1xi32>
          %squeeze3A_70 = vector.extract %slice3A_69[0] : i32 from vector<1xi32>
          %mul3A_71 = arith.constant 32 : i32
          %mul3A_72 = arith.muli %while3A_65, %mul3A_71 : i32
          %get3A = arith.index_cast %mul3A_72 : i32 to index
          %get3A_73 = tpu.vector_load %arg12[%get3A] {strides = array<i32>} : memref<4112xf32, #tpu.memory_space<vmem>>, vector<16xf32>,
          %mul3A_74 = arith.constant 32 : i32
          %mul3A_75 = arith.muli %squeeze3A_70, %mul3A_74 : i32
          %get3A_76 = arith.index_cast %mul3A_75 : i32 to index
          %get3A_77 = tpu.vector_load %arg6[%get3A_76] {strides = array<i32>} : memref<100384xf32, #tpu.memory_space<vmem>>, vector<16xf32>,
          %max3A = arith.maximumf %get3A_77, %get3A_73 : vector<16xf32>
          %mul3A_78 = arith.constant 32 : i32
          %mul3A_79 = arith.muli %squeeze3A_70, %mul3A_78 : i32
          %swap3A = arith.index_cast %mul3A_79 : i32 to index
          %swap3A_80 = tpu.vector_load %arg6[%swap3A] {strides = array<i32>} : memref<100384xf32, #tpu.memory_space<vmem>>, vector<16xf32>,
          tpu.vector_store %arg6[%swap3A], %max3A {strides = array<i32>} : memref<100384xf32, #tpu.memory_space<vmem>>, vector<16xf32>,
          %mul3A_81 = arith.constant 32 : i32
          %mul3A_82 = arith.muli %while3A_65, %mul3A_81 : i32
          %add3A_83 = arith.constant 16 : i32
          %add3A_84 = arith.addi %mul3A_82, %add3A_83 : i32
          %get3A_85 = arith.index_cast %add3A_84 : i32 to index
          %get3A_86 = tpu.vector_load %arg12[%get3A_85] {strides = array<i32>} : memref<4112xf32, #tpu.memory_space<vmem>>, vector<16xf32>,
          %mul3A_87 = arith.constant 32 : i32
          %mul3A_88 = arith.muli %squeeze3A_70, %mul3A_87 : i32
          %add3A_89 = arith.constant 16 : i32
          %add3A_90 = arith.addi %mul3A_88, %add3A_89 : i32
          %get3A_91 = arith.index_cast %add3A_90 : i32 to index
          %get3A_92 = tpu.vector_load %arg6[%get3A_91] {strides = array<i32>} : memref<100384xf32, #tpu.memory_space<vmem>>, vector<16xf32>,
          %max3A_93 = arith.maximumf %get3A_92, %get3A_86 : vector<16xf32>
          %mul3A_94 = arith.constant 32 : i32
          %mul3A_95 = arith.muli %squeeze3A_70, %mul3A_94 : i32
          %add3A_96 = arith.constant 16 : i32
          %add3A_97 = arith.addi %mul3A_95, %add3A_96 : i32
          %swap3A_98 = arith.index_cast %add3A_97 : i32 to index
          %swap3A_99 = tpu.vector_load %arg6[%swap3A_98] {strides = array<i32>} : memref<100384xf32, #tpu.memory_space<vmem>>, vector<16xf32>,
          tpu.vector_store %arg6[%swap3A_98], %max3A_93 {strides = array<i32>} : memref<100384xf32, #tpu.memory_space<vmem>>, vector<16xf32>,
          %while3A_100 = arith.constant 0 : i32
          scf.yield %while3A_100 : i32
        }
        %add3A_63 = arith.constant 128 : i32
        %add3A_64 = arith.addi %while3A_36, %add3A_63 : i32
        scf.yield %add3A_64 : i32
      }
      %scan3A_35 = arith.constant 0 : i32
      scf.yield %scan3A_35 : i32
    }
    %scan3A_20 = arith.constant 400 : i32
    %mul3A_21 = arith.constant 100352 : i32
    %mul3A_22 = arith.muli %add3A, %mul3A_21 : i32
    "tpu.region"() ({
      %run_scoped3A = tpu.sem_alloc : memref<!tpu.dma_semaphore, #tpu.memory_space<semaphore_mem>>
      %dma_start3A = arith.constant 0 : i32
      %dma_start3A_23 = tpu.memref_slice %arg6[%dma_start3A] : memref<100384xf32, #tpu.memory_space<vmem>> -> memref<100352xf32, #tpu.memory_space<vmem>>
      %dma_start3A_24 = tpu.memref_slice %arg5[%mul3A_22] : memref<3211264xf32, #tpu.memory_space<hbm>> -> memref<100352xf32, #tpu.memory_space<hbm>>
      %dma_start3A_25 = tpu.memref_slice %arg5[%mul3A_22] : memref<3211264xf32, #tpu.memory_space<hbm>> -> memref<100352xf32, #tpu.memory_space<hbm>>
      %dma_start3A_26 = arith.constant 0 : i32
      %dma_start3A_27 = tpu.memref_slice %arg6[%dma_start3A_26] : memref<100384xf32, #tpu.memory_space<vmem>> -> memref<100352xf32, #tpu.memory_space<vmem>>
      tpu.enqueue_dma source(%dma_start3A_27 : memref<100352xf32, #tpu.memory_space<vmem>>) target(%dma_start3A_25 : memref<100352xf32, #tpu.memory_space<hbm>>) target_semaphore(%run_scoped3A : memref<!tpu.dma_semaphore, #tpu.memory_space<semaphore_mem>>)
      %dma_wait3A = arith.constant 0 : i32
      %dma_wait3A_28 = tpu.memref_slice %arg6[%dma_wait3A] : memref<100384xf32, #tpu.memory_space<vmem>> -> memref<100352xf32, #tpu.memory_space<vmem>>
      %dma_wait3A_29 = tpu.memref_slice %arg5[%mul3A_22] : memref<3211264xf32, #tpu.memory_space<hbm>> -> memref<100352xf32, #tpu.memory_space<hbm>>
      %dma_wait3A_30 = tpu.memref_slice %arg5[%mul3A_22] : memref<3211264xf32, #tpu.memory_space<hbm>> -> memref<100352xf32, #tpu.memory_space<hbm>>
      %dma_wait3A_31 = arith.constant 0 : i32
      %dma_wait3A_32 = tpu.memref_slice %arg6[%dma_wait3A_31] : memref<100384xf32, #tpu.memory_space<vmem>> -> memref<100352xf32, #tpu.memory_space<vmem>>
      tpu.wait_dma2 semaphore(%run_scoped3A : memref<!tpu.dma_semaphore, #tpu.memory_space<semaphore_mem>>) src(%dma_wait3A_32 : memref<100352xf32, #tpu.memory_space<vmem>>) dst(%dma_wait3A_30 : memref<100352xf32, #tpu.memory_space<hbm>>)
      tpu.yield
    }) : () -> ()
    return
  }
}

#map = affine_map<(d0, d1) -> (0)>
module attributes {stable_mosaic.version = 14 : i64} {
  func.func @k(%arg0: i32, %arg1: i32, %arg2: memref<1600000xf32, #tpu.memory_space<hbm>>, %arg3: memref<1600000xi32, #tpu.memory_space<hbm>>, %arg4: memref<1600000xi32, #tpu.memory_space<hbm>>, %arg5: memref<1600000xf32, #tpu.memory_space<hbm>>, %arg6: memref<3203072xf32, #tpu.memory_space<hbm>>, %arg7: memref<1601536xf32, #tpu.memory_space<vmem_shared>>, %arg8: memref<400xi32, #tpu.memory_space<vmem>>, %arg9: memref<400xi32, #tpu.memory_space<vmem>>, %arg10: memref<400xf32, #tpu.memory_space<vmem>>, %arg11: memref<6400xf32, #tpu.memory_space<vmem>>, %arg12: memref<6400xi32, #tpu.memory_space<vmem>>, %arg13: memref<6256xf32, #tpu.memory_space<vmem>>, %arg14: memref<!tpu.dma_semaphore, #tpu.memory_space<semaphore_mem>>) attributes {dimension_semantics = [#tpu.dimension_semantics<core_parallel>, #tpu.dimension_semantics<subcore_parallel>], iteration_bounds = array<i64: 2, 16>, scalar_prefetch = 0 : i64, scratch_operands = 8 : i64, tpu.core_type = #tpu.core_type<sc_vector_subcore>, window_params = [{transform_indices = #map}, {transform_indices = #map}, {transform_indices = #map}, {transform_indices = #map}, {transform_indices = #map}]} {
    %mul3A = arith.constant 16 : i32
    %mul3A_0 = arith.muli %arg0, %mul3A : i32
    %add3A = arith.addi %mul3A_0, %arg1 : i32
    %iota3A = tpu.iota {dimensions = array<i32: 0>} : vector<16xi32>
    %scan3A = arith.constant 0 : i32
    %scan3A_1 = arith.constant 0 : i32
    %scan3A_2 = arith.constant 391 : i32
    %scan3A_3 = arith.addi %scan3A_1, %scan3A_2 : i32
    %scan3A_4 = arith.constant 1 : i32
    %scan3A_5 = scf.for %scan3A_29 = %scan3A_1 to %scan3A_3 step %scan3A_4 iter_args(%scan3A_30 = %scan3A) -> (i32)  : i32 {
      %broadcast_in_dim3A = arith.constant 0.000000e+00 : f32
      %broadcast_in_dim3A_31 = vector.broadcast %broadcast_in_dim3A : f32 to vector<16xf32>
      %mul3A_32 = arith.constant 16 : i32
      %mul3A_33 = arith.muli %scan3A_29, %mul3A_32 : i32
      %swap3A = arith.index_cast %mul3A_33 : i32 to index
      %swap3A_34 = tpu.vector_load %arg13[%swap3A] {strides = array<i32>} : memref<6256xf32, #tpu.memory_space<vmem>>, vector<16xf32>,
      tpu.vector_store %arg13[%swap3A], %broadcast_in_dim3A_31 {strides = array<i32>} : memref<6256xf32, #tpu.memory_space<vmem>>, vector<16xf32>,
      %scan3A_35 = arith.constant 0 : i32
      scf.yield %scan3A_35 : i32
    }
    %scan3A_6 = arith.constant 391 : i32
    %scan3A_7 = arith.constant 0 : i32
    %scan3A_8 = arith.constant 0 : i32
    %scan3A_9 = arith.constant 16 : i32
    %scan3A_10 = arith.addi %scan3A_8, %scan3A_9 : i32
    %scan3A_11 = arith.constant 1 : i32
    %scan3A_12 = scf.for %scan3A_29 = %scan3A_8 to %scan3A_10 step %scan3A_11 iter_args(%scan3A_30 = %scan3A_7) -> (i32)  : i32 {
      %mul3A_31 = arith.constant 6256 : i32
      %mul3A_32 = arith.muli %arg1, %mul3A_31 : i32
      %mul3A_33 = arith.constant 16 : i32
      %mul3A_34 = arith.muli %mul3A_32, %mul3A_33 : i32
      %mul3A_35 = arith.constant 6256 : i32
      %mul3A_36 = arith.muli %scan3A_29, %mul3A_35 : i32
      %add3A_37 = arith.addi %mul3A_34, %mul3A_36 : i32
      "tpu.region"() ({
        %run_scoped3A = tpu.sem_alloc : memref<!tpu.dma_semaphore, #tpu.memory_space<semaphore_mem>>
        %dma_start3A = tpu.memref_slice %arg7[%add3A_37] : memref<1601536xf32, #tpu.memory_space<vmem_shared>> -> memref<6256xf32, #tpu.memory_space<vmem_shared>>
        %dma_start3A_39 = tpu.memref_slice %arg7[%add3A_37] : memref<1601536xf32, #tpu.memory_space<vmem_shared>> -> memref<6256xf32, #tpu.memory_space<vmem_shared>>
        tpu.enqueue_dma source(%arg13 : memref<6256xf32, #tpu.memory_space<vmem>>) target(%dma_start3A_39 : memref<6256xf32, #tpu.memory_space<vmem_shared>>) target_semaphore(%run_scoped3A : memref<!tpu.dma_semaphore, #tpu.memory_space<semaphore_mem>>)
        %dma_wait3A = tpu.memref_slice %arg7[%add3A_37] : memref<1601536xf32, #tpu.memory_space<vmem_shared>> -> memref<6256xf32, #tpu.memory_space<vmem_shared>>
        %dma_wait3A_40 = tpu.memref_slice %arg7[%add3A_37] : memref<1601536xf32, #tpu.memory_space<vmem_shared>> -> memref<6256xf32, #tpu.memory_space<vmem_shared>>
        tpu.wait_dma2 semaphore(%run_scoped3A : memref<!tpu.dma_semaphore, #tpu.memory_space<semaphore_mem>>) src(%arg13 : memref<6256xf32, #tpu.memory_space<vmem>>) dst(%dma_wait3A_40 : memref<6256xf32, #tpu.memory_space<vmem_shared>>)
        tpu.yield
      }) : () -> ()
      %scan3A_38 = arith.constant 0 : i32
      scf.yield %scan3A_38 : i32
    }
    %scan3A_13 = arith.constant 16 : i32
    %barrier3A = arith.constant 0 : index
    tpu.barrier barrier_id(%barrier3A)
    %scan3A_14 = arith.constant 0 : i32
    %scan3A_15 = arith.constant 0 : i32
    %scan3A_16 = arith.constant 125 : i32
    %scan3A_17 = arith.addi %scan3A_15, %scan3A_16 : i32
    %scan3A_18 = arith.constant 1 : i32
    %scan3A_19 = scf.for %scan3A_29 = %scan3A_15 to %scan3A_17 step %scan3A_18 iter_args(%scan3A_30 = %scan3A_14) -> (i32)  : i32 {
      %mul3A_31 = arith.constant 50000 : i32
      %mul3A_32 = arith.muli %add3A, %mul3A_31 : i32
      %mul3A_33 = arith.constant 400 : i32
      %mul3A_34 = arith.muli %scan3A_29, %mul3A_33 : i32
      %add3A_35 = arith.addi %mul3A_32, %mul3A_34 : i32
      "tpu.region"() ({
        %run_scoped3A = tpu.sem_alloc : memref<!tpu.dma_semaphore, #tpu.memory_space<semaphore_mem>>
        %dma_start3A_60 = tpu.memref_slice %arg3[%add3A_35] : memref<1600000xi32, #tpu.memory_space<hbm>> -> memref<400xi32, #tpu.memory_space<hbm>>
        %dma_start3A_61 = tpu.memref_slice %arg3[%add3A_35] : memref<1600000xi32, #tpu.memory_space<hbm>> -> memref<400xi32, #tpu.memory_space<hbm>>
        tpu.enqueue_dma source(%dma_start3A_61 : memref<400xi32, #tpu.memory_space<hbm>>) target(%arg8 : memref<400xi32, #tpu.memory_space<vmem>>) target_semaphore(%run_scoped3A : memref<!tpu.dma_semaphore, #tpu.memory_space<semaphore_mem>>)
        %dma_wait3A_62 = tpu.memref_slice %arg3[%add3A_35] : memref<1600000xi32, #tpu.memory_space<hbm>> -> memref<400xi32, #tpu.memory_space<hbm>>
        %dma_wait3A_63 = tpu.memref_slice %arg3[%add3A_35] : memref<1600000xi32, #tpu.memory_space<hbm>> -> memref<400xi32, #tpu.memory_space<hbm>>
        tpu.wait_dma2 semaphore(%run_scoped3A : memref<!tpu.dma_semaphore, #tpu.memory_space<semaphore_mem>>) src(%dma_wait3A_63 : memref<400xi32, #tpu.memory_space<hbm>>) dst(%arg8 : memref<400xi32, #tpu.memory_space<vmem>>)
        tpu.yield
      }) : () -> ()
      "tpu.region"() ({
        %run_scoped3A = tpu.sem_alloc : memref<!tpu.dma_semaphore, #tpu.memory_space<semaphore_mem>>
        %dma_start3A_60 = tpu.memref_slice %arg4[%add3A_35] : memref<1600000xi32, #tpu.memory_space<hbm>> -> memref<400xi32, #tpu.memory_space<hbm>>
        %dma_start3A_61 = tpu.memref_slice %arg4[%add3A_35] : memref<1600000xi32, #tpu.memory_space<hbm>> -> memref<400xi32, #tpu.memory_space<hbm>>
        tpu.enqueue_dma source(%dma_start3A_61 : memref<400xi32, #tpu.memory_space<hbm>>) target(%arg9 : memref<400xi32, #tpu.memory_space<vmem>>) target_semaphore(%run_scoped3A : memref<!tpu.dma_semaphore, #tpu.memory_space<semaphore_mem>>)
        %dma_wait3A_62 = tpu.memref_slice %arg4[%add3A_35] : memref<1600000xi32, #tpu.memory_space<hbm>> -> memref<400xi32, #tpu.memory_space<hbm>>
        %dma_wait3A_63 = tpu.memref_slice %arg4[%add3A_35] : memref<1600000xi32, #tpu.memory_space<hbm>> -> memref<400xi32, #tpu.memory_space<hbm>>
        tpu.wait_dma2 semaphore(%run_scoped3A : memref<!tpu.dma_semaphore, #tpu.memory_space<semaphore_mem>>) src(%dma_wait3A_63 : memref<400xi32, #tpu.memory_space<hbm>>) dst(%arg9 : memref<400xi32, #tpu.memory_space<vmem>>)
        tpu.yield
      }) : () -> ()
      "tpu.region"() ({
        %run_scoped3A = tpu.sem_alloc : memref<!tpu.dma_semaphore, #tpu.memory_space<semaphore_mem>>
        %dma_start3A_60 = tpu.memref_slice %arg5[%add3A_35] : memref<1600000xf32, #tpu.memory_space<hbm>> -> memref<400xf32, #tpu.memory_space<hbm>>
        %dma_start3A_61 = tpu.memref_slice %arg5[%add3A_35] : memref<1600000xf32, #tpu.memory_space<hbm>> -> memref<400xf32, #tpu.memory_space<hbm>>
        tpu.enqueue_dma source(%dma_start3A_61 : memref<400xf32, #tpu.memory_space<hbm>>) target(%arg10 : memref<400xf32, #tpu.memory_space<vmem>>) target_semaphore(%run_scoped3A : memref<!tpu.dma_semaphore, #tpu.memory_space<semaphore_mem>>)
        %dma_wait3A_62 = tpu.memref_slice %arg5[%add3A_35] : memref<1600000xf32, #tpu.memory_space<hbm>> -> memref<400xf32, #tpu.memory_space<hbm>>
        %dma_wait3A_63 = tpu.memref_slice %arg5[%add3A_35] : memref<1600000xf32, #tpu.memory_space<hbm>> -> memref<400xf32, #tpu.memory_space<hbm>>
        tpu.wait_dma2 semaphore(%run_scoped3A : memref<!tpu.dma_semaphore, #tpu.memory_space<semaphore_mem>>) src(%dma_wait3A_63 : memref<400xf32, #tpu.memory_space<hbm>>) dst(%arg10 : memref<400xf32, #tpu.memory_space<vmem>>)
        tpu.yield
      }) : () -> ()
      %scan3A_36 = arith.constant 0 : i32
      %scan3A_37 = arith.constant 0 : i32
      %scan3A_38 = arith.constant 400 : i32
      %scan3A_39 = arith.addi %scan3A_37, %scan3A_38 : i32
      %scan3A_40 = arith.constant 1 : i32
      %scan3A_41 = scf.for %scan3A_60 = %scan3A_37 to %scan3A_39 step %scan3A_40 iter_args(%scan3A_61 = %scan3A_36) -> (i32)  : i32 {
        %mul3A_62 = arith.constant 16 : i32
        %mul3A_63 = arith.muli %scan3A_60, %mul3A_62 : i32
        %add3A_64 = vector.broadcast %mul3A_63 : i32 to vector<16xi32>
        %add3A_65 = arith.addi %iota3A, %add3A_64 : vector<16xi32>
        %shift_right_arithmetic3A = arith.constant 4 : i32
        %shift_right_arithmetic3A_66 = vector.broadcast %shift_right_arithmetic3A : i32 to vector<16xi32>
        %shift_right_arithmetic3A_67 = arith.shrsi %add3A_65, %shift_right_arithmetic3A_66 : vector<16xi32>
        %gather3A = tpu.vector_load_idx %arg8[%shift_right_arithmetic3A_67] : memref<400xi32, #tpu.memory_space<vmem>>[vector<16xi32>], vector<16xi32>,
        %mul3A_68 = arith.constant 16 : i32
        %mul3A_69 = vector.broadcast %mul3A_68 : i32 to vector<16xi32>
        %mul3A_70 = arith.muli %gather3A, %mul3A_69 : vector<16xi32>
        %and3A = arith.constant 15 : i32
        %and3A_71 = vector.broadcast %and3A : i32 to vector<16xi32>
        %and3A_72 = arith.andi %add3A_65, %and3A_71 : vector<16xi32>
        %add3A_73 = arith.addi %mul3A_70, %and3A_72 : vector<16xi32>
        %mul3A_74 = arith.constant 16 : i32
        %mul3A_75 = arith.muli %scan3A_60, %mul3A_74 : i32
        %swap3A = arith.index_cast %mul3A_75 : i32 to index
        %swap3A_76 = tpu.vector_load %arg12[%swap3A] {strides = array<i32>} : memref<6400xi32, #tpu.memory_space<vmem>>, vector<16xi32>,
        tpu.vector_store %arg12[%swap3A], %add3A_73 {strides = array<i32>} : memref<6400xi32, #tpu.memory_space<vmem>>, vector<16xi32>,
        %scan3A_77 = arith.constant 0 : i32
        scf.yield %scan3A_77 : i32
      }
      %scan3A_42 = arith.constant 400 : i32
      %dma_start3A = arith.constant 0 : i32
      %dma_start3A_43 = tpu.memref_slice %arg2[%dma_start3A] : memref<1600000xf32, #tpu.memory_space<hbm>> -> memref<1600000xf32, #tpu.memory_space<hbm>>
      tpu.enqueue_indirect_dma source(%dma_start3A_43 : memref<1600000xf32, #tpu.memory_space<hbm>>) target(%arg11 : memref<6400xf32, #tpu.memory_space<vmem>>) offsets(%arg12 : memref<6400xi32, #tpu.memory_space<vmem>>) semaphore(%arg14 : memref<!tpu.dma_semaphore, #tpu.memory_space<semaphore_mem>>)
      %dma_wait3A = arith.constant 0 : i32
      %dma_wait3A_44 = tpu.memref_slice %arg2[%dma_wait3A] : memref<1600000xf32, #tpu.memory_space<hbm>> -> memref<1600000xf32, #tpu.memory_space<hbm>>
      tpu.wait_indirect_dma semaphore(%arg14 : memref<!tpu.dma_semaphore, #tpu.memory_space<semaphore_mem>>) src(%dma_wait3A_44 : memref<1600000xf32, #tpu.memory_space<hbm>>) dst(%arg11 : memref<6400xf32, #tpu.memory_space<vmem>>)
      %scan3A_45 = arith.constant 0 : i32
      %scan3A_46 = arith.constant 0 : i32
      %scan3A_47 = arith.constant 400 : i32
      %scan3A_48 = arith.addi %scan3A_46, %scan3A_47 : i32
      %scan3A_49 = arith.constant 1 : i32
      %scan3A_50 = scf.for %scan3A_60 = %scan3A_46 to %scan3A_48 step %scan3A_49 iter_args(%scan3A_61 = %scan3A_45) -> (i32)  : i32 {
        %mul3A_62 = arith.constant 16 : i32
        %mul3A_63 = arith.muli %scan3A_60, %mul3A_62 : i32
        %add3A_64 = vector.broadcast %mul3A_63 : i32 to vector<16xi32>
        %add3A_65 = arith.addi %iota3A, %add3A_64 : vector<16xi32>
        %shift_right_arithmetic3A = arith.constant 4 : i32
        %shift_right_arithmetic3A_66 = vector.broadcast %shift_right_arithmetic3A : i32 to vector<16xi32>
        %shift_right_arithmetic3A_67 = arith.shrsi %add3A_65, %shift_right_arithmetic3A_66 : vector<16xi32>
        %gather3A = tpu.vector_load_idx %arg10[%shift_right_arithmetic3A_67] : memref<400xf32, #tpu.memory_space<vmem>>[vector<16xi32>], vector<16xf32>,
        %mul3A_68 = arith.constant 16 : i32
        %mul3A_69 = arith.muli %scan3A_60, %mul3A_68 : i32
        %get3A = arith.index_cast %mul3A_69 : i32 to index
        %get3A_70 = tpu.vector_load %arg11[%get3A] {strides = array<i32>} : memref<6400xf32, #tpu.memory_space<vmem>>, vector<16xf32>,
        %mul3A_71 = arith.mulf %get3A_70, %gather3A : vector<16xf32>
        %mul3A_72 = arith.constant 16 : i32
        %mul3A_73 = arith.muli %scan3A_60, %mul3A_72 : i32
        %swap3A = arith.index_cast %mul3A_73 : i32 to index
        %swap3A_74 = tpu.vector_load %arg11[%swap3A] {strides = array<i32>} : memref<6400xf32, #tpu.memory_space<vmem>>, vector<16xf32>,
        tpu.vector_store %arg11[%swap3A], %mul3A_71 {strides = array<i32>} : memref<6400xf32, #tpu.memory_space<vmem>>, vector<16xf32>,
        %scan3A_75 = arith.constant 0 : i32
        scf.yield %scan3A_75 : i32
      }
      %scan3A_51 = arith.constant 400 : i32
      %scan3A_52 = arith.constant 0 : i32
      %scan3A_53 = arith.constant 0 : i32
      %scan3A_54 = arith.constant 400 : i32
      %scan3A_55 = arith.addi %scan3A_53, %scan3A_54 : i32
      %scan3A_56 = arith.constant 1 : i32
      %scan3A_57 = scf.for %scan3A_60 = %scan3A_53 to %scan3A_55 step %scan3A_56 iter_args(%scan3A_61 = %scan3A_52) -> (i32)  : i32 {
        %mul3A_62 = arith.constant 16 : i32
        %mul3A_63 = arith.muli %scan3A_60, %mul3A_62 : i32
        %add3A_64 = vector.broadcast %mul3A_63 : i32 to vector<16xi32>
        %add3A_65 = arith.addi %iota3A, %add3A_64 : vector<16xi32>
        %shift_right_arithmetic3A = arith.constant 4 : i32
        %shift_right_arithmetic3A_66 = vector.broadcast %shift_right_arithmetic3A : i32 to vector<16xi32>
        %shift_right_arithmetic3A_67 = arith.shrsi %add3A_65, %shift_right_arithmetic3A_66 : vector<16xi32>
        %gather3A = tpu.vector_load_idx %arg9[%shift_right_arithmetic3A_67] : memref<400xi32, #tpu.memory_space<vmem>>[vector<16xi32>], vector<16xi32>,
        %mul3A_68 = arith.constant 16 : i32
        %mul3A_69 = vector.broadcast %mul3A_68 : i32 to vector<16xi32>
        %mul3A_70 = arith.muli %gather3A, %mul3A_69 : vector<16xi32>
        %and3A = arith.constant 15 : i32
        %and3A_71 = vector.broadcast %and3A : i32 to vector<16xi32>
        %and3A_72 = arith.andi %add3A_65, %and3A_71 : vector<16xi32>
        %add3A_73 = arith.addi %mul3A_70, %and3A_72 : vector<16xi32>
        %mul3A_74 = arith.constant 16 : i32
        %mul3A_75 = arith.muli %scan3A_60, %mul3A_74 : i32
        %swap3A = arith.index_cast %mul3A_75 : i32 to index
        %swap3A_76 = tpu.vector_load %arg12[%swap3A] {strides = array<i32>} : memref<6400xi32, #tpu.memory_space<vmem>>, vector<16xi32>,
        tpu.vector_store %arg12[%swap3A], %add3A_73 {strides = array<i32>} : memref<6400xi32, #tpu.memory_space<vmem>>, vector<16xi32>,
        %scan3A_77 = arith.constant 0 : i32
        scf.yield %scan3A_77 : i32
      }
      %scan3A_58 = arith.constant 400 : i32
      "tpu.region"() ({
        %run_scoped3A = tpu.sem_alloc : memref<!tpu.dma_semaphore, #tpu.memory_space<semaphore_mem>>
        %dma_start3A_60 = arith.constant 0 : i32
        %dma_start3A_61 = tpu.memref_slice %arg7[%dma_start3A_60] : memref<1601536xf32, #tpu.memory_space<vmem_shared>> -> memref<1601536xf32, #tpu.memory_space<vmem_shared>>
        tpu.enqueue_indirect_dma source(%arg11 : memref<6400xf32, #tpu.memory_space<vmem>>) target(%dma_start3A_61 : memref<1601536xf32, #tpu.memory_space<vmem_shared>>) offsets(%arg12 : memref<6400xi32, #tpu.memory_space<vmem>>) semaphore(%run_scoped3A : memref<!tpu.dma_semaphore, #tpu.memory_space<semaphore_mem>>) {add = true}
        %dma_wait3A_62 = arith.constant 0 : i32
        %dma_wait3A_63 = tpu.memref_slice %arg7[%dma_wait3A_62] : memref<1601536xf32, #tpu.memory_space<vmem_shared>> -> memref<1601536xf32, #tpu.memory_space<vmem_shared>>
        tpu.wait_indirect_dma semaphore(%run_scoped3A : memref<!tpu.dma_semaphore, #tpu.memory_space<semaphore_mem>>) src(%arg11 : memref<6400xf32, #tpu.memory_space<vmem>>) dst(%dma_wait3A_63 : memref<1601536xf32, #tpu.memory_space<vmem_shared>>)
        tpu.yield
      }) : () -> ()
      %scan3A_59 = arith.constant 0 : i32
      scf.yield %scan3A_59 : i32
    }
    %scan3A_20 = arith.constant 125 : i32
    %barrier3A_21 = arith.constant 0 : index
    tpu.barrier barrier_id(%barrier3A_21)
    %scan3A_22 = arith.constant 0 : i32
    %scan3A_23 = arith.constant 0 : i32
    %scan3A_24 = arith.constant 16 : i32
    %scan3A_25 = arith.addi %scan3A_23, %scan3A_24 : i32
    %scan3A_26 = arith.constant 1 : i32
    %scan3A_27 = scf.for %scan3A_29 = %scan3A_23 to %scan3A_25 step %scan3A_26 iter_args(%scan3A_30 = %scan3A_22) -> (i32)  : i32 {
      %mul3A_31 = arith.constant 6256 : i32
      %mul3A_32 = arith.muli %arg1, %mul3A_31 : i32
      %mul3A_33 = arith.constant 16 : i32
      %mul3A_34 = arith.muli %mul3A_32, %mul3A_33 : i32
      %mul3A_35 = arith.constant 6256 : i32
      %mul3A_36 = arith.muli %scan3A_29, %mul3A_35 : i32
      %add3A_37 = arith.addi %mul3A_34, %mul3A_36 : i32
      "tpu.region"() ({
        %run_scoped3A = tpu.sem_alloc : memref<!tpu.dma_semaphore, #tpu.memory_space<semaphore_mem>>
        %dma_start3A = tpu.memref_slice %arg7[%add3A_37] : memref<1601536xf32, #tpu.memory_space<vmem_shared>> -> memref<6256xf32, #tpu.memory_space<vmem_shared>>
        %dma_start3A_51 = tpu.memref_slice %arg7[%add3A_37] : memref<1601536xf32, #tpu.memory_space<vmem_shared>> -> memref<6256xf32, #tpu.memory_space<vmem_shared>>
        tpu.enqueue_dma source(%dma_start3A_51 : memref<6256xf32, #tpu.memory_space<vmem_shared>>) target(%arg13 : memref<6256xf32, #tpu.memory_space<vmem>>) target_semaphore(%run_scoped3A : memref<!tpu.dma_semaphore, #tpu.memory_space<semaphore_mem>>)
        %dma_wait3A = tpu.memref_slice %arg7[%add3A_37] : memref<1601536xf32, #tpu.memory_space<vmem_shared>> -> memref<6256xf32, #tpu.memory_space<vmem_shared>>
        %dma_wait3A_52 = tpu.memref_slice %arg7[%add3A_37] : memref<1601536xf32, #tpu.memory_space<vmem_shared>> -> memref<6256xf32, #tpu.memory_space<vmem_shared>>
        tpu.wait_dma2 semaphore(%run_scoped3A : memref<!tpu.dma_semaphore, #tpu.memory_space<semaphore_mem>>) src(%dma_wait3A_52 : memref<6256xf32, #tpu.memory_space<vmem_shared>>) dst(%arg13 : memref<6256xf32, #tpu.memory_space<vmem>>)
        tpu.yield
      }) : () -> ()
      %mul3A_38 = arith.constant 100096 : i32
      %mul3A_39 = arith.muli %arg0, %mul3A_38 : i32
      %mul3A_40 = arith.constant 16 : i32
      %mul3A_41 = arith.muli %mul3A_39, %mul3A_40 : i32
      %mul3A_42 = arith.constant 6256 : i32
      %mul3A_43 = arith.muli %arg1, %mul3A_42 : i32
      %mul3A_44 = arith.constant 16 : i32
      %mul3A_45 = arith.muli %mul3A_43, %mul3A_44 : i32
      %add3A_46 = arith.addi %mul3A_41, %mul3A_45 : i32
      %mul3A_47 = arith.constant 6256 : i32
      %mul3A_48 = arith.muli %scan3A_29, %mul3A_47 : i32
      %add3A_49 = arith.addi %add3A_46, %mul3A_48 : i32
      "tpu.region"() ({
        %run_scoped3A = tpu.sem_alloc : memref<!tpu.dma_semaphore, #tpu.memory_space<semaphore_mem>>
        %dma_start3A = tpu.memref_slice %arg6[%add3A_49] : memref<3203072xf32, #tpu.memory_space<hbm>> -> memref<6256xf32, #tpu.memory_space<hbm>>
        %dma_start3A_51 = tpu.memref_slice %arg6[%add3A_49] : memref<3203072xf32, #tpu.memory_space<hbm>> -> memref<6256xf32, #tpu.memory_space<hbm>>
        tpu.enqueue_dma source(%arg13 : memref<6256xf32, #tpu.memory_space<vmem>>) target(%dma_start3A_51 : memref<6256xf32, #tpu.memory_space<hbm>>) target_semaphore(%run_scoped3A : memref<!tpu.dma_semaphore, #tpu.memory_space<semaphore_mem>>)
        %dma_wait3A = tpu.memref_slice %arg6[%add3A_49] : memref<3203072xf32, #tpu.memory_space<hbm>> -> memref<6256xf32, #tpu.memory_space<hbm>>
        %dma_wait3A_52 = tpu.memref_slice %arg6[%add3A_49] : memref<3203072xf32, #tpu.memory_space<hbm>> -> memref<6256xf32, #tpu.memory_space<hbm>>
        tpu.wait_dma2 semaphore(%run_scoped3A : memref<!tpu.dma_semaphore, #tpu.memory_space<semaphore_mem>>) src(%arg13 : memref<6256xf32, #tpu.memory_space<vmem>>) dst(%dma_wait3A_52 : memref<6256xf32, #tpu.memory_space<hbm>>)
        tpu.yield
      }) : () -> ()
      %scan3A_50 = arith.constant 0 : i32
      scf.yield %scan3A_50 : i32
    }
    %scan3A_28 = arith.constant 16 : i32
    return
  }
}

#map = affine_map<(d0, d1) -> (0)>
module attributes {stable_mosaic.version = 14 : i64} {
  func.func @k(%arg0: i32, %arg1: i32, %arg2: memref<200000xf32, #tpu.memory_space<hbm>>, %arg3: memref<1600000xi32, #tpu.memory_space<hbm>>, %arg4: memref<1600000xi32, #tpu.memory_space<hbm>>, %arg5: memref<200704xf32, #tpu.memory_space<hbm>>, %arg6: memref<6304xf32, #tpu.memory_space<vmem>>, %arg7: memref<12800xi32, #tpu.memory_space<vmem>>, %arg8: memref<12800xi32, #tpu.memory_space<vmem>>, %arg9: memref<12832xi32, #tpu.memory_space<vmem>>, %arg10: memref<12832xi32, #tpu.memory_space<vmem>>, %arg11: memref<512xi32, #tpu.memory_space<vmem>>, %arg12: memref<528xf32, #tpu.memory_space<vmem>>, %arg13: memref<!tpu.dma_semaphore, #tpu.memory_space<semaphore_mem>>) attributes {dimension_semantics = [#tpu.dimension_semantics<core_parallel>, #tpu.dimension_semantics<subcore_parallel>], iteration_bounds = array<i64: 2, 16>, scalar_prefetch = 0 : i64, scratch_operands = 8 : i64, tpu.core_type = #tpu.core_type<sc_vector_subcore>, window_params = [{transform_indices = #map}, {transform_indices = #map}, {transform_indices = #map}, {transform_indices = #map}]} {
    %mul3A = arith.constant 16 : i32
    %mul3A_0 = arith.muli %arg0, %mul3A : i32
    %add3A = arith.addi %mul3A_0, %arg1 : i32
    %iota3A = tpu.iota {dimensions = array<i32: 0>} : vector<16xi32>
    %scan3A = arith.constant 0 : i32
    %scan3A_1 = arith.constant 0 : i32
    %scan3A_2 = arith.constant 394 : i32
    %scan3A_3 = arith.addi %scan3A_1, %scan3A_2 : i32
    %scan3A_4 = arith.constant 1 : i32
    %scan3A_5 = scf.for %scan3A_30 = %scan3A_1 to %scan3A_3 step %scan3A_4 iter_args(%scan3A_31 = %scan3A) -> (i32)  : i32 {
      %broadcast_in_dim3A = arith.constant -3.40282347E+38 : f32
      %broadcast_in_dim3A_32 = vector.broadcast %broadcast_in_dim3A : f32 to vector<16xf32>
      %mul3A_33 = arith.constant 16 : i32
      %mul3A_34 = arith.muli %scan3A_30, %mul3A_33 : i32
      %swap3A = arith.index_cast %mul3A_34 : i32 to index
      %swap3A_35 = tpu.vector_load %arg6[%swap3A] {strides = array<i32>} : memref<6304xf32, #tpu.memory_space<vmem>>, vector<16xf32>,
      tpu.vector_store %arg6[%swap3A], %broadcast_in_dim3A_32 {strides = array<i32>} : memref<6304xf32, #tpu.memory_space<vmem>>, vector<16xf32>,
      %scan3A_36 = arith.constant 0 : i32
      scf.yield %scan3A_36 : i32
    }
    %scan3A_6 = arith.constant 394 : i32
    %scan3A_7 = arith.constant 0 : i32
    %scan3A_8 = arith.constant 0 : i32
    %scan3A_9 = arith.constant 802 : i32
    %scan3A_10 = arith.addi %scan3A_8, %scan3A_9 : i32
    %scan3A_11 = arith.constant 1 : i32
    %scan3A_12 = scf.for %scan3A_30 = %scan3A_8 to %scan3A_10 step %scan3A_11 iter_args(%scan3A_31 = %scan3A_7) -> (i32)  : i32 {
      %mul3A_32 = arith.constant 16 : i32
      %mul3A_33 = arith.muli %scan3A_30, %mul3A_32 : i32
      %add3A_34 = vector.broadcast %mul3A_33 : i32 to vector<16xi32>
      %add3A_35 = arith.addi %iota3A, %add3A_34 : vector<16xi32>
      %and3A = arith.constant 8191 : i32
      %and3A_36 = vector.broadcast %and3A : i32 to vector<16xi32>
      %and3A_37 = arith.andi %add3A_35, %and3A_36 : vector<16xi32>
      %mul3A_38 = arith.constant 16 : i32
      %mul3A_39 = arith.muli %scan3A_30, %mul3A_38 : i32
      %swap3A = arith.index_cast %mul3A_39 : i32 to index
      %swap3A_40 = tpu.vector_load %arg9[%swap3A] {strides = array<i32>} : memref<12832xi32, #tpu.memory_space<vmem>>, vector<16xi32>,
      tpu.vector_store %arg9[%swap3A], %and3A_37 {strides = array<i32>} : memref<12832xi32, #tpu.memory_space<vmem>>, vector<16xi32>,
      %scan3A_41 = arith.constant 0 : i32
      scf.yield %scan3A_41 : i32
    }
    %scan3A_13 = arith.constant 802 : i32
    %scan3A_14 = arith.constant 0 : i32
    %scan3A_15 = arith.constant 0 : i32
    %scan3A_16 = arith.constant 125 : i32
    %scan3A_17 = arith.addi %scan3A_15, %scan3A_16 : i32
    %scan3A_18 = arith.constant 1 : i32
    %scan3A_19 = scf.for %scan3A_30 = %scan3A_15 to %scan3A_17 step %scan3A_18 iter_args(%scan3A_31 = %scan3A_14) -> (i32)  : i32 {
      %mul3A_32 = arith.constant 12800 : i32
      %mul3A_33 = arith.muli %scan3A_30, %mul3A_32 : i32
      "tpu.region"() ({
        %run_scoped3A = tpu.sem_alloc : memref<!tpu.dma_semaphore, #tpu.memory_space<semaphore_mem>>
        %dma_start3A = tpu.memref_slice %arg3[%mul3A_33] : memref<1600000xi32, #tpu.memory_space<hbm>> -> memref<12800xi32, #tpu.memory_space<hbm>>
        %dma_start3A_43 = tpu.memref_slice %arg3[%mul3A_33] : memref<1600000xi32, #tpu.memory_space<hbm>> -> memref<12800xi32, #tpu.memory_space<hbm>>
        tpu.enqueue_dma source(%dma_start3A_43 : memref<12800xi32, #tpu.memory_space<hbm>>) target(%arg7 : memref<12800xi32, #tpu.memory_space<vmem>>) target_semaphore(%run_scoped3A : memref<!tpu.dma_semaphore, #tpu.memory_space<semaphore_mem>>)
        %dma_wait3A = tpu.memref_slice %arg3[%mul3A_33] : memref<1600000xi32, #tpu.memory_space<hbm>> -> memref<12800xi32, #tpu.memory_space<hbm>>
        %dma_wait3A_44 = tpu.memref_slice %arg3[%mul3A_33] : memref<1600000xi32, #tpu.memory_space<hbm>> -> memref<12800xi32, #tpu.memory_space<hbm>>
        tpu.wait_dma2 semaphore(%run_scoped3A : memref<!tpu.dma_semaphore, #tpu.memory_space<semaphore_mem>>) src(%dma_wait3A_44 : memref<12800xi32, #tpu.memory_space<hbm>>) dst(%arg7 : memref<12800xi32, #tpu.memory_space<vmem>>)
        tpu.yield
      }) : () -> ()
      "tpu.region"() ({
        %run_scoped3A = tpu.sem_alloc : memref<!tpu.dma_semaphore, #tpu.memory_space<semaphore_mem>>
        %dma_start3A = tpu.memref_slice %arg4[%mul3A_33] : memref<1600000xi32, #tpu.memory_space<hbm>> -> memref<12800xi32, #tpu.memory_space<hbm>>
        %dma_start3A_43 = tpu.memref_slice %arg4[%mul3A_33] : memref<1600000xi32, #tpu.memory_space<hbm>> -> memref<12800xi32, #tpu.memory_space<hbm>>
        tpu.enqueue_dma source(%dma_start3A_43 : memref<12800xi32, #tpu.memory_space<hbm>>) target(%arg8 : memref<12800xi32, #tpu.memory_space<vmem>>) target_semaphore(%run_scoped3A : memref<!tpu.dma_semaphore, #tpu.memory_space<semaphore_mem>>)
        %dma_wait3A = tpu.memref_slice %arg4[%mul3A_33] : memref<1600000xi32, #tpu.memory_space<hbm>> -> memref<12800xi32, #tpu.memory_space<hbm>>
        %dma_wait3A_44 = tpu.memref_slice %arg4[%mul3A_33] : memref<1600000xi32, #tpu.memory_space<hbm>> -> memref<12800xi32, #tpu.memory_space<hbm>>
        tpu.wait_dma2 semaphore(%run_scoped3A : memref<!tpu.dma_semaphore, #tpu.memory_space<semaphore_mem>>) src(%dma_wait3A_44 : memref<12800xi32, #tpu.memory_space<hbm>>) dst(%arg8 : memref<12800xi32, #tpu.memory_space<vmem>>)
        tpu.yield
      }) : () -> ()
      %broadcast_in_dim3A = arith.constant 0 : i32
      %broadcast_in_dim3A_34 = vector.broadcast %broadcast_in_dim3A : i32 to vector<16xi32>
      %scan3A_35 = arith.constant 0 : i32
      %scan3A_36 = arith.constant 800 : i32
      %scan3A_37 = arith.addi %scan3A_35, %scan3A_36 : i32
      %scan3A_38 = arith.constant 1 : i32
      %scan3A_39 = scf.for %scan3A_43 = %scan3A_35 to %scan3A_37 step %scan3A_38 iter_args(%scan3A_44 = %broadcast_in_dim3A_34) -> (vector<16xi32>)  : i32 {
        %mul3A_45 = arith.constant 16 : i32
        %mul3A_46 = arith.muli %scan3A_43, %mul3A_45 : i32
        %get3A = arith.index_cast %mul3A_46 : i32 to index
        %get3A_47 = tpu.vector_load %arg8[%get3A] {strides = array<i32>} : memref<12800xi32, #tpu.memory_space<vmem>>, vector<16xi32>,
        %mul3A_48 = arith.constant 16 : i32
        %mul3A_49 = arith.muli %scan3A_43, %mul3A_48 : i32
        %get3A_50 = arith.index_cast %mul3A_49 : i32 to index
        %get3A_51 = tpu.vector_load %arg7[%get3A_50] {strides = array<i32>} : memref<12800xi32, #tpu.memory_space<vmem>>, vector<16xi32>,
        %and3A = arith.constant 31 : i32
        %and3A_52 = vector.broadcast %and3A : i32 to vector<16xi32>
        %and3A_53 = arith.andi %get3A_47, %and3A_52 : vector<16xi32>
        %eq3A = vector.broadcast %add3A : i32 to vector<16xi32>
        %eq3A_54 = arith.cmpi eq, %and3A_53, %eq3A : vector<16xi32>
        %jit3A = arith.constant 1 : i32
        %jit3A_55 = arith.constant 0 : i32
        %broadcast_in_dim3A_56 = vector.broadcast %jit3A : i32 to vector<16xi32>
        %broadcast_in_dim3A_57 = vector.broadcast %jit3A_55 : i32 to vector<16xi32>
        %select_n3A = arith.select %eq3A_54, %broadcast_in_dim3A_56, %broadcast_in_dim3A_57 : vector<16xi1>, vector<16xi32>
        %broadcast_in_dim3A_58 = arith.constant true
        %broadcast_in_dim3A_59 = vector.broadcast %broadcast_in_dim3A_58 : i1 to vector<16xi1>
        %masked_cumsum3A = tpu.scan <sum>, %select_n3A masked %broadcast_in_dim3A_59 : vector<16xi32>, vector<16xi1> -> vector<16xi32>
        %add3A_60 = arith.addi %scan3A_44, %masked_cumsum3A : vector<16xi32>
        %sub3A = arith.constant 1 : i32
        %sub3A_61 = vector.broadcast %sub3A : i32 to vector<16xi32>
        %sub3A_62 = arith.subi %add3A_60, %sub3A_61 : vector<16xi32>
        tpu.vector_store_idx %arg9[%sub3A_62], %get3A_51 masked %eq3A_54 : memref<12832xi32, #tpu.memory_space<vmem>>[vector<16xi32>], vector<16xi32>, vector<16xi1>
        %shift_right_arithmetic3A = arith.constant 5 : i32
        %shift_right_arithmetic3A_63 = vector.broadcast %shift_right_arithmetic3A : i32 to vector<16xi32>
        %shift_right_arithmetic3A_64 = arith.shrsi %get3A_47, %shift_right_arithmetic3A_63 : vector<16xi32>
        tpu.vector_store_idx %arg10[%sub3A_62], %shift_right_arithmetic3A_64 masked %eq3A_54 : memref<12832xi32, #tpu.memory_space<vmem>>[vector<16xi32>], vector<16xi32>, vector<16xi1>
        %all_reduce_population_count3A = tpu.all_reduce %eq3A_54 {dim = 0 : i64, kind = #tpu.reduction_kind<sum>} : vector<16xi1> -> vector<16xi32>
        %add3A_65 = arith.addi %scan3A_44, %all_reduce_population_count3A : vector<16xi32>
        scf.yield %add3A_65 : vector<16xi32>
      }
      %scan3A_40 = arith.constant 800 : i32
      %slice3A = vector.extract_strided_slice %scan3A_39 {offsets = [0], sizes = [1], strides = [1]} : vector<16xi32> to vector<1xi32>
      %squeeze3A = vector.extract %slice3A[0] : i32 from vector<1xi32>
      %while3A = arith.constant 0 : i32
      %while3A_41 = scf.while (%while3A_43 = %while3A) : (i32) -> i32 {
        %lt3A = arith.cmpi slt, %while3A_43, %squeeze3A : i32
        scf.condition(%lt3A) %while3A_43 : i32
      } do {
      ^bb0(%while3A_43: i32):
        %scan3A_44 = arith.constant 0 : i32
        %scan3A_45 = arith.constant 0 : i32
        %scan3A_46 = arith.constant 32 : i32
        %scan3A_47 = arith.addi %scan3A_45, %scan3A_46 : i32
        %scan3A_48 = arith.constant 1 : i32
        %scan3A_49 = scf.for %scan3A_72 = %scan3A_45 to %scan3A_47 step %scan3A_48 iter_args(%scan3A_73 = %scan3A_44) -> (i32)  : i32 {
          %mul3A_74 = arith.constant 16 : i32
          %mul3A_75 = arith.muli %scan3A_72, %mul3A_74 : i32
          %add3A_76 = vector.broadcast %mul3A_75 : i32 to vector<16xi32>
          %add3A_77 = arith.addi %iota3A, %add3A_76 : vector<16xi32>
          %shift_right_arithmetic3A = arith.constant 1 : i32
          %shift_right_arithmetic3A_78 = vector.broadcast %shift_right_arithmetic3A : i32 to vector<16xi32>
          %shift_right_arithmetic3A_79 = arith.shrsi %add3A_77, %shift_right_arithmetic3A_78 : vector<16xi32>
          %add3A_80 = vector.broadcast %while3A_43 : i32 to vector<16xi32>
          %add3A_81 = arith.addi %add3A_80, %shift_right_arithmetic3A_79 : vector<16xi32>
          %sub3A_82 = arith.constant 1 : i32
          %sub3A_83 = arith.subi %squeeze3A, %sub3A_82 : i32
          %min3A_84 = vector.broadcast %sub3A_83 : i32 to vector<16xi32>
          %min3A_85 = arith.minsi %add3A_81, %min3A_84 : vector<16xi32>
          %gather3A = tpu.vector_load_idx %arg9[%min3A_85] : memref<12832xi32, #tpu.memory_space<vmem>>[vector<16xi32>], vector<16xi32>,
          %mul3A_86 = arith.constant 2 : i32
          %mul3A_87 = vector.broadcast %mul3A_86 : i32 to vector<16xi32>
          %mul3A_88 = arith.muli %gather3A, %mul3A_87 : vector<16xi32>
          %and3A = arith.constant 1 : i32
          %and3A_89 = vector.broadcast %and3A : i32 to vector<16xi32>
          %and3A_90 = arith.andi %add3A_77, %and3A_89 : vector<16xi32>
          %add3A_91 = arith.addi %mul3A_88, %and3A_90 : vector<16xi32>
          %mul3A_92 = arith.constant 16 : i32
          %mul3A_93 = arith.muli %scan3A_72, %mul3A_92 : i32
          %swap3A = arith.index_cast %mul3A_93 : i32 to index
          %swap3A_94 = tpu.vector_load %arg11[%swap3A] {strides = array<i32>} : memref<512xi32, #tpu.memory_space<vmem>>, vector<16xi32>,
          tpu.vector_store %arg11[%swap3A], %add3A_91 {strides = array<i32>} : memref<512xi32, #tpu.memory_space<vmem>>, vector<16xi32>,
          %scan3A_95 = arith.constant 0 : i32
          scf.yield %scan3A_95 : i32
        }
        %scan3A_50 = arith.constant 32 : i32
        %dma_start3A = arith.constant 0 : i32
        %dma_start3A_51 = tpu.memref_slice %arg12[%dma_start3A] : memref<528xf32, #tpu.memory_space<vmem>> -> memref<512xf32, #tpu.memory_space<vmem>>
        %dma_start3A_52 = arith.constant 0 : i32
        %dma_start3A_53 = tpu.memref_slice %arg2[%dma_start3A_52] : memref<200000xf32, #tpu.memory_space<hbm>> -> memref<200000xf32, #tpu.memory_space<hbm>>
        tpu.enqueue_indirect_dma source(%dma_start3A_53 : memref<200000xf32, #tpu.memory_space<hbm>>) target(%dma_start3A_51 : memref<512xf32, #tpu.memory_space<vmem>>) offsets(%arg11 : memref<512xi32, #tpu.memory_space<vmem>>) semaphore(%arg13 : memref<!tpu.dma_semaphore, #tpu.memory_space<semaphore_mem>>)
        %dma_wait3A = arith.constant 0 : i32
        %dma_wait3A_54 = tpu.memref_slice %arg12[%dma_wait3A] : memref<528xf32, #tpu.memory_space<vmem>> -> memref<512xf32, #tpu.memory_space<vmem>>
        %dma_wait3A_55 = arith.constant 0 : i32
        %dma_wait3A_56 = tpu.memref_slice %arg2[%dma_wait3A_55] : memref<200000xf32, #tpu.memory_space<hbm>> -> memref<200000xf32, #tpu.memory_space<hbm>>
        tpu.wait_indirect_dma semaphore(%arg13 : memref<!tpu.dma_semaphore, #tpu.memory_space<semaphore_mem>>) src(%dma_wait3A_56 : memref<200000xf32, #tpu.memory_space<hbm>>) dst(%dma_wait3A_54 : memref<512xf32, #tpu.memory_space<vmem>>)
        %sub3A = arith.subi %squeeze3A, %while3A_43 : i32
        %min3A = arith.constant 256 : i32
        %min3A_57 = arith.minsi %min3A, %sub3A : i32
        %while3A_58 = arith.constant 0 : i32
        %while3A_59 = arith.constant 0 : i32
        %while3A_60 = arith.subi %min3A_57, %while3A_58 : i32
        %while3A_61 = arith.addi %while3A_58, %while3A_60 : i32
        %while3A_62 = arith.constant 1 : i32
        %while3A_63 = arith.divsi %while3A_60, %while3A_62 : i32
        %while3A_64 = arith.muli %while3A_63, %while3A_62 : i32
        %while3A_65 = arith.addi %while3A_58, %while3A_64 : i32
        %while3A_66 = arith.constant 1 : i32
        %while3A_67 = scf.for %while3A_72 = %while3A_58 to %while3A_65 step %while3A_66 iter_args(%while3A_73 = %while3A_59) -> (i32)  : i32 {
          %add3A_74 = arith.addi %while3A_43, %while3A_72 : i32
          %broadcast_in_dim3A_75 = vector.broadcast %add3A_74 : i32 to vector<16xi32>
          %gather3A = tpu.vector_load_idx %arg10[%broadcast_in_dim3A_75] : memref<12832xi32, #tpu.memory_space<vmem>>[vector<16xi32>], vector<16xi32>,
          %slice3A_76 = vector.extract_strided_slice %gather3A {offsets = [0], sizes = [1], strides = [1]} : vector<16xi32> to vector<1xi32>
          %squeeze3A_77 = vector.extract %slice3A_76[0] : i32 from vector<1xi32>
          %mul3A_78 = arith.constant 2 : i32
          %mul3A_79 = arith.muli %while3A_72, %mul3A_78 : i32
          %add3A_80 = vector.broadcast %mul3A_79 : i32 to vector<16xi32>
          %add3A_81 = arith.addi %add3A_80, %iota3A : vector<16xi32>
          %mul3A_82 = arith.constant 2 : i32
          %mul3A_83 = arith.muli %squeeze3A_77, %mul3A_82 : i32
          %add3A_84 = vector.broadcast %mul3A_83 : i32 to vector<16xi32>
          %add3A_85 = arith.addi %add3A_84, %iota3A : vector<16xi32>
          %gather3A_86 = tpu.vector_load_idx %arg12[%add3A_81] : memref<528xf32, #tpu.memory_space<vmem>>[vector<16xi32>], vector<16xf32>,
          %gather3A_87 = tpu.vector_load_idx %arg6[%add3A_85] : memref<6304xf32, #tpu.memory_space<vmem>>[vector<16xi32>], vector<16xf32>,
          %max3A = arith.maximumf %gather3A_87, %gather3A_86 : vector<16xf32>
          %lt3A = arith.constant 2 : i32
          %lt3A_88 = vector.broadcast %lt3A : i32 to vector<16xi32>
          %lt3A_89 = arith.cmpi slt, %iota3A, %lt3A_88 : vector<16xi32>
          tpu.vector_store_idx %arg6[%add3A_85], %max3A masked %lt3A_89 : memref<6304xf32, #tpu.memory_space<vmem>>[vector<16xi32>], vector<16xf32>, vector<16xi1>
          %while3A_90 = arith.constant 0 : i32
          scf.yield %while3A_90 : i32
        }
        %while3A_68 = arith.constant 1 : i32
        %while3A_69 = scf.for %while3A_72 = %while3A_65 to %while3A_61 step %while3A_68 iter_args(%while3A_73 = %while3A_67) -> (i32)  : i32 {
          %add3A_74 = arith.addi %while3A_43, %while3A_72 : i32
          %broadcast_in_dim3A_75 = vector.broadcast %add3A_74 : i32 to vector<16xi32>
          %gather3A = tpu.vector_load_idx %arg10[%broadcast_in_dim3A_75] : memref<12832xi32, #tpu.memory_space<vmem>>[vector<16xi32>], vector<16xi32>,
          %slice3A_76 = vector.extract_strided_slice %gather3A {offsets = [0], sizes = [1], strides = [1]} : vector<16xi32> to vector<1xi32>
          %squeeze3A_77 = vector.extract %slice3A_76[0] : i32 from vector<1xi32>
          %mul3A_78 = arith.constant 2 : i32
          %mul3A_79 = arith.muli %while3A_72, %mul3A_78 : i32
          %add3A_80 = vector.broadcast %mul3A_79 : i32 to vector<16xi32>
          %add3A_81 = arith.addi %add3A_80, %iota3A : vector<16xi32>
          %mul3A_82 = arith.constant 2 : i32
          %mul3A_83 = arith.muli %squeeze3A_77, %mul3A_82 : i32
          %add3A_84 = vector.broadcast %mul3A_83 : i32 to vector<16xi32>
          %add3A_85 = arith.addi %add3A_84, %iota3A : vector<16xi32>
          %gather3A_86 = tpu.vector_load_idx %arg12[%add3A_81] : memref<528xf32, #tpu.memory_space<vmem>>[vector<16xi32>], vector<16xf32>,
          %gather3A_87 = tpu.vector_load_idx %arg6[%add3A_85] : memref<6304xf32, #tpu.memory_space<vmem>>[vector<16xi32>], vector<16xf32>,
          %max3A = arith.maximumf %gather3A_87, %gather3A_86 : vector<16xf32>
          %lt3A = arith.constant 2 : i32
          %lt3A_88 = vector.broadcast %lt3A : i32 to vector<16xi32>
          %lt3A_89 = arith.cmpi slt, %iota3A, %lt3A_88 : vector<16xi32>
          tpu.vector_store_idx %arg6[%add3A_85], %max3A masked %lt3A_89 : memref<6304xf32, #tpu.memory_space<vmem>>[vector<16xi32>], vector<16xf32>, vector<16xi1>
          %while3A_90 = arith.constant 0 : i32
          scf.yield %while3A_90 : i32
        }
        %add3A_70 = arith.constant 256 : i32
        %add3A_71 = arith.addi %while3A_43, %add3A_70 : i32
        scf.yield %add3A_71 : i32
      }
      %scan3A_42 = arith.constant 0 : i32
      scf.yield %scan3A_42 : i32
    }
    %scan3A_20 = arith.constant 125 : i32
    %scan3A_21 = arith.constant 0 : i32
    %scan3A_22 = arith.constant 0 : i32
    %scan3A_23 = arith.constant 392 : i32
    %scan3A_24 = arith.addi %scan3A_22, %scan3A_23 : i32
    %scan3A_25 = arith.constant 1 : i32
    %scan3A_26 = scf.for %scan3A_30 = %scan3A_22 to %scan3A_24 step %scan3A_25 iter_args(%scan3A_31 = %scan3A_21) -> (i32)  : i32 {
      %mul3A_32 = arith.constant 16 : i32
      %mul3A_33 = arith.muli %scan3A_30, %mul3A_32 : i32
      %get3A = arith.index_cast %mul3A_33 : i32 to index
      %get3A_34 = tpu.vector_load %arg6[%get3A] {strides = array<i32>} : memref<6304xf32, #tpu.memory_space<vmem>>, vector<16xf32>,
      %eq3A = arith.constant -3.40282347E+38 : f32
      %eq3A_35 = vector.broadcast %eq3A : f32 to vector<16xf32>
      %eq3A_36 = arith.cmpf oeq, %get3A_34, %eq3A_35 : vector<16xf32>
      %jit3A = arith.constant 0.000000e+00 : f32
      %broadcast_in_dim3A = vector.broadcast %jit3A : f32 to vector<16xf32>
      %select_n3A = arith.select %eq3A_36, %broadcast_in_dim3A, %get3A_34 : vector<16xi1>, vector<16xf32>
      %mul3A_37 = arith.constant 16 : i32
      %mul3A_38 = arith.muli %scan3A_30, %mul3A_37 : i32
      %swap3A = arith.index_cast %mul3A_38 : i32 to index
      %swap3A_39 = tpu.vector_load %arg6[%swap3A] {strides = array<i32>} : memref<6304xf32, #tpu.memory_space<vmem>>, vector<16xf32>,
      tpu.vector_store %arg6[%swap3A], %select_n3A {strides = array<i32>} : memref<6304xf32, #tpu.memory_space<vmem>>, vector<16xf32>,
      %scan3A_40 = arith.constant 0 : i32
      scf.yield %scan3A_40 : i32
    }
    %scan3A_27 = arith.constant 392 : i32
    %mul3A_28 = arith.constant 6272 : i32
    %mul3A_29 = arith.muli %add3A, %mul3A_28 : i32
    "tpu.region"() ({
      %run_scoped3A = tpu.sem_alloc : memref<!tpu.dma_semaphore, #tpu.memory_space<semaphore_mem>>
      %dma_start3A = arith.constant 0 : i32
      %dma_start3A_30 = tpu.memref_slice %arg6[%dma_start3A] : memref<6304xf32, #tpu.memory_space<vmem>> -> memref<6272xf32, #tpu.memory_space<vmem>>
      %dma_start3A_31 = tpu.memref_slice %arg5[%mul3A_29] : memref<200704xf32, #tpu.memory_space<hbm>> -> memref<6272xf32, #tpu.memory_space<hbm>>
      %dma_start3A_32 = tpu.memref_slice %arg5[%mul3A_29] : memref<200704xf32, #tpu.memory_space<hbm>> -> memref<6272xf32, #tpu.memory_space<hbm>>
      %dma_start3A_33 = arith.constant 0 : i32
      %dma_start3A_34 = tpu.memref_slice %arg6[%dma_start3A_33] : memref<6304xf32, #tpu.memory_space<vmem>> -> memref<6272xf32, #tpu.memory_space<vmem>>
      tpu.enqueue_dma source(%dma_start3A_34 : memref<6272xf32, #tpu.memory_space<vmem>>) target(%dma_start3A_32 : memref<6272xf32, #tpu.memory_space<hbm>>) target_semaphore(%run_scoped3A : memref<!tpu.dma_semaphore, #tpu.memory_space<semaphore_mem>>)
      %dma_wait3A = arith.constant 0 : i32
      %dma_wait3A_35 = tpu.memref_slice %arg6[%dma_wait3A] : memref<6304xf32, #tpu.memory_space<vmem>> -> memref<6272xf32, #tpu.memory_space<vmem>>
      %dma_wait3A_36 = tpu.memref_slice %arg5[%mul3A_29] : memref<200704xf32, #tpu.memory_space<hbm>> -> memref<6272xf32, #tpu.memory_space<hbm>>
      %dma_wait3A_37 = tpu.memref_slice %arg5[%mul3A_29] : memref<200704xf32, #tpu.memory_space<hbm>> -> memref<6272xf32, #tpu.memory_space<hbm>>
      %dma_wait3A_38 = arith.constant 0 : i32
      %dma_wait3A_39 = tpu.memref_slice %arg6[%dma_wait3A_38] : memref<6304xf32, #tpu.memory_space<vmem>> -> memref<6272xf32, #tpu.memory_space<vmem>>
      tpu.wait_dma2 semaphore(%run_scoped3A : memref<!tpu.dma_semaphore, #tpu.memory_space<semaphore_mem>>) src(%dma_wait3A_39 : memref<6272xf32, #tpu.memory_space<vmem>>) dst(%dma_wait3A_37 : memref<6272xf32, #tpu.memory_space<hbm>>)
      tpu.yield
    }) : () -> ()
    return
  }
}

module attributes {stable_mosaic.version = 14 : i64} {
  func.func @body(%arg0: i32, %arg1: memref<4000x2xf32, #tpu.memory_space<vmem>>, %arg2: memref<4000x2xf32, #tpu.memory_space<vmem>>, %arg3: memref<4000x2xf32, #tpu.memory_space<vmem>>, %arg4: memref<4000x2xf32, #tpu.memory_space<vmem>>, %arg5: memref<2x24xf32, #tpu.memory_space<vmem>>, %arg6: memref<1x24xf32, #tpu.memory_space<vmem>>, %arg7: memref<2x24xf32, #tpu.memory_space<vmem>>, %arg8: memref<2x8xf32, #tpu.memory_space<vmem>>, %arg9: memref<1x8xf32, #tpu.memory_space<vmem>>, %arg10: memref<2x8xf32, #tpu.memory_space<vmem>>, %arg11: memref<32x16xf32, #tpu.memory_space<vmem>>, %arg12: memref<4000x32xf32, #tpu.memory_space<vmem>>, %arg13: memref<4000x16xf32, #tpu.memory_space<vmem>>) attributes {dimension_semantics = [#tpu.dimension_semantics<arbitrary>], iteration_bounds = array<i64: 25>, scalar_prefetch = 0 : i64, scratch_operands = 0 : i64, tpu.core_type = #tpu.core_type<tc>, window_params = [{transform_indices = @transform_0, window_bounds = array<i64: 4000, 2>}, {transform_indices = @transform_1, window_bounds = array<i64: 4000, 2>}, {transform_indices = @transform_2, window_bounds = array<i64: 4000, 2>}, {transform_indices = @transform_3, window_bounds = array<i64: 4000, 2>}, {pipeline_mode = #tpu.pipeline_mode<synchronous>, transform_indices = @transform_4, window_bounds = array<i64: 2, 24>}, {pipeline_mode = #tpu.pipeline_mode<synchronous>, transform_indices = @transform_5, window_bounds = array<i64: 1, 24>}, {pipeline_mode = #tpu.pipeline_mode<synchronous>, transform_indices = @transform_6, window_bounds = array<i64: 2, 24>}, {pipeline_mode = #tpu.pipeline_mode<synchronous>, transform_indices = @transform_7, window_bounds = array<i64: 2, 8>}, {pipeline_mode = #tpu.pipeline_mode<synchronous>, transform_indices = @transform_8, window_bounds = array<i64: 1, 8>}, {pipeline_mode = #tpu.pipeline_mode<synchronous>, transform_indices = @transform_9, window_bounds = array<i64: 2, 8>}, {pipeline_mode = #tpu.pipeline_mode<synchronous>, transform_indices = @transform_10, window_bounds = array<i64: 32, 16>}, {transform_indices = @transform_11, window_bounds = array<i64: 4000, 32>}, {transform_indices = @transform_12, window_bounds = array<i64: 4000, 16>}]} {
    %get3A = arith.constant 0 : index
    %get3A_0 = arith.constant 0 : index
    %get3A_1 = vector.load %arg1[%get3A, %get3A_0] : memref<4000x2xf32, #tpu.memory_space<vmem>>, vector<4000x2xf32>
    %get3A_2 = arith.constant 0 : index
    %get3A_3 = arith.constant 0 : index
    %get3A_4 = vector.load %arg2[%get3A_2, %get3A_3] : memref<4000x2xf32, #tpu.memory_space<vmem>>, vector<4000x2xf32>
    %get3A_5 = arith.constant 0 : index
    %get3A_6 = arith.constant 0 : index
    %get3A_7 = vector.load %arg3[%get3A_5, %get3A_6] : memref<4000x2xf32, #tpu.memory_space<vmem>>, vector<4000x2xf32>
    %add3A = arith.addf %get3A_4, %get3A_7 : vector<4000x2xf32>
    %get3A_8 = arith.constant 0 : index
    %get3A_9 = arith.constant 0 : index
    %get3A_10 = vector.load %arg5[%get3A_8, %get3A_9] : memref<2x24xf32, #tpu.memory_space<vmem>>, vector<2x24xf32>
    %dot_general3A = arith.constant dense<0.000000e+00> : vector<4000x24xf32>
    %dot_general3A_11 = tpu.matmul %add3A, %get3A_10, %dot_general3A {dimension_numbers = #tpu.dot_dimension_numbers<[1], [0], [0], [1], [0, 0, 1, 1], [], []>, transpose_lhs_hint = false} : vector<4000x2xf32>, vector<2x24xf32>, vector<4000x24xf32> -> vector<4000x24xf32>
    %get3A_12 = arith.constant 0 : index
    %get3A_13 = arith.constant 0 : index
    %get3A_14 = vector.load %arg6[%get3A_12, %get3A_13] : memref<1x24xf32, #tpu.memory_space<vmem>>, vector<1x24xf32>
    %add3A_15 = vector.broadcast %get3A_14 : vector<1x24xf32> to vector<4000x24xf32>
    %add3A_16 = arith.addf %dot_general3A_11, %add3A_15 : vector<4000x24xf32>
    %get3A_17 = arith.constant 0 : index
    %get3A_18 = arith.constant 0 : index
    %get3A_19 = vector.load %arg7[%get3A_17, %get3A_18] : memref<2x24xf32, #tpu.memory_space<vmem>>, vector<2x24xf32>
    %dot_general3A_20 = arith.constant dense<0.000000e+00> : vector<4000x24xf32>
    %dot_general3A_21 = tpu.matmul %get3A_1, %get3A_19, %dot_general3A_20 {dimension_numbers = #tpu.dot_dimension_numbers<[1], [0], [0], [1], [0, 0, 1, 1], [], []>, transpose_lhs_hint = false} : vector<4000x2xf32>, vector<2x24xf32>, vector<4000x24xf32> -> vector<4000x24xf32>
    %add3A_22 = arith.addf %add3A_16, %dot_general3A_21 : vector<4000x24xf32>
    %max3A = arith.constant 0.000000e+00 : f32
    %max3A_23 = vector.broadcast %max3A : f32 to vector<4000x24xf32>
    %max3A_24 = arith.maximumf %add3A_22, %max3A_23 : vector<4000x24xf32>
    %get3A_25 = arith.constant 0 : index
    %get3A_26 = arith.constant 0 : index
    %get3A_27 = vector.load %arg4[%get3A_25, %get3A_26] : memref<4000x2xf32, #tpu.memory_space<vmem>>, vector<4000x2xf32>
    %get3A_28 = arith.constant 0 : index
    %get3A_29 = arith.constant 0 : index
    %get3A_30 = vector.load %arg8[%get3A_28, %get3A_29] : memref<2x8xf32, #tpu.memory_space<vmem>>, vector<2x8xf32>
    %dot_general3A_31 = arith.constant dense<0.000000e+00> : vector<4000x8xf32>
    %dot_general3A_32 = tpu.matmul %get3A_27, %get3A_30, %dot_general3A_31 {dimension_numbers = #tpu.dot_dimension_numbers<[1], [0], [0], [1], [0, 0, 1, 1], [], []>, transpose_lhs_hint = false} : vector<4000x2xf32>, vector<2x8xf32>, vector<4000x8xf32> -> vector<4000x8xf32>
    %get3A_33 = arith.constant 0 : index
    %get3A_34 = arith.constant 0 : index
    %get3A_35 = vector.load %arg9[%get3A_33, %get3A_34] : memref<1x8xf32, #tpu.memory_space<vmem>>, vector<1x8xf32>
    %add3A_36 = vector.broadcast %get3A_35 : vector<1x8xf32> to vector<4000x8xf32>
    %add3A_37 = arith.addf %dot_general3A_32, %add3A_36 : vector<4000x8xf32>
    %get3A_38 = arith.constant 0 : index
    %get3A_39 = arith.constant 0 : index
    %get3A_40 = vector.load %arg10[%get3A_38, %get3A_39] : memref<2x8xf32, #tpu.memory_space<vmem>>, vector<2x8xf32>
    %dot_general3A_41 = arith.constant dense<0.000000e+00> : vector<4000x8xf32>
    %dot_general3A_42 = tpu.matmul %get3A_1, %get3A_40, %dot_general3A_41 {dimension_numbers = #tpu.dot_dimension_numbers<[1], [0], [0], [1], [0, 0, 1, 1], [], []>, transpose_lhs_hint = false} : vector<4000x2xf32>, vector<2x8xf32>, vector<4000x8xf32> -> vector<4000x8xf32>
    %add3A_43 = arith.addf %add3A_37, %dot_general3A_42 : vector<4000x8xf32>
    %max3A_44 = arith.constant 0.000000e+00 : f32
    %max3A_45 = vector.broadcast %max3A_44 : f32 to vector<4000x8xf32>
    %max3A_46 = arith.maximumf %add3A_43, %max3A_45 : vector<4000x8xf32>
    %concatenate3A = tpu.concatenate %max3A_24, %max3A_46 in 1 : vector<4000x24xf32>, vector<4000x8xf32> -> vector<4000x32xf32>
    %swap3A = arith.constant 0 : index
    %swap3A_47 = arith.constant 0 : index
    %swap3A_48 = vector.load %arg12[%swap3A, %swap3A_47] : memref<4000x32xf32, #tpu.memory_space<vmem>>, vector<4000x32xf32>
    tpu.vector_store %arg12[%swap3A, %swap3A_47], %concatenate3A {strides = array<i32>} : memref<4000x32xf32, #tpu.memory_space<vmem>>, vector<4000x32xf32>,
    %get3A_49 = arith.constant 0 : index
    %get3A_50 = arith.constant 0 : index
    %get3A_51 = vector.load %arg11[%get3A_49, %get3A_50] : memref<32x16xf32, #tpu.memory_space<vmem>>, vector<32x16xf32>
    %dot_general3A_52 = arith.constant dense<0.000000e+00> : vector<4000x16xf32>
    %dot_general3A_53 = tpu.matmul %concatenate3A, %get3A_51, %dot_general3A_52 {dimension_numbers = #tpu.dot_dimension_numbers<[1], [0], [0], [1], [0, 0, 1, 1], [], []>, transpose_lhs_hint = false} : vector<4000x32xf32>, vector<32x16xf32>, vector<4000x16xf32> -> vector<4000x16xf32>
    %swap3A_54 = arith.constant 0 : index
    %swap3A_55 = arith.constant 0 : index
    %swap3A_56 = vector.load %arg13[%swap3A_54, %swap3A_55] : memref<4000x16xf32, #tpu.memory_space<vmem>>, vector<4000x16xf32>
    tpu.vector_store %arg13[%swap3A_54, %swap3A_55], %dot_general3A_53 {strides = array<i32>} : memref<4000x16xf32, #tpu.memory_space<vmem>>, vector<4000x16xf32>,
    return
  }
  func.func @transform_0(%arg0: i32) -> (i32, i32) {
    %c0_i32 = arith.constant 0 : i32
    %c0_i32_0 = arith.constant 0 : i32
    return %arg0, %c0_i32 : i32, i32
  }
  func.func @transform_1(%arg0: i32) -> (i32, i32) {
    %c0_i32 = arith.constant 0 : i32
    %c0_i32_0 = arith.constant 0 : i32
    return %arg0, %c0_i32 : i32, i32
  }
  func.func @transform_2(%arg0: i32) -> (i32, i32) {
    %c0_i32 = arith.constant 0 : i32
    %c0_i32_0 = arith.constant 0 : i32
    return %arg0, %c0_i32 : i32, i32
  }
  func.func @transform_3(%arg0: i32) -> (i32, i32) {
    %c0_i32 = arith.constant 0 : i32
    %c0_i32_0 = arith.constant 0 : i32
    return %arg0, %c0_i32 : i32, i32
  }
  func.func @transform_4(%arg0: i32) -> (i32, i32) {
    %c0_i32 = arith.constant 0 : i32
    %c0_i32_0 = arith.constant 0 : i32
    %c0_i32_1 = arith.constant 0 : i32
    return %c0_i32, %c0_i32_0 : i32, i32
  }
  func.func @transform_5(%arg0: i32) -> (i32, i32) {
    %c0_i32 = arith.constant 0 : i32
    %c0_i32_0 = arith.constant 0 : i32
    %c0_i32_1 = arith.constant 0 : i32
    return %c0_i32, %c0_i32_0 : i32, i32
  }
  func.func @transform_6(%arg0: i32) -> (i32, i32) {
    %c0_i32 = arith.constant 0 : i32
    %c0_i32_0 = arith.constant 0 : i32
    %c0_i32_1 = arith.constant 0 : i32
    return %c0_i32, %c0_i32_0 : i32, i32
  }
  func.func @transform_7(%arg0: i32) -> (i32, i32) {
    %c0_i32 = arith.constant 0 : i32
    %c0_i32_0 = arith.constant 0 : i32
    %c0_i32_1 = arith.constant 0 : i32
    return %c0_i32, %c0_i32_0 : i32, i32
  }
  func.func @transform_8(%arg0: i32) -> (i32, i32) {
    %c0_i32 = arith.constant 0 : i32
    %c0_i32_0 = arith.constant 0 : i32
    %c0_i32_1 = arith.constant 0 : i32
    return %c0_i32, %c0_i32_0 : i32, i32
  }
  func.func @transform_9(%arg0: i32) -> (i32, i32) {
    %c0_i32 = arith.constant 0 : i32
    %c0_i32_0 = arith.constant 0 : i32
    %c0_i32_1 = arith.constant 0 : i32
    return %c0_i32, %c0_i32_0 : i32, i32
  }
  func.func @transform_10(%arg0: i32) -> (i32, i32) {
    %c0_i32 = arith.constant 0 : i32
    %c0_i32_0 = arith.constant 0 : i32
    %c0_i32_1 = arith.constant 0 : i32
    return %c0_i32, %c0_i32_0 : i32, i32
  }
  func.func @transform_11(%arg0: i32) -> (i32, i32) {
    %c0_i32 = arith.constant 0 : i32
    %c0_i32_0 = arith.constant 0 : i32
    return %arg0, %c0_i32 : i32, i32
  }
  func.func @transform_12(%arg0: i32) -> (i32, i32) {
    %c0_i32 = arith.constant 0 : i32
    %c0_i32_0 = arith.constant 0 : i32
    return %arg0, %c0_i32 : i32, i32
  }
}

module attributes {stable_mosaic.version = 14 : i64} {
  func.func @body(%arg0: i32, %arg1: memref<4000x32xf32, #tpu.memory_space<vmem>>, %arg2: memref<4000x16xf32, #tpu.memory_space<vmem>>, %arg3: memref<4000x16xf32, #tpu.memory_space<vmem>>, %arg4: memref<4000x32xf32, #tpu.memory_space<vmem>>, %arg5: memref<1x12xf32, #tpu.memory_space<vmem>>, %arg6: memref<32x12xf32, #tpu.memory_space<vmem>>, %arg7: memref<32x4xf32, #tpu.memory_space<vmem>>, %arg8: memref<1x4xf32, #tpu.memory_space<vmem>>, %arg9: memref<32x4xf32, #tpu.memory_space<vmem>>, %arg10: memref<16x8xf32, #tpu.memory_space<vmem>>, %arg11: memref<1x8xf32, #tpu.memory_space<vmem>>, %arg12: memref<8x5xf32, #tpu.memory_space<vmem>>, %arg13: memref<1x5xf32, #tpu.memory_space<vmem>>, %arg14: memref<5x1xf32, #tpu.memory_space<vmem>>, %arg15: memref<4000x1xf32, #tpu.memory_space<vmem>>) attributes {dimension_semantics = [#tpu.dimension_semantics<arbitrary>], iteration_bounds = array<i64: 25>, scalar_prefetch = 0 : i64, scratch_operands = 0 : i64, tpu.core_type = #tpu.core_type<tc>, window_params = [{transform_indices = @transform_0, window_bounds = array<i64: 4000, 32>}, {transform_indices = @transform_1, window_bounds = array<i64: 4000, 16>}, {transform_indices = @transform_2, window_bounds = array<i64: 4000, 16>}, {transform_indices = @transform_3, window_bounds = array<i64: 4000, 32>}, {pipeline_mode = #tpu.pipeline_mode<synchronous>, transform_indices = @transform_4, window_bounds = array<i64: 1, 12>}, {pipeline_mode = #tpu.pipeline_mode<synchronous>, transform_indices = @transform_5, window_bounds = array<i64: 32, 12>}, {pipeline_mode = #tpu.pipeline_mode<synchronous>, transform_indices = @transform_6, window_bounds = array<i64: 32, 4>}, {pipeline_mode = #tpu.pipeline_mode<synchronous>, transform_indices = @transform_7, window_bounds = array<i64: 1, 4>}, {pipeline_mode = #tpu.pipeline_mode<synchronous>, transform_indices = @transform_8, window_bounds = array<i64: 32, 4>}, {pipeline_mode = #tpu.pipeline_mode<synchronous>, transform_indices = @transform_9, window_bounds = array<i64: 16, 8>}, {pipeline_mode = #tpu.pipeline_mode<synchronous>, transform_indices = @transform_10, window_bounds = array<i64: 1, 8>}, {pipeline_mode = #tpu.pipeline_mode<synchronous>, transform_indices = @transform_11, window_bounds = array<i64: 8, 5>}, {pipeline_mode = #tpu.pipeline_mode<synchronous>, transform_indices = @transform_12, window_bounds = array<i64: 1, 5>}, {pipeline_mode = #tpu.pipeline_mode<synchronous>, transform_indices = @transform_13, window_bounds = array<i64: 5, 1>}, {transform_indices = @transform_14, window_bounds = array<i64: 4000, 1>}]} {
    %get3A = arith.constant 0 : index
    %get3A_0 = arith.constant 0 : index
    %get3A_1 = vector.load %arg1[%get3A, %get3A_0] : memref<4000x32xf32, #tpu.memory_space<vmem>>, vector<4000x32xf32>
    %get3A_2 = arith.constant 0 : index
    %get3A_3 = arith.constant 0 : index
    %get3A_4 = vector.load %arg2[%get3A_2, %get3A_3] : memref<4000x16xf32, #tpu.memory_space<vmem>>, vector<4000x16xf32>
    %get3A_5 = arith.constant 0 : index
    %get3A_6 = arith.constant 0 : index
    %get3A_7 = vector.load %arg3[%get3A_5, %get3A_6] : memref<4000x16xf32, #tpu.memory_space<vmem>>, vector<4000x16xf32>
    %add3A = arith.addf %get3A_4, %get3A_7 : vector<4000x16xf32>
    %slice3A = vector.extract_strided_slice %add3A {offsets = [0, 0], sizes = [4000, 12], strides = [1, 1]} : vector<4000x16xf32> to vector<4000x12xf32>
    %get3A_8 = arith.constant 0 : index
    %get3A_9 = arith.constant 0 : index
    %get3A_10 = vector.load %arg5[%get3A_8, %get3A_9] : memref<1x12xf32, #tpu.memory_space<vmem>>, vector<1x12xf32>
    %add3A_11 = vector.broadcast %get3A_10 : vector<1x12xf32> to vector<4000x12xf32>
    %add3A_12 = arith.addf %slice3A, %add3A_11 : vector<4000x12xf32>
    %get3A_13 = arith.constant 0 : index
    %get3A_14 = arith.constant 0 : index
    %get3A_15 = vector.load %arg6[%get3A_13, %get3A_14] : memref<32x12xf32, #tpu.memory_space<vmem>>, vector<32x12xf32>
    %dot_general3A = arith.constant dense<0.000000e+00> : vector<4000x12xf32>
    %dot_general3A_16 = tpu.matmul %get3A_1, %get3A_15, %dot_general3A {dimension_numbers = #tpu.dot_dimension_numbers<[1], [0], [0], [1], [0, 0, 1, 1], [], []>, transpose_lhs_hint = false} : vector<4000x32xf32>, vector<32x12xf32>, vector<4000x12xf32> -> vector<4000x12xf32>
    %add3A_17 = arith.addf %add3A_12, %dot_general3A_16 : vector<4000x12xf32>
    %max3A = arith.constant 0.000000e+00 : f32
    %max3A_18 = vector.broadcast %max3A : f32 to vector<4000x12xf32>
    %max3A_19 = arith.maximumf %add3A_17, %max3A_18 : vector<4000x12xf32>
    %get3A_20 = arith.constant 0 : index
    %get3A_21 = arith.constant 0 : index
    %get3A_22 = vector.load %arg4[%get3A_20, %get3A_21] : memref<4000x32xf32, #tpu.memory_space<vmem>>, vector<4000x32xf32>
    %get3A_23 = arith.constant 0 : index
    %get3A_24 = arith.constant 0 : index
    %get3A_25 = vector.load %arg7[%get3A_23, %get3A_24] : memref<32x4xf32, #tpu.memory_space<vmem>>, vector<32x4xf32>
    %dot_general3A_26 = arith.constant dense<0.000000e+00> : vector<4000x4xf32>
    %dot_general3A_27 = tpu.matmul %get3A_22, %get3A_25, %dot_general3A_26 {dimension_numbers = #tpu.dot_dimension_numbers<[1], [0], [0], [1], [0, 0, 1, 1], [], []>, transpose_lhs_hint = false} : vector<4000x32xf32>, vector<32x4xf32>, vector<4000x4xf32> -> vector<4000x4xf32>
    %get3A_28 = arith.constant 0 : index
    %get3A_29 = arith.constant 0 : index
    %get3A_30 = vector.load %arg8[%get3A_28, %get3A_29] : memref<1x4xf32, #tpu.memory_space<vmem>>, vector<1x4xf32>
    %add3A_31 = vector.broadcast %get3A_30 : vector<1x4xf32> to vector<4000x4xf32>
    %add3A_32 = arith.addf %dot_general3A_27, %add3A_31 : vector<4000x4xf32>
    %get3A_33 = arith.constant 0 : index
    %get3A_34 = arith.constant 0 : index
    %get3A_35 = vector.load %arg9[%get3A_33, %get3A_34] : memref<32x4xf32, #tpu.memory_space<vmem>>, vector<32x4xf32>
    %dot_general3A_36 = arith.constant dense<0.000000e+00> : vector<4000x4xf32>
    %dot_general3A_37 = tpu.matmul %get3A_1, %get3A_35, %dot_general3A_36 {dimension_numbers = #tpu.dot_dimension_numbers<[1], [0], [0], [1], [0, 0, 1, 1], [], []>, transpose_lhs_hint = false} : vector<4000x32xf32>, vector<32x4xf32>, vector<4000x4xf32> -> vector<4000x4xf32>
    %add3A_38 = arith.addf %add3A_32, %dot_general3A_37 : vector<4000x4xf32>
    %max3A_39 = arith.constant 0.000000e+00 : f32
    %max3A_40 = vector.broadcast %max3A_39 : f32 to vector<4000x4xf32>
    %max3A_41 = arith.maximumf %add3A_38, %max3A_40 : vector<4000x4xf32>
    %concatenate3A = tpu.concatenate %max3A_19, %max3A_41 in 1 : vector<4000x12xf32>, vector<4000x4xf32> -> vector<4000x16xf32>
    %get3A_42 = arith.constant 0 : index
    %get3A_43 = arith.constant 0 : index
    %get3A_44 = vector.load %arg10[%get3A_42, %get3A_43] : memref<16x8xf32, #tpu.memory_space<vmem>>, vector<16x8xf32>
    %dot_general3A_45 = arith.constant dense<0.000000e+00> : vector<4000x8xf32>
    %dot_general3A_46 = tpu.matmul %concatenate3A, %get3A_44, %dot_general3A_45 {dimension_numbers = #tpu.dot_dimension_numbers<[1], [0], [0], [1], [0, 0, 1, 1], [], []>, transpose_lhs_hint = false} : vector<4000x16xf32>, vector<16x8xf32>, vector<4000x8xf32> -> vector<4000x8xf32>
    %get3A_47 = arith.constant 0 : index
    %get3A_48 = arith.constant 0 : index
    %get3A_49 = vector.load %arg11[%get3A_47, %get3A_48] : memref<1x8xf32, #tpu.memory_space<vmem>>, vector<1x8xf32>
    %add3A_50 = vector.broadcast %get3A_49 : vector<1x8xf32> to vector<4000x8xf32>
    %add3A_51 = arith.addf %dot_general3A_46, %add3A_50 : vector<4000x8xf32>
    %max3A_52 = arith.constant 0.000000e+00 : f32
    %max3A_53 = vector.broadcast %max3A_52 : f32 to vector<4000x8xf32>
    %max3A_54 = arith.maximumf %add3A_51, %max3A_53 : vector<4000x8xf32>
    %get3A_55 = arith.constant 0 : index
    %get3A_56 = arith.constant 0 : index
    %get3A_57 = vector.load %arg12[%get3A_55, %get3A_56] : memref<8x5xf32, #tpu.memory_space<vmem>>, vector<8x5xf32>
    %dot_general3A_58 = arith.constant dense<0.000000e+00> : vector<4000x5xf32>
    %dot_general3A_59 = tpu.matmul %max3A_54, %get3A_57, %dot_general3A_58 {dimension_numbers = #tpu.dot_dimension_numbers<[1], [0], [0], [1], [0, 0, 1, 1], [], []>, transpose_lhs_hint = false} : vector<4000x8xf32>, vector<8x5xf32>, vector<4000x5xf32> -> vector<4000x5xf32>
    %get3A_60 = arith.constant 0 : index
    %get3A_61 = arith.constant 0 : index
    %get3A_62 = vector.load %arg13[%get3A_60, %get3A_61] : memref<1x5xf32, #tpu.memory_space<vmem>>, vector<1x5xf32>
    %add3A_63 = vector.broadcast %get3A_62 : vector<1x5xf32> to vector<4000x5xf32>
    %add3A_64 = arith.addf %dot_general3A_59, %add3A_63 : vector<4000x5xf32>
    %max3A_65 = arith.constant 0.000000e+00 : f32
    %max3A_66 = vector.broadcast %max3A_65 : f32 to vector<4000x5xf32>
    %max3A_67 = arith.maximumf %add3A_64, %max3A_66 : vector<4000x5xf32>
    %get3A_68 = arith.constant 0 : index
    %get3A_69 = arith.constant 0 : index
    %get3A_70 = vector.load %arg14[%get3A_68, %get3A_69] : memref<5x1xf32, #tpu.memory_space<vmem>>, vector<5x1xf32>
    %dot_general3A_71 = arith.constant dense<0.000000e+00> : vector<4000x1xf32>
    %dot_general3A_72 = tpu.matmul %max3A_67, %get3A_70, %dot_general3A_71 {dimension_numbers = #tpu.dot_dimension_numbers<[1], [0], [0], [1], [0, 0, 1, 1], [], []>, transpose_lhs_hint = false} : vector<4000x5xf32>, vector<5x1xf32>, vector<4000x1xf32> -> vector<4000x1xf32>
    %swap3A = arith.constant 0 : index
    %swap3A_73 = arith.constant 0 : index
    %swap3A_74 = vector.load %arg15[%swap3A, %swap3A_73] : memref<4000x1xf32, #tpu.memory_space<vmem>>, vector<4000x1xf32>
    tpu.vector_store %arg15[%swap3A, %swap3A_73], %dot_general3A_72 {strides = array<i32>} : memref<4000x1xf32, #tpu.memory_space<vmem>>, vector<4000x1xf32>,
    return
  }
  func.func @transform_0(%arg0: i32) -> (i32, i32) {
    %c0_i32 = arith.constant 0 : i32
    %c0_i32_0 = arith.constant 0 : i32
    return %arg0, %c0_i32 : i32, i32
  }
  func.func @transform_1(%arg0: i32) -> (i32, i32) {
    %c0_i32 = arith.constant 0 : i32
    %c0_i32_0 = arith.constant 0 : i32
    return %arg0, %c0_i32 : i32, i32
  }
  func.func @transform_2(%arg0: i32) -> (i32, i32) {
    %c0_i32 = arith.constant 0 : i32
    %c0_i32_0 = arith.constant 0 : i32
    return %arg0, %c0_i32 : i32, i32
  }
  func.func @transform_3(%arg0: i32) -> (i32, i32) {
    %c0_i32 = arith.constant 0 : i32
    %c0_i32_0 = arith.constant 0 : i32
    return %arg0, %c0_i32 : i32, i32
  }
  func.func @transform_4(%arg0: i32) -> (i32, i32) {
    %c0_i32 = arith.constant 0 : i32
    %c0_i32_0 = arith.constant 0 : i32
    %c0_i32_1 = arith.constant 0 : i32
    return %c0_i32, %c0_i32_0 : i32, i32
  }
  func.func @transform_5(%arg0: i32) -> (i32, i32) {
    %c0_i32 = arith.constant 0 : i32
    %c0_i32_0 = arith.constant 0 : i32
    %c0_i32_1 = arith.constant 0 : i32
    return %c0_i32, %c0_i32_0 : i32, i32
  }
  func.func @transform_6(%arg0: i32) -> (i32, i32) {
    %c0_i32 = arith.constant 0 : i32
    %c0_i32_0 = arith.constant 0 : i32
    %c0_i32_1 = arith.constant 0 : i32
    return %c0_i32, %c0_i32_0 : i32, i32
  }
  func.func @transform_7(%arg0: i32) -> (i32, i32) {
    %c0_i32 = arith.constant 0 : i32
    %c0_i32_0 = arith.constant 0 : i32
    %c0_i32_1 = arith.constant 0 : i32
    return %c0_i32, %c0_i32_0 : i32, i32
  }
  func.func @transform_8(%arg0: i32) -> (i32, i32) {
    %c0_i32 = arith.constant 0 : i32
    %c0_i32_0 = arith.constant 0 : i32
    %c0_i32_1 = arith.constant 0 : i32
    return %c0_i32, %c0_i32_0 : i32, i32
  }
  func.func @transform_9(%arg0: i32) -> (i32, i32) {
    %c0_i32 = arith.constant 0 : i32
    %c0_i32_0 = arith.constant 0 : i32
    %c0_i32_1 = arith.constant 0 : i32
    return %c0_i32, %c0_i32_0 : i32, i32
  }
  func.func @transform_10(%arg0: i32) -> (i32, i32) {
    %c0_i32 = arith.constant 0 : i32
    %c0_i32_0 = arith.constant 0 : i32
    %c0_i32_1 = arith.constant 0 : i32
    return %c0_i32, %c0_i32_0 : i32, i32
  }
  func.func @transform_11(%arg0: i32) -> (i32, i32) {
    %c0_i32 = arith.constant 0 : i32
    %c0_i32_0 = arith.constant 0 : i32
    %c0_i32_1 = arith.constant 0 : i32
    return %c0_i32, %c0_i32_0 : i32, i32
  }
  func.func @transform_12(%arg0: i32) -> (i32, i32) {
    %c0_i32 = arith.constant 0 : i32
    %c0_i32_0 = arith.constant 0 : i32
    %c0_i32_1 = arith.constant 0 : i32
    return %c0_i32, %c0_i32_0 : i32, i32
  }
  func.func @transform_13(%arg0: i32) -> (i32, i32) {
    %c0_i32 = arith.constant 0 : i32
    %c0_i32_0 = arith.constant 0 : i32
    %c0_i32_1 = arith.constant 0 : i32
    return %c0_i32, %c0_i32_0 : i32, i32
  }
  func.func @transform_14(%arg0: i32) -> (i32, i32) {
    %c0_i32 = arith.constant 0 : i32
    %c0_i32_0 = arith.constant 0 : i32
    return %arg0, %c0_i32 : i32, i32
  }
}

</mosaic_0001>

<sc_bundles>
// kernel: kernel.11.cloned.1.call-start
scs
__scs_entry_jumppad:
0x0: {  	(pc) =	sbr.rel $0x88, $3  }
0x1: {  	(tag) =	ssettag $0x0;
	lr =	simm.s32 $0x1  }
0x2: {  	[smem:$0x3F8C] =	sst lr;
	_ =	strace $0xD0000000  }
0x3: {  	_ = 	snop  }
0x4: {  	_ = 	snop  }
0x5: {  	_ = 	snop  }
0x6: {  	_ = 	snop  }
0x7: {  	_ = 	snop  }
__scs_overlays_trampoline_lowered:
0x8: {  	[smem:$0x3F9B] =	sst s0  }
0x9: {  	[smem:$0x3F9C] =	sst s1  }
0xa: {  	[smem:$0x3F9D] =	sst s2  }
0xb: {  	[smem:$0x3F9E] =	sst s3  }
0xc: {  	[smem:$0x3F9F] =	sst s4  }
0xd: {  	[smem:$0x3FA0] =	sst s5  }
0xe: {  	[smem:$0x3FA1] =	sst s6  }
0xf: {  	[smem:$0x3FA2] =	sst s7  }
0x10: {  	[smem:$0x3FA3] =	sst s8  }
0x11: {  	[smem:$0x3FA4] =	sst s9;
	s0 =	simm.s32 @!p0 $0x0  }
0x12: {  	s1 =	sld [smem:$0x3F8A];
	s0 =	simm.s32 @p0 $0x1  }
0x13: {  	[smem:$0x3FA5] =	sst s0;
	s0 =	simm.s32 @!p1 $0x0  }
0x14: {  	s2 =	sld [smem:$0x3F89];
	s0 =	simm.s32 @p1 $0x1  }
0x15: {  	[smem:$0x3FA6] =	sst s0;
	s0 =	simm.s32 @!p2 $0x0  }
0x16: {  	s3 =	sld [smem:$0x3FDB];
	s0 =	simm.s32 @p2 $0x1  }
0x17: {  	s4 =	simm.s32 $0x1BF5;
	[smem:$0x3FA8] =	sst s0  }
0x18: {  	s0 =	sld [smem:$0x3F8B];
	_ =	swait.ge [sflag:s4], $0x0  }
0x19: {  	s7 =	sld [smem:$0x3F8C]  }
0x1a: {  	s8 =	sadd.s32 $0xFFFFE003, lr  }
0x1b: {  	s9 =	sadd.s32 $0xFFFFFEF7, lr;
	s5 =	simm.s32 $0xFFFFFFFF;
	p2 =	slt.u32 s8, $0xFFFFF086  }
0x1c: {  	p1 =	slt.u32 s9, $0xF7A;
	s5 =	simm.s32 @!p2 $0x0  }
0x1d: {  	s5 =	simm.s32 @p1 $0x1;
	p0 =	seq.s32 s7, s2  }
0x1e: {  	s7 =	smul.u32 @!p0 $0xF7A, s2;
	p2 =	seq.s32 @!p0 s5, $0x0  }
0x1f: {  	s9 =	smul.u32 $0xF7A, s1;
	s8 =	simm.s32 @!p0 $0x1BF5;
	p2 =	por !p2, p0  }
0x20: {  	[sflag:s8] =	ssyncset.s32 @!p0 $0xFFFFF086;
	s6 =	sadd.s32 @!p0 s3, s7;
	s7 =	simm.s32 @!p0 $0x108  }
0x21: {  	s3 =	sadd.s32 s3, s9;
	s6 =	sadd.s32 @!p0 $0x88, s6;
	s7 =	simm.s32 @p2 $0x1082  }
0x22: {  	[simem:s7], [sflag:s8] =	dma.local @!p0 [hbm:s6], $0xF7A  }
0x23: {  	s9 =	sor.u32 $0xD0000000, s2;
	s6 =	simm.s32 $0x108;
	_ =	swait.ge @!p0 [sflag:s8], $0x0  }
0x24: {  	s3 =	sadd.s32 $0x88, s3;
	s6 =	simm.s32 @!p1 $0x1082;
	[sflag:s4] =	ssyncset.s32 $0xFFFFF086  }
0x25: {  	[simem:s6], [sflag:s4] =	dma.local [hbm:s3], $0xF7A  }
0x26: {  	[smem:$0x3F8C] =	sst s1;
	(tag) =	ssettag s2;
	_ =	strace s9  }
0x27: {  	s1 =	sld [smem:$0x3F9C]  }
0x28: {  	s2 =	sld [smem:$0x3F9D]  }
0x29: {  	s4 =	sld [smem:$0x3F9F]  }
0x2a: {  	p0 =	seq.s32 s5, $0x0;
	s5 =	sld [smem:$0x3FA0]  }
0x2b: {  	s6 =	sld [smem:$0x3FA1]  }
0x2c: {  	s7 =	sld [smem:$0x3FA2]  }
0x2d: {  	s3 =	simm.s32 $0x108;
	s8 =	sld [smem:$0x3FA3]  }
0x2e: {  	s3 =	simm.s32 @!p0 $0x1082;
	s9 =	sld [smem:$0x3FA4]  }
0x2f: {  	lr =	sadd.s32 s0, s3;
	s0 =	sld [smem:$0x3F9B]  }
0x30: {  	s3 =	sld [smem:$0x3F9E]  }
0x31: {  	[smem:$0x3FA7] =	sst s10  }
0x32: {  	s10 =	sld [smem:$0x3FA5];
	_ =	sdelay $0x3  }
0x33: {  	p0 =	seq.s32 s10, $0x1;
	s10 =	sld [smem:$0x3FA7];
	_ =	sdelay $0x3  }
0x34: {  	[smem:$0x3FA7] =	sst s10  }
0x35: {  	s10 =	sld [smem:$0x3FA6];
	_ =	sdelay $0x3  }
0x36: {  	p1 =	seq.s32 s10, $0x1;
	s10 =	sld [smem:$0x3FA7];
	_ =	sdelay $0x3  }
0x37: {  	[smem:$0x3FA7] =	sst s10  }
0x38: {  	s10 =	sld [smem:$0x3FA8]  }
0x39: {  	_ = 	snop;
	(pc) =	sbr.ind lr, $3  }
0x3a: {  	_ = 	snop  }
0x3b: {  	_ = 	snop  }
0x3c: {  	p2 =	seq.s32 s10, $0x1;
	s10 =	sld [smem:$0x3FA7]  }
0x3d: {  	_ =	shalt  }
0x3e: {  	_ =	shalt  }
0x3f: {  	_ =	shalt  }
0x40: {  	_ =	shalt  }
0x41: {  	_ =	shalt  }
0x42: {  	_ =	shalt  }
0x43: {  	_ =	shalt  }
0x44: {  	_ =	shalt  }
0x45: {  	_ =	shalt  }
0x46: {  	_ =	shalt  }
0x47: {  	_ =	shalt  }
0x48: {  	_ =	shalt  }
0x49: {  	_ =	shalt  }
0x4a: {  	_ =	shalt  }
0x4b: {  	_ =	shalt  }
0x4c: {  	_ =	shalt  }
0x4d: {  	_ =	shalt  }
0x4e: {  	_ =	shalt  }
0x4f: {  	_ =	shalt  }
0x50: {  	_ =	shalt  }
0x51: {  	_ =	shalt  }
0x52: {  	_ =	shalt  }
0x53: {  	_ =	shalt  }
0x54: {  	_ =	shalt  }
0x55: {  	_ =	shalt  }
0x56: {  	_ =	shalt  }
0x57: {  	_ =	shalt  }
0x58: {  	_ =	shalt  }
0x59: {  	_ =	shalt  }
0x5a: {  	_ =	shalt  }
0x5b: {  	_ =	shalt  }
0x5c: {  	_ =	shalt  }
0x5d: {  	_ =	shalt  }
0x5e: {  	_ =	shalt  }
0x5f: {  	_ =	shalt  }
0x60: {  	_ =	shalt  }
0x61: {  	_ =	shalt  }
0x62: {  	_ =	shalt  }
0x63: {  	_ =	shalt  }
0x64: {  	_ =	shalt  }
0x65: {  	_ =	shalt  }
0x66: {  	_ =	shalt  }
0x67: {  	_ =	shalt  }
0x68: {  	_ =	shalt  }
0x69: {  	_ =	shalt  }
0x6a: {  	_ =	shalt  }
0x6b: {  	_ =	shalt  }
0x6c: {  	_ =	shalt  }
0x6d: {  	_ =	shalt  }
0x6e: {  	_ =	shalt  }
0x6f: {  	_ =	shalt  }
0x70: {  	_ =	shalt  }
0x71: {  	_ =	shalt  }
0x72: {  	_ =	shalt  }
0x73: {  	_ =	shalt  }
0x74: {  	_ =	shalt  }
0x75: {  	_ =	shalt  }
0x76: {  	_ =	shalt  }
0x77: {  	_ =	shalt  }
0x78: {  	_ =	shalt  }
0x79: {  	_ =	shalt  }
0x7a: {  	_ =	shalt  }
0x7b: {  	_ =	shalt  }
0x7c: {  	_ =	shalt  }
0x7d: {  	_ =	shalt  }
0x7e: {  	_ =	shalt  }
0x7f: {  	_ =	shalt  }
0x80: {  	_ =	shalt  }
0x81: {  	_ =	shalt  }
0x82: {  	_ =	shalt  }
0x83: {  	_ =	shalt  }
0x84: {  	_ =	shalt  }
0x85: {  	_ =	shalt  }
0x86: {  	_ =	shalt  }
0x87: {  	_ =	shalt  }
.Lfunc_end0:
.L_simem_size_0:
called_computation.1_lowered:
.L_overlay_start_0:
0x88: {  	s2 =	sld [smem:$0x3FD9]  }
0x89: {  	s3 =	sld [smem:$0x3FFE];
	_ =	sdelay $0x1  }
0x8a: {  	s1 =	srdreg.scid  }
0x8b: {  	s0 =	sand.u32 $0x1, s1  }
0x8c: {  	s17 =	sshll.u32 s0, $0xA;
	s2 =	sadd.s32 s3, s2  }
0x8d: {  	s2 =	sadd.s32 s2, s17  }
0x8e: {  	[smem:$0x3FB3] =	sst s2  }
0x8f: {  	_ = 	snop  }
0x90: {  	(tm) =	ssettm $0x1  }
0x91: {  	s18 =	sld [smem:$0x3FFB];
	_ =	sdelay $0x3  }
0x92: {  	_ =	strace s18  }
0x93: {  	s2 =	sld [smem:$0x3FFC];
	_ =	sdelay $0x3  }
0x94: {  	_ =	strace s2  }
0x95: {  	s2 =	sld [smem:$0x3FFD];
	_ =	sdelay $0x3  }
0x96: {  	_ =	strace s2  }
0x97: {  	_ =	strace $0x8FFFFFFF  }
0x98: {  	s19 =	sld [smem:$0x3FDB];
	_ =	sdelay $0x1  }
0x99: {  	s20 =	simm.s32 $_scs_section_size  }
0x9a: {  	s4 =	simm.s32 $_size__tile_overlayer_lowered;
	s5 =	simm.s32 $_tile_overlayer_lowered  }
0x9b: {  	s6 =	simm.s32 $0x1BFF;
	s21 =	sshll.u32 s5, $0x1;
	s3 =	sadd.s32 s20, s19  }
0x9c: {  	s22 =	simm.s32 $0x0;
	s4 =	sshll.u32 s4, $0x1;
	s5 =	sadd.s32 s21, s3  }
0x9d: {  	[timem:s22], [sflag:s6] =	dma.local [hbm:s5], s4  }
0x9e: {  	_ =	swait.ge [sflag:s6], s4  }
0x9f: {  	s4 =	ssub.s32 $0x0, s4;
	[sflag:s6] =	ssyncset.done $0x0  }
0xa0: {  	[sflag:s6] =	ssyncadd.s32 s4;
	_ =	sdelay $0x1  }
0xa1: {  	s23 =	simm.s32 $0x1B8B  }
0xa2: {  	_ =	swait.ge [sflag:s23], $0x1  }
0xa3: {  	[sflag:s23] =	ssyncset.done $0x0  }
0xa4: {  	[sflag:s23] =	ssyncadd.s32 $0xFFFFFFFF  }
0xa5: {  	s4 =	sld [smem:$0x0]  }
0xa6: {  	s5 =	sand.u32 $0xFFFFFFFE, s1  }
0xa7: {  	p0 =	sne.s32 s1, s5  }
0xa8: {  	s5 =	sshll.u32 @p0 s5, $0xE  }
0xa9: {  	s5 =	sadd.s32 @p0 $0x11B8D, s5;
	s6 =	sshll.u32 @p0 s4, $0x11  }
0xaa: {  	s5 =	sor.u32 @p0 s6, s5  }
0xab: {  	[sflag:s5] =	ssyncadd.remote.s32 @p0 $0x1;
	_ =	sdelay $0x1  }
0xac: {  	s5 =	simm.s32 @p0 $0x1B8D  }
0xad: {  	_ =	swait.eq @p0 [sflag:s5], $0x1  }
0xae: {  	[sflag:s5] =	ssyncadd.s32 @p0 $0xFFFFFFFF  }
0xaf: {  	s6 =	sshll.u32 @!p0 s1, $0xE  }
0xb0: {  	s6 =	sor.u32 @!p0 $0x4000, s6;
	s5 =	simm.s32 @!p0 $0x1B8D  }
0xb1: {  	s4 =	sshll.u32 @!p0 s4, $0x11;
	s6 =	sadd.s32 @!p0 $0x11B8D, s6;
	_ =	swait.eq @!p0 [sflag:s5], $0x1  }
0xb2: {  	s4 =	sor.u32 @!p0 s4, s6;
	[sflag:s5] =	ssyncadd.s32 @!p0 $0xFFFFFFFF  }
0xb3: {  	s25 =	simm.s32 $0x1B8E;
	s24 =	sld [smem:$0x3FFE];
	[sflag:s4] =	ssyncadd.remote.s32 @!p0 $0x1  }
0xb4: {  	s26 =	simm.s32 $execute0_lowered;
	[smem:$0x3FD2] =	sst s25  }
0xb5: {  	s5 =	sshll.u32 s26, $0x1;
	_ =	strace $0x80000049;
	[dreg:$0x1] =	wrdreg $0xFFFFFFFF  }
0xb6: {  	s28 =	simm.s32 $_size_execute0_lowered;
	s3 =	sadd.s32 s3, s5;
	[dreg:$0x0] =	wrdreg $0x0  }
0xb7: {  	s5 =	sshll.u32 s28, $0x1;
	[dreg:$0x2] =	wrdreg s3  }
0xb8: {  	[dreg:$0x3] =	wrdreg s5  }
0xb9: {  	[dreg:$0x4] =	wrdreg $0xC0  }
0xba: {  	_ =	task [dreg:s22], $0x5FFFF  }
0xbb: {  	[dreg:$0x1] =	wrdreg $0xFFFFFFFF  }
0xbc: {  	[dreg:$0x0] =	wrdreg $0x60  }
0xbd: {  	[dreg:$0x2] =	wrdreg s24  }
0xbe: {  	[dreg:$0x3] =	wrdreg $0xA  }
0xbf: {  	_ =	task.clear_ibuf [dreg:s22], $0x4FFFF;
	_ =	strace $0x90000049  }
0xc0: {  	s29 =	simm.s32 $0xA;
	_ =	strace $0x8000004B  }
0xc1: {  	_ =	swait.ge [sflag:s29], $0x1  }
0xc2: {  	[sflag:s29] =	ssyncadd.s32 $0xFFFFFFFF  }
0xc3: {  	_ =	strace $0x9000004B  }
0xc4: {  	_ =	sfence  }
0xc5: {  	s30 =	sld [smem:$0x0];
	_ =	sdelay $0x2  }
0xc6: {  	s31 =	sshll.u32 s1, $0xD;
	s1 =	sshrl.u32 s1, $0x2  }
0xc7: {  	s4 =	sand.u32 $0x4000, s31;
	s1 =	sadd.s32 s1, s30  }
0xc8: {  	s0 =	sor.u32 s4, s0;
	s1 =	sshll.u32 s1, $0x11  }
0xc9: {  	s0 =	sor.u32 s1, s0  }
0xca: {  	s0 =	sadd.s32 $0x8F2B, s0  }
0xcb: {  	[sflag:s0] =	ssyncadd.remote.s32 $0x1  }
0xcc: {  	_ =	sfence.sel $0xFFFF  }
0xcd: {  	[dreg:$0x0] =	wrdreg $0xFFFFFFFF;
	(pc) =	sbr.abs _section_cstart, $3  }
0xce: {  	[dreg:$0x1] =	wrdreg $0xFFFFFFFF  }
0xcf: {  	_ =	task.clear_ibuf [dreg:s22], $0x2FFFF;
	_ =	strace $0x9FFFFFFF  }
0xd0: {  	(tm) =	ssettm $0x7FFFFFFF  }
0xd1: {  	_ =	shalt  }
tec
execute0_lowered:
.L_overlay_start_1:
0x0: {  	(tag) =	ssettag $0x1  }
0x1: {  	s6 =	rddreg [dreg:$0x0]  }
0x2: {  	s1 =	srdreg.scid;
	s0 =	rddreg [dreg:$0x1]  }
0x3: {  	s2 =	simm.s32 $0x0;
	s10 =	simm.s32 $0x4B00;
	s11 =	simm.s32 $0x7D00  }
0x4: {  	s13 =	simm.s32 $0x200;
	s14 =	simm.s32 $0xE200;
	s15 =	simm.s32 $0xE400  }
0x5: {  	s16 =	simm.s32 $0x1;
	s17 =	simm.s32 $0x0;
	s3 =	sand.u32 $0x1, s1  }
0x6: {  	s1 =	stileid.u32;
	[smem:$0x7FF] =	sst s2;
	s4 =	sshll.u32 s3, $0x4  }
0x7: {  	s5 =	sadd.s32 $0x3800, s6;
	s8 =	ssub.s32 $0x2, s3;
	s12 =	sor.u32 s1, s4  }
0x8: {  	_ =	strace $0x8000004A;
	s9 =	sshrl.u32 s8, $0x1;
	s7 =	smul.u32 $0x310, s12  }
0x9: {  	s3 =	sadd.s32 $0x1EBE00, s6;
	s4 =	sadd.s32 $0x34600, s6;
	s31 =	ssub.s32 s8, s9  }
0xa: {  	v1 =	vlaneseq.u32;
	v2 =	vimm.f32 $-3.402823470e+38;
	s8 =	simm.s32 $0x1900;
	s9 =	simm.s32 $0x2;
	s6 =	sadd.s32 s7, s6  }
0xb: {  	v3 =	vimm.s32 $0x0;
	v4 =	vand.u32 $0x1, v1;
	v0 =	vmov s12;
	s12 =	simm.s32 $0xAF80;
	s7 =	smax.u32 s31, $0x1;
	s6 =	sadd.s32 $0x1FE400, s6  }
.LBB2_1:
0xc: {  	s18 =	simm.s32 $0x0  }
.LBB2_2:
0xd: {  	p0 =	sne.s32 s18, $0x6240  }
.Ltmp0:
0xe: {  	_ = 	snop;
	(pc) =	sbr.rel @p0 .LBB2_2-.Ltmp0, $3  }
0xf: {  	_ =	sdelay $0x1  }
0x10: {  	s19 =	sshra.s32 s18, $0x2  }
0x11: {  	s18 =	sadd.s32 $0x40, s18;
	[tilespmem:s19+$0x0] =	vst v2  }
0x12: {  	s18 =	simm.s32 $0x0  }
0x13: {  	v5 =	vor.u32 s18, v1  }
0x14: {  	s19 =	simm.s32 $0x7D00;
	v5 =	vand.u32 $0x1FFF, v5  }
0x15: {  	s20 =	simm.s32 $0x10;
	[tilespmem:s19+$0x0] =	vst v5  }
.LBB2_4:
0x16: {  	p0 =	sne.s32 s20, $0x3210  }
.Ltmp1:
0x17: {  	_ = 	snop;
	(pc) =	sbr.rel @p0 .LBB2_4-.Ltmp1, $4  }
0x18: {  	_ = 	snop  }
0x19: {  	v5 =	vor.u32 s20, v1;
	s20 =	sadd.s32 $0x10, s20  }
0x1a: {  	s19 =	sadd.s32 $0x10, s19;
	v5 =	vand.u32 $0x1FFF, v5  }
0x1b: {  	[tilespmem:s19+$0x0] =	vst v5  }
.Ltmp2:
0x1c: {  	_ = 	snop;
	(pc) =	sbr.rel .LBB2_5-.Ltmp2, $1  }
0x1d: {  	_ =	sdelay $0x3  }
.LBB2_16:
0x1e: {  	s18 =	sadd.s32 $0x1, s18  }
0x1f: {  	p0 =	sne.s32 s18, $0x7D  }
.Ltmp3:
0x20: {  	_ = 	snop;
	(pc) =	sbr.rel @!p0 .LBB2_17-.Ltmp3, $1  }
0x21: {  	_ =	sdelay $0x3  }
.LBB2_5:
0x22: {  	s19 =	smul.u32 $0x640, s18;
	_ =	sdelay $0x1  }
0x23: {  	s21 =	simm.s32 $0x0;
	s20 =	sadd.s32 s4, s19  }
0x24: {  	[tilespmem:s8], [sflag:$0x2] =	stream.linear.gather [hbm4b:s20+s21], $0x3200, $0x38;
	[tilespmem:$0xE680] =	vst v63  }
0x25: {  	_ =	swait.ge [sflag:s9], $0x3200  }
0x26: {  	[sflag:s9] =	ssyncset.done $0x0  }
0x27: {  	s19 =	sadd.s32 s5, s19;
	[sflag:s9] =	ssyncadd.s32 $0xFFFFCE00  }
0x28: {  	[tilespmem:s10], [sflag:$0x2] =	stream.linear.gather [hbm4b:s19+s21], $0x3200, $0x38;
	[tilespmem:$0xE680] =	vst v63  }
0x29: {  	_ =	swait.ge [sflag:s9], $0x3200  }
0x2a: {  	[sflag:s9] =	ssyncset.done $0x0  }
0x2b: {  	s19 =	simm.s32 $0x0;
	[sflag:s9] =	ssyncadd.s32 $0xFFFFCE00  }
0x2c: {  	v7 =	vimm.s32 $0x0;
	v6 =	vimm.s32 $0x0;
	s20 =	simm.s32 $0x40;
	v5 =	vld [tilespmem:s19+$0x4B00]  }
.LBB2_6:
0x2d: {  	p0 =	sne.s32 s20, $0xC7C0;
	_ =	sdelay $0x3  }
0x2e: {  	v8 =	vand.u32 $0x1F, v5  }
0x2f: {  	vm0 =	veq.s32 v8, v0  }
0x30: {  	v8 =	vsel vm0, $0x1, v3;
	v9 =	vmpcnt.ones.xlane vm0  }
0x31: {  	(xrf0) =	vadd.scan.msk.s32 $0xffff, v8  }
0x32: {  	v7 =	vadd.s32 v7, v9;
	_ =	sdelay $0x4  }
0x33: {  	v8, _, _ =	vpop (xrf0)  }
0x34: {  	v8 =	vadd.s32 v8, v6;
	v6 =	vmov v7  }
0x35: {  	v9 =	vld [tilespmem:s19+$0x1900];
	v8 =	vadd.s32 $0xFFFFFFFF, v8;
	_ =	sdelay $0x2  }
.Ltmp4:
0x36: {  	(pc) =	sbr.rel @p0 .LBB2_6-.Ltmp4, $4  }
0x37: {  	_ = 	snop  }
0x38: {  	v5 =	vshra.s32 v5, $0x5;
	[tilespmem:v8+s11+$0x0] =	vst.idx.msk vm0, v9  }
0x39: {  	s19 =	sshra.s32 s20, $0x2;
	[tilespmem:v8+s12+$0x0] =	vst.idx.msk vm0, v5  }
0x3a: {  	s20 =	sadd.s32 $0x40, s20;
	v5 =	vld [tilespmem:s19+$0x4B00]  }
0x3b: {  	_ =	sdelay $0x3  }
0x3c: {  	v8 =	vand.u32 $0x1F, v5  }
0x3d: {  	vm0 =	veq.s32 v8, v0  }
0x3e: {  	v8 =	vmpcnt.ones.xlane vm0;
	_ =	sdelay $0x1  }
0x3f: {  	v7 =	vadd.s32 v7, v8  }
0x40: {  	(v2sf) =	vpush v7, $0x0;
	_ =	sdelay $0x5  }
0x41: {  	v7 =	vsel vm0, $0x1, v3  }
0x42: {  	(xrf0) =	vadd.scan.msk.s32 $0xffff, v7;
	_ =	sdelay $0x5  }
0x43: {  	v7, _, _ =	vpop (xrf0)  }
0x44: {  	v6 =	vadd.s32 v7, v6  }
0x45: {  	v7 =	vld [tilespmem:s19+$0x1900];
	v6 =	vadd.s32 $0xFFFFFFFF, v6;
	s19 =	spop (v2sf)  }
0x46: {  	p0 =	slt.s32 s19, $0x1  }
.Ltmp5:
0x47: {  	_ = 	snop;
	(pc) =	sbr.rel @p0 .LBB2_16-.Ltmp5, $3  }
0x48: {  	_ =	sdelay $0x1  }
0x49: {  	v5 =	vshra.s32 v5, $0x5;
	[tilespmem:v6+s11+$0x0] =	vst.idx.msk vm0, v7  }
0x4a: {  	[tilespmem:v6+s12+$0x0] =	vst.idx.msk vm0, v5  }
.Ltmp6:
0x4b: {  	(pc) =	sbr.rel .LBB2_9-.Ltmp6, $3  }
0x4c: {  	_ =	sdelay $0x1  }
0x4d: {  	s20 =	sadd.s32 $0xFFFFFFFF, s19  }
0x4e: {  	s21 =	smov.u32 s19;
	s22 =	simm.s32 $0x0;
	v5 =	vmov s20;
	s20 =	simm.s32 $0x0  }
.LBB2_14:
0x4f: {  	_ =	sdelay $0x2  }
0x50: {  	v7 =	vmax.f32 v8, v7  }
0x51: {  	[tilespmem:v6+s2+$0x0] =	vst.idx.msk $0x3, v7  }
.LBB2_15:
0x52: {  	s22 =	sadd.s32 $0x100, s22  }
0x53: {  	p0 =	slt.s32 s22, s19  }
.Ltmp7:
0x54: {  	_ = 	snop;
	(pc) =	sbr.rel @!p0 .LBB2_16-.Ltmp7, $2  }
0x55: {  	_ =	sdelay $0x2  }
0x56: {  	s21 =	sadd.s32 $0xFFFFFF00, s21  }
.LBB2_9:
0x57: {  	v7 =	vor.u32 s20, v1  }
0x58: {  	v6 =	vmov s22;
	v7 =	vshrl.u32 v7, $0x1  }
0x59: {  	v7 =	vor.u32 v6, v7  }
0x5a: {  	vm0 =	vlt.s32 v7, v5  }
0x5b: {  	v7 =	vsel vm0, v7, v5;
	_ =	sdelay $0x2  }
0x5c: {  	s23 =	simm.s32 $0x10  }
0x5d: {  	v8 =	vor.u32 s23, v1  }
0x5e: {  	v8 =	vshrl.u32 v8, $0x1;
	v7 =	vld.idx.msk [tilespmem:v7+s11+$0x0], $0xffff  }
0x5f: {  	v8 =	vor.u32 v6, v8  }
0x60: {  	vm15 =	vlt.s32 v8, v5  }
0x61: {  	v9 =	vsel vm15, v8, v5;
	_ =	sdelay $0x1  }
0x62: {  	p0 =	sgt.s32 s21, $0x1;
	s23 =	smov.u32 s21;
	v7 =	vshll.u32 v7, $0x1  }
0x63: {  	s24 =	simm.s32 $0xE200;
	s23 =	simm.s32 @!p0 $0x1;
	v7 =	vor.u32 v4, v7  }
0x64: {  	s25 =	simm.s32 $0x20;
	s23 =	smin.u32 s23, $0x100;
	[tilespmem:s24+$0x0] =	vst v7  }
0x65: {  	s23 =	sshll.u32 s23, $0x1;
	v8 =	vor.u32 s25, v1;
	s25 =	simm.s32 $0x30;
	v7 =	vld.idx.msk [tilespmem:v9+s11+$0x0], $0xffff  }
.LBB2_10:
0x66: {  	p0 =	sne.s32 s25, $0x1F0;
	v8 =	vshrl.u32 v8, $0x1  }
0x67: {  	v8 =	vor.u32 v6, v8  }
0x68: {  	vm0 =	vlt.s32 v8, v5  }
0x69: {  	v9 =	vsel vm0, v8, v5  }
.Ltmp8:
0x6a: {  	(pc) =	sbr.rel @p0 .LBB2_10-.Ltmp8, $4  }
0x6b: {  	v7 =	vshll.u32 v7, $0x1  }
0x6c: {  	s24 =	sadd.s32 $0x10, s24;
	v7 =	vor.u32 v4, v7  }
0x6d: {  	[tilespmem:s24+$0x0] =	vst v7  }
0x6e: {  	v8 =	vor.u32 s25, v1;
	s25 =	sadd.s32 $0x10, s25;
	v7 =	vld.idx.msk [tilespmem:v9+s11+$0x0], $0xffff  }
0x6f: {  	v8 =	vshrl.u32 v8, $0x1  }
0x70: {  	v8 =	vor.u32 v6, v8  }
0x71: {  	vm0 =	vlt.s32 v8, v5  }
0x72: {  	v8 =	vsel vm0, v8, v5;
	_ =	sdelay $0x1  }
0x73: {  	v7 =	vshll.u32 v7, $0x1  }
0x74: {  	s24 =	sadd.s32 $0x10, s24;
	v7 =	vor.u32 v4, v7  }
0x75: {  	[tilespmem:s24+$0x0] =	vst v7  }
0x76: {  	v7 =	vld.idx.msk [tilespmem:v8+s11+$0x0], $0xffff;
	_ =	sdelay $0x4  }
0x77: {  	s31 =	ssub.s32 s19, s22;
	v7 =	vshll.u32 v7, $0x1  }
0x78: {  	p0 =	slt.s32 s31, $0x1;
	s24 =	sadd.s32 $0x10, s24;
	v7 =	vor.u32 v4, v7  }
.Ltmp9:
0x79: {  	[tilespmem:s24+$0x0] =	vst v7;
	(pc) =	sbr.rel @p0 .LBB2_15-.Ltmp9, $4  }
0x7a: {  	[tilespmem:s15], [sflag:$0x1] =	stream.indirect.gather [hbm4b:s3+s13], $0x1, s14, s13, $0xb8;
	[tilespmem:$0xE680] =	vst v63  }
0x7b: {  	_ =	swait.ge [sflag:s16], $0x200  }
0x7c: {  	[sflag:s16] =	ssyncset.done $0x0  }
0x7d: {  	s24 =	simm.s32 $0x0;
	[sflag:s16] =	ssyncadd.s32 $0xFFFFFE00  }
0x7e: {  	_ =	sdelay $0x3  }
0x7f: {  	v6 =	vld.idx.msk [tilespmem:v6+s12+$0x0], $0xffff;
	_ =	sdelay $0x4  }
0x80: {  	(v2sf) =	vpush v6, $0x0;
	_ =	sdelay $0xe  }
0x81: {  	s25 =	spop (v2sf)  }
0x82: {  	v7 =	vadd.s32 s24, v1;
	s31 =	sshll.u32 s25, $0x1  }
0x83: {  	v6 =	vadd.s32 s31, v1  }
0x84: {  	p0 =	sne.s32 s23, $0x2  }
.Ltmp10:
0x85: {  	_ = 	snop;
	(pc) =	sbr.rel @!p0 .LBB2_14-.Ltmp10, $4  }
0x86: {  	_ = 	snop  }
0x87: {  	v7 =	vld.idx.msk [tilespmem:v7+s15+$0x0], $0xffff  }
0x88: {  	v8 =	vld.idx.msk [tilespmem:v6+s2+$0x0], $0xffff  }
0x89: {  	s24 =	simm.s32 $0x2;
	s25 =	sadd.s32 $0x1, s22  }
.LBB2_13:
0x8a: {  	v9 =	vmov s25;
	s26 =	smov.u32 s24;
	s24 =	sadd.s32 $0x2, s24  }
0x8b: {  	p0 =	sne.s32 s23, s24;
	_ =	sdelay $0x1  }
0x8c: {  	v7 =	vmax.f32 v8, v7  }
0x8d: {  	[tilespmem:v6+s2+$0x0] =	vst.idx.msk $0x3, v7  }
0x8e: {  	v6 =	vld.idx.msk [tilespmem:v9+s12+$0x0], $0xffff;
	_ =	sdelay $0x5  }
0x8f: {  	(v2sf) =	vpush v6, $0x0;
	_ =	sdelay $0xe  }
0x90: {  	s28 =	spop (v2sf)  }
0x91: {  	v7 =	vadd.s32 s26, v1;
	s26 =	sshll.u32 s28, $0x1  }
0x92: {  	v6 =	vadd.s32 s26, v1;
	_ =	sdelay $0x2  }
.Ltmp11:
0x93: {  	(pc) =	sbr.rel @p0 .LBB2_13-.Ltmp11, $3  }
0x94: {  	v7 =	vld.idx.msk [tilespmem:v7+s15+$0x0], $0xffff  }
0x95: {  	v8 =	vld.idx.msk [tilespmem:v6+s2+$0x0], $0xffff;
	_ =	sdelay $0x1  }
0x96: {  	s25 =	sadd.s32 $0x1, s25  }
.Ltmp12:
0x97: {  	_ = 	snop;
	(pc) =	sbr.rel .LBB2_14-.Ltmp12, $1  }
0x98: {  	_ =	sdelay $0x3  }
.LBB2_17:
0x99: {  	s18 =	simm.s32 $0x0;
	s19 =	simm.s32 $0x40  }
.LBB2_18:
0x9a: {  	p0 =	sne.s32 s19, $0x61C0;
	v5 =	vld [tilespmem:s18+$0x0];
	_ =	sdelay $0x2  }
.Ltmp13:
0x9b: {  	(pc) =	sbr.rel @p0 .LBB2_18-.Ltmp13, $4  }
0x9c: {  	_ = 	snop  }
0x9d: {  	vm0 =	veq.f32 v5, $-3.402823470e+38  }
0x9e: {  	v5 =	vsel vm0, $0x0, v5  }
0x9f: {  	[tilespmem:s18+$0x0] =	vst v5;
	s18 =	sshra.s32 s19, $0x2;
	s19 =	sadd.s32 $0x40, s19  }
0xa0: {  	v5 =	vld [tilespmem:s18+$0x0];
	_ =	sdelay $0x4  }
0xa1: {  	s17 =	sadd.s32 $0x1, s17;
	vm0 =	veq.f32 v5, $-3.402823470e+38  }
0xa2: {  	p0 =	sne.s32 s17, s7;
	v5 =	vsel vm0, $0x0, v5  }
.Ltmp14:
0xa3: {  	[tilespmem:s18+$0x0] =	vst v5;
	(pc) =	sbr.rel @p0 .LBB2_1-.Ltmp14, $4  }
0xa4: {  	[hbm4b:s6+s2] =	stream.linear.scatter [tilespmem:s2], [sflag:$0x2], $0x1880, $0x38;
	[tilespmem:$0xE680] =	vst v63  }
0xa5: {  	_ =	swait.ge [sflag:s9], $0x1880  }
0xa6: {  	[sflag:s9] =	ssyncset.done $0x0  }
0xa7: {  	[sflag:s9] =	ssyncadd.s32 $0xFFFFE780  }
0xa8: {  	_ =	sfence.sel $0x180000  }
0xa9: {  	[bflag:$0x0] =	sbarrier.arrive $0xFFFF  }
0xaa: {  	p0 =	sne.s32 s1, $0x0;
	_ =	strace $0x9000004A  }
0xab: {  	s0 =	sadd.s32 @!p0 $0x100000, s0;
	[bflag:$0x2] =	sbarrier.arrive $0xFFFF  }
0xac: {  	[sflag:s0] =	ssyncadd.tile.s32 @!p0 $0x1;
	_ =	shalt  }
.Lfunc_end2:
_tile_overlayer_lowered:
.L_overlay_start_2:
0xad: {  	(tag) =	ssettag $0x2  }
0xae: {  	s0 =	rddreg [dreg:$0x0];
	s2 =	stileid.u32  }
0xaf: {  	s1 =	rddreg [dreg:$0x1];
	p0 =	sne.s32 s2, $0x0  }
0xb0: {  	s3 =	rddreg [dreg:$0x2];
	[bflag:$0x3] =	sbarrier.arrive $0xFFFF;
	s2 =	simm.s32 @!p0 $0x1C02  }
0xb1: {  	[timem:s3], [sflag:s2] =	dma.local @!p0 [hbm:s0], s1  }
0xb2: {  	s0 =	simm.s32 @!p0 $0x2  }
0xb3: {  	_ =	swait.ge @!p0 [sflag:s0], s1  }
0xb4: {  	s1 =	ssub.s32 @!p0 $0x0, s1;
	[sflag:s0] =	ssyncset.done @!p0 $0x0  }
0xb5: {  	[sflag:s0] =	ssyncadd.s32 @!p0 s1  }
0xb6: {  	[bflag:$0x3] =	sbarrier.arrive $0xFFFF  }
0xb7: {  	_ =	shalt  }

// kernel: kernel.14.cloned.1.call-start
scs
__scs_entry_jumppad:
0x0: {  	(pc) =	sbr.rel $0x88, $3  }
0x1: {  	(tag) =	ssettag $0x0;
	lr =	simm.s32 $0x1  }
0x2: {  	[smem:$0x3F8C] =	sst lr;
	_ =	strace $0xD0000000  }
0x3: {  	_ = 	snop  }
0x4: {  	_ = 	snop  }
0x5: {  	_ = 	snop  }
0x6: {  	_ = 	snop  }
0x7: {  	_ = 	snop  }
__scs_overlays_trampoline_lowered:
0x8: {  	[smem:$0x3F9B] =	sst s0  }
0x9: {  	[smem:$0x3F9C] =	sst s1  }
0xa: {  	[smem:$0x3F9D] =	sst s2  }
0xb: {  	[smem:$0x3F9E] =	sst s3  }
0xc: {  	[smem:$0x3F9F] =	sst s4  }
0xd: {  	[smem:$0x3FA0] =	sst s5  }
0xe: {  	[smem:$0x3FA1] =	sst s6  }
0xf: {  	[smem:$0x3FA2] =	sst s7  }
0x10: {  	[smem:$0x3FA3] =	sst s8  }
0x11: {  	[smem:$0x3FA4] =	sst s9;
	s0 =	simm.s32 @!p0 $0x0  }
0x12: {  	s1 =	sld [smem:$0x3F8A];
	s0 =	simm.s32 @p0 $0x1  }
0x13: {  	[smem:$0x3FA5] =	sst s0;
	s0 =	simm.s32 @!p1 $0x0  }
0x14: {  	s2 =	sld [smem:$0x3F89];
	s0 =	simm.s32 @p1 $0x1  }
0x15: {  	[smem:$0x3FA6] =	sst s0;
	s0 =	simm.s32 @!p2 $0x0  }
0x16: {  	s3 =	sld [smem:$0x3FDB];
	s0 =	simm.s32 @p2 $0x1  }
0x17: {  	s4 =	simm.s32 $0x1BF5;
	[smem:$0x3FA8] =	sst s0  }
0x18: {  	s0 =	sld [smem:$0x3F8B];
	_ =	swait.ge [sflag:s4], $0x0  }
0x19: {  	s7 =	sld [smem:$0x3F8C]  }
0x1a: {  	s8 =	sadd.s32 $0xFFFFE003, lr  }
0x1b: {  	s9 =	sadd.s32 $0xFFFFFEF7, lr;
	s5 =	simm.s32 $0xFFFFFFFF;
	p2 =	slt.u32 s8, $0xFFFFF086  }
0x1c: {  	p1 =	slt.u32 s9, $0xF7A;
	s5 =	simm.s32 @!p2 $0x0  }
0x1d: {  	s5 =	simm.s32 @p1 $0x1;
	p0 =	seq.s32 s7, s2  }
0x1e: {  	s7 =	smul.u32 @!p0 $0xF7A, s2;
	p2 =	seq.s32 @!p0 s5, $0x0  }
0x1f: {  	s9 =	smul.u32 $0xF7A, s1;
	s8 =	simm.s32 @!p0 $0x1BF5;
	p2 =	por !p2, p0  }
0x20: {  	[sflag:s8] =	ssyncset.s32 @!p0 $0xFFFFF086;
	s6 =	sadd.s32 @!p0 s3, s7;
	s7 =	simm.s32 @!p0 $0x108  }
0x21: {  	s3 =	sadd.s32 s3, s9;
	s6 =	sadd.s32 @!p0 $0x88, s6;
	s7 =	simm.s32 @p2 $0x1082  }
0x22: {  	[simem:s7], [sflag:s8] =	dma.local @!p0 [hbm:s6], $0xF7A  }
0x23: {  	s9 =	sor.u32 $0xD0000000, s2;
	s6 =	simm.s32 $0x108;
	_ =	swait.ge @!p0 [sflag:s8], $0x0  }
0x24: {  	s3 =	sadd.s32 $0x88, s3;
	s6 =	simm.s32 @!p1 $0x1082;
	[sflag:s4] =	ssyncset.s32 $0xFFFFF086  }
0x25: {  	[simem:s6], [sflag:s4] =	dma.local [hbm:s3], $0xF7A  }
0x26: {  	[smem:$0x3F8C] =	sst s1;
	(tag) =	ssettag s2;
	_ =	strace s9  }
0x27: {  	s1 =	sld [smem:$0x3F9C]  }
0x28: {  	s2 =	sld [smem:$0x3F9D]  }
0x29: {  	s4 =	sld [smem:$0x3F9F]  }
0x2a: {  	p0 =	seq.s32 s5, $0x0;
	s5 =	sld [smem:$0x3FA0]  }
0x2b: {  	s6 =	sld [smem:$0x3FA1]  }
0x2c: {  	s7 =	sld [smem:$0x3FA2]  }
0x2d: {  	s3 =	simm.s32 $0x108;
	s8 =	sld [smem:$0x3FA3]  }
0x2e: {  	s3 =	simm.s32 @!p0 $0x1082;
	s9 =	sld [smem:$0x3FA4]  }
0x2f: {  	lr =	sadd.s32 s0, s3;
	s0 =	sld [smem:$0x3F9B]  }
0x30: {  	s3 =	sld [smem:$0x3F9E]  }
0x31: {  	[smem:$0x3FA7] =	sst s10  }
0x32: {  	s10 =	sld [smem:$0x3FA5];
	_ =	sdelay $0x3  }
0x33: {  	p0 =	seq.s32 s10, $0x1;
	s10 =	sld [smem:$0x3FA7];
	_ =	sdelay $0x3  }
0x34: {  	[smem:$0x3FA7] =	sst s10  }
0x35: {  	s10 =	sld [smem:$0x3FA6];
	_ =	sdelay $0x3  }
0x36: {  	p1 =	seq.s32 s10, $0x1;
	s10 =	sld [smem:$0x3FA7];
	_ =	sdelay $0x3  }
0x37: {  	[smem:$0x3FA7] =	sst s10  }
0x38: {  	s10 =	sld [smem:$0x3FA8]  }
0x39: {  	_ = 	snop;
	(pc) =	sbr.ind lr, $3  }
0x3a: {  	_ = 	snop  }
0x3b: {  	_ = 	snop  }
0x3c: {  	p2 =	seq.s32 s10, $0x1;
	s10 =	sld [smem:$0x3FA7]  }
0x3d: {  	_ =	shalt  }
0x3e: {  	_ =	shalt  }
0x3f: {  	_ =	shalt  }
0x40: {  	_ =	shalt  }
0x41: {  	_ =	shalt  }
0x42: {  	_ =	shalt  }
0x43: {  	_ =	shalt  }
0x44: {  	_ =	shalt  }
0x45: {  	_ =	shalt  }
0x46: {  	_ =	shalt  }
0x47: {  	_ =	shalt  }
0x48: {  	_ =	shalt  }
0x49: {  	_ =	shalt  }
0x4a: {  	_ =	shalt  }
0x4b: {  	_ =	shalt  }
0x4c: {  	_ =	shalt  }
0x4d: {  	_ =	shalt  }
0x4e: {  	_ =	shalt  }
0x4f: {  	_ =	shalt  }
0x50: {  	_ =	shalt  }
0x51: {  	_ =	shalt  }
0x52: {  	_ =	shalt  }
0x53: {  	_ =	shalt  }
0x54: {  	_ =	shalt  }
0x55: {  	_ =	shalt  }
0x56: {  	_ =	shalt  }
0x57: {  	_ =	shalt  }
0x58: {  	_ =	shalt  }
0x59: {  	_ =	shalt  }
0x5a: {  	_ =	shalt  }
0x5b: {  	_ =	shalt  }
0x5c: {  	_ =	shalt  }
0x5d: {  	_ =	shalt  }
0x5e: {  	_ =	shalt  }
0x5f: {  	_ =	shalt  }
0x60: {  	_ =	shalt  }
0x61: {  	_ =	shalt  }
0x62: {  	_ =	shalt  }
0x63: {  	_ =	shalt  }
0x64: {  	_ =	shalt  }
0x65: {  	_ =	shalt  }
0x66: {  	_ =	shalt  }
0x67: {  	_ =	shalt  }
0x68: {  	_ =	shalt  }
0x69: {  	_ =	shalt  }
0x6a: {  	_ =	shalt  }
0x6b: {  	_ =	shalt  }
0x6c: {  	_ =	shalt  }
0x6d: {  	_ =	shalt  }
0x6e: {  	_ =	shalt  }
0x6f: {  	_ =	shalt  }
0x70: {  	_ =	shalt  }
0x71: {  	_ =	shalt  }
0x72: {  	_ =	shalt  }
0x73: {  	_ =	shalt  }
0x74: {  	_ =	shalt  }
0x75: {  	_ =	shalt  }
0x76: {  	_ =	shalt  }
0x77: {  	_ =	shalt  }
0x78: {  	_ =	shalt  }
0x79: {  	_ =	shalt  }
0x7a: {  	_ =	shalt  }
0x7b: {  	_ =	shalt  }
0x7c: {  	_ =	shalt  }
0x7d: {  	_ =	shalt  }
0x7e: {  	_ =	shalt  }
0x7f: {  	_ =	shalt  }
0x80: {  	_ =	shalt  }
0x81: {  	_ =	shalt  }
0x82: {  	_ =	shalt  }
0x83: {  	_ =	shalt  }
0x84: {  	_ =	shalt  }
0x85: {  	_ =	shalt  }
0x86: {  	_ =	shalt  }
0x87: {  	_ =	shalt  }
.Lfunc_end0:
.L_simem_size_0:
called_computation.2_lowered:
.L_overlay_start_0:
0x88: {  	s2 =	sld [smem:$0x3FD9]  }
0x89: {  	s3 =	sld [smem:$0x3FFE];
	_ =	sdelay $0x1  }
0x8a: {  	s1 =	srdreg.scid  }
0x8b: {  	s0 =	sand.u32 $0x1, s1  }
0x8c: {  	s17 =	sshll.u32 s0, $0xA;
	s2 =	sadd.s32 s3, s2  }
0x8d: {  	s2 =	sadd.s32 s2, s17  }
0x8e: {  	[smem:$0x3FB3] =	sst s2  }
0x8f: {  	_ = 	snop  }
0x90: {  	s2 =	sld [smem:$0x3FC7];
	(tm) =	ssettm $0x1  }
0x91: {  	s18 =	sld [smem:$0x3FFB];
	_ =	sdelay $0x3  }
0x92: {  	_ =	strace s18  }
0x93: {  	s3 =	sld [smem:$0x3FFC];
	_ =	sdelay $0x3  }
0x94: {  	_ =	strace s3  }
0x95: {  	s3 =	sld [smem:$0x3FFD];
	_ =	sdelay $0x3  }
0x96: {  	_ =	strace s3  }
0x97: {  	_ =	strace $0x8FFFFFFF  }
0x98: {  	s19 =	sld [smem:$0x3FDB];
	_ =	sdelay $0x1  }
0x99: {  	s4 =	simm.s32 $_scs_section_size  }
0x9a: {  	s5 =	simm.s32 $_size__tile_overlayer_lowered;
	s6 =	simm.s32 $_tile_overlayer_lowered  }
0x9b: {  	s22 =	simm.s32 $0x1BFF;
	s21 =	sshll.u32 s6, $0x1;
	s3 =	sadd.s32 s4, s19  }
0x9c: {  	s7 =	simm.s32 $0x0;
	s20 =	sshll.u32 s5, $0x1;
	s5 =	sadd.s32 s21, s3  }
0x9d: {  	[timem:s7], [sflag:s22] =	dma.local [hbm:s5], s20  }
0x9e: {  	_ =	swait.ge [sflag:s22], s20  }
0x9f: {  	s4 =	ssub.s32 $0x0, s20;
	[sflag:s22] =	ssyncset.done $0x0  }
0xa0: {  	[sflag:s22] =	ssyncadd.s32 s4;
	_ =	sdelay $0x1  }
0xa1: {  	s23 =	simm.s32 $0x1B8B  }
0xa2: {  	_ =	swait.ge [sflag:s23], $0x1  }
0xa3: {  	[sflag:s23] =	ssyncset.done $0x0  }
0xa4: {  	s25 =	simm.s32 $0x1B8E;
	s24 =	sld [smem:$0x3FFE];
	[sflag:s23] =	ssyncadd.s32 $0xFFFFFFFF  }
0xa5: {  	s26 =	simm.s32 $execute0_lowered;
	[smem:$0x3FD2] =	sst s25  }
0xa6: {  	s5 =	sshll.u32 s26, $0x1;
	_ =	strace $0x8000004C;
	[dreg:$0x1] =	wrdreg $0xFFFFFFFF  }
0xa7: {  	s28 =	simm.s32 $_size_execute0_lowered;
	s3 =	sadd.s32 s3, s5;
	[dreg:$0x0] =	wrdreg $0x0  }
0xa8: {  	s5 =	sshll.u32 s28, $0x1;
	[dreg:$0x2] =	wrdreg s3  }
0xa9: {  	[dreg:$0x3] =	wrdreg s5  }
0xaa: {  	[dreg:$0x4] =	wrdreg $0xC0  }
0xab: {  	_ =	task [dreg:s7], $0x5FFFF  }
0xac: {  	[dreg:$0x1] =	wrdreg $0xFFFFFFFF  }
0xad: {  	[dreg:$0x0] =	wrdreg $0x60  }
0xae: {  	[dreg:$0x2] =	wrdreg s24  }
0xaf: {  	[dreg:$0x3] =	wrdreg s2  }
0xb0: {  	[dreg:$0x4] =	wrdreg $0x0  }
0xb1: {  	[dreg:$0x5] =	wrdreg $0x9  }
0xb2: {  	_ =	task.clear_ibuf [dreg:s7], $0x6FFFF;
	_ =	strace $0x9000004C  }
0xb3: {  	s29 =	simm.s32 $0x9;
	_ =	strace $0x8000004E  }
0xb4: {  	_ =	swait.ge [sflag:s29], $0x1  }
0xb5: {  	[sflag:s29] =	ssyncadd.s32 $0xFFFFFFFF  }
0xb6: {  	_ =	strace $0x9000004E  }
0xb7: {  	_ =	sfence  }
0xb8: {  	s30 =	sld [smem:$0x0];
	_ =	sdelay $0x2  }
0xb9: {  	s31 =	sshll.u32 s1, $0xD;
	s1 =	sshrl.u32 s1, $0x2  }
0xba: {  	s3 =	sand.u32 $0x4000, s31;
	s1 =	sadd.s32 s1, s30  }
0xbb: {  	s0 =	sor.u32 s3, s0;
	s1 =	sshll.u32 s1, $0x11  }
0xbc: {  	s0 =	sor.u32 s1, s0  }
0xbd: {  	s0 =	sadd.s32 $0x8F2B, s0  }
0xbe: {  	[sflag:s0] =	ssyncadd.remote.s32 $0x1  }
0xbf: {  	_ =	sfence.sel $0xFFFF  }
0xc0: {  	[dreg:$0x0] =	wrdreg $0xFFFFFFFF;
	(pc) =	sbr.abs _section_cstart, $3  }
0xc1: {  	[dreg:$0x1] =	wrdreg $0xFFFFFFFF  }
0xc2: {  	_ =	task.clear_ibuf [dreg:s7], $0x2FFFF;
	_ =	strace $0x9FFFFFFF  }
0xc3: {  	(tm) =	ssettm $0x7FFFFFFF  }
tec
execute0_lowered:
.L_overlay_start_1:
0x0: {  	(tag) =	ssettag $0x1  }
0x1: {  	s0 =	rddreg [dreg:$0x0]  }
0x2: {  	s2 =	rddreg [dreg:$0x1]  }
0x3: {  	s3 =	rddreg [dreg:$0x2];
	s1 =	srdreg.scid  }
0x4: {  	s13 =	stileid.u32;
	s4 =	simm.s32 $0x0;
	s29 =	simm.s32 $0x1BF00  }
0x5: {  	s30 =	simm.s32 $0x2;
	s31 =	simm.s32 $0x18700;
	s14 =	simm.s32 $0x18D00  }
0x6: {  	s1 =	sand.u32 $0x1, s1;
	s10 =	smul.u32 $0x18700, s13;
	[smem:$0x7FF] =	sst s4  }
0x7: {  	s5 =	sadd.s32 $0x65400, s0;
	s6 =	sadd.s32 $0x34600, s0;
	s8 =	smul.u32 $0x187000, s1  }
0x8: {  	s7 =	sadd.s32 $0x3800, s0;
	s11 =	smul.u32 $0x61C00, s13;
	s9 =	ssub.s32 $0x2, s1  }
0x9: {  	_ =	strace $0x8000004D;
	s15 =	sshrl.u32 s9, $0x1;
	s8 =	sadd.s32 s10, s8  }
0xa: {  	s16 =	sshrl.u32 s11, $0x2;
	s12 =	ssub.s32 s9, s15;
	s8 =	sshrl.u32 s8, $0x3  }
0xb: {  	s17 =	smax.u32 s12, $0x1;
	s0 =	sadd.s32 s8, s0;
	s8 =	sadd.s32 s16, s3  }
0xc: {  	s1 =	sshll.u32 s1, $0x4;
	[dreg:$0x4] =	wrdreg s17;
	s18 =	sadd.s32 $0x1870, s8  }
0xd: {  	s1 =	sor.u32 s13, s1;
	s19 =	sadd.s32 $0x30E0, s8;
	[dreg:$0x5] =	wrdreg s18  }
0xe: {  	s11 =	simm.s32 $0x1900;
	s20 =	sadd.s32 $0x4950, s8;
	[dreg:$0x6] =	wrdreg s19  }
0xf: {  	s13 =	simm.s32 $0x1;
	s21 =	sadd.s32 $0x61C0, s8;
	[dreg:$0x7] =	wrdreg s20  }
0x10: {  	s9 =	smul.u32 $0xC350, s1;
	s22 =	sadd.s32 $0x7A30, s8;
	[dreg:$0x8] =	wrdreg s21  }
0x11: {  	s10 =	sadd.s32 s10, s3;
	s23 =	sadd.s32 $0x92A0, s8;
	[dreg:$0x9] =	wrdreg s22  }
0x12: {  	s1 =	simm.s32 $0x18B00;
	s24 =	sadd.s32 $0xAB10, s8;
	[dreg:$0xa] =	wrdreg s23  }
0x13: {  	s15 =	simm.s32 $0x0;
	s25 =	sadd.s32 $0xC380, s8;
	[dreg:$0xb] =	wrdreg s24  }
0x14: {  	s12 =	simm.s32 $0x1A600;
	s26 =	sadd.s32 $0xDBF0, s8;
	[dreg:$0xc] =	wrdreg s25  }
0x15: {  	s28 =	sadd.s32 $0x16E90, s8;
	[dreg:$0xd] =	wrdreg s26;
	s21 =	sadd.s32 $0xF460, s8  }
0x16: {  	s22 =	sadd.s32 $0x10CD0, s8;
	s23 =	sadd.s32 $0x12540, s8;
	s24 =	sadd.s32 $0x13DB0, s8  }
0x17: {  	v0 =	vimm.f32 $0.0e+00;
	v1 =	vlaneseq.u32;
	s25 =	sadd.s32 $0x96200, s0;
	s26 =	sadd.s32 $0x15620, s8;
	s0 =	simm.s32 $0x18900  }
.LBB2_1:
0x18: {  	s16 =	simm.s32 $0x40;
	s17 =	simm.s32 $0x0  }
.LBB2_2:
0x19: {  	p0 =	sne.s32 s16, $0x6180;
	[tilespmem:s17+$0x1BF00] =	vst v0;
	s17 =	smov.u32 s16;
	s16 =	sadd.s32 $0x40, s16  }
.Ltmp0:
0x1a: {  	(pc) =	sbr.rel @p0 .LBB2_2-.Ltmp0, $2  }
0x1b: {  	_ =	sdelay $0x2  }
0x1c: {  	s17 =	sshra.s32 s17, $0x2  }
0x1d: {  	[tilespmem:s17+$0x1BF00] =	vst v0  }
0x1e: {  	[spmem:s8] =	stream.linear.scatter [tilespmem:s29], [sflag:$0x2], $0x1870, $0x38;
	[tilespmem:$0x1D780] =	vst v63  }
0x1f: {  	_ =	swait.ge [sflag:s30], $0x1870  }
0x20: {  	[sflag:s30] =	ssyncset.done $0x0  }
0x21: {  	s16 =	rddreg [dreg:$0x5];
	[sflag:s30] =	ssyncadd.s32 $0xFFFFE790  }
0x22: {  	[spmem:s16] =	stream.linear.scatter [tilespmem:s29], [sflag:$0x2], $0x1870, $0x38;
	[tilespmem:$0x1D780] =	vst v63  }
0x23: {  	_ =	swait.ge [sflag:s30], $0x1870  }
0x24: {  	[sflag:s30] =	ssyncset.done $0x0  }
0x25: {  	s17 =	rddreg [dreg:$0x6];
	[sflag:s30] =	ssyncadd.s32 $0xFFFFE790  }
0x26: {  	[spmem:s17] =	stream.linear.scatter [tilespmem:s29], [sflag:$0x2], $0x1870, $0x38;
	[tilespmem:$0x1D780] =	vst v63  }
0x27: {  	_ =	swait.ge [sflag:s30], $0x1870  }
0x28: {  	[sflag:s30] =	ssyncset.done $0x0  }
0x29: {  	s18 =	rddreg [dreg:$0x7];
	[sflag:s30] =	ssyncadd.s32 $0xFFFFE790  }
0x2a: {  	[spmem:s18] =	stream.linear.scatter [tilespmem:s29], [sflag:$0x2], $0x1870, $0x38;
	[tilespmem:$0x1D780] =	vst v63  }
0x2b: {  	_ =	swait.ge [sflag:s30], $0x1870  }
0x2c: {  	[sflag:s30] =	ssyncset.done $0x0  }
0x2d: {  	s19 =	rddreg [dreg:$0x8];
	[sflag:s30] =	ssyncadd.s32 $0xFFFFE790  }
0x2e: {  	[spmem:s19] =	stream.linear.scatter [tilespmem:s29], [sflag:$0x2], $0x1870, $0x38;
	[tilespmem:$0x1D780] =	vst v63  }
0x2f: {  	_ =	swait.ge [sflag:s30], $0x1870  }
0x30: {  	[sflag:s30] =	ssyncset.done $0x0  }
0x31: {  	s20 =	rddreg [dreg:$0x9];
	[sflag:s30] =	ssyncadd.s32 $0xFFFFE790  }
0x32: {  	[spmem:s20] =	stream.linear.scatter [tilespmem:s29], [sflag:$0x2], $0x1870, $0x38;
	[tilespmem:$0x1D780] =	vst v63  }
0x33: {  	_ =	swait.ge [sflag:s30], $0x1870  }
0x34: {  	[sflag:s30] =	ssyncset.done $0x0  }
0x35: {  	s17 =	rddreg [dreg:$0xa];
	[sflag:s30] =	ssyncadd.s32 $0xFFFFE790  }
0x36: {  	[spmem:s17] =	stream.linear.scatter [tilespmem:s29], [sflag:$0x2], $0x1870, $0x38;
	[tilespmem:$0x1D780] =	vst v63  }
0x37: {  	_ =	swait.ge [sflag:s30], $0x1870  }
0x38: {  	[sflag:s30] =	ssyncset.done $0x0  }
0x39: {  	s18 =	rddreg [dreg:$0xb];
	[sflag:s30] =	ssyncadd.s32 $0xFFFFE790  }
0x3a: {  	[spmem:s18] =	stream.linear.scatter [tilespmem:s29], [sflag:$0x2], $0x1870, $0x38;
	[tilespmem:$0x1D780] =	vst v63  }
0x3b: {  	_ =	swait.ge [sflag:s30], $0x1870  }
0x3c: {  	[sflag:s30] =	ssyncset.done $0x0  }
0x3d: {  	s19 =	rddreg [dreg:$0xc];
	[sflag:s30] =	ssyncadd.s32 $0xFFFFE790  }
0x3e: {  	[spmem:s19] =	stream.linear.scatter [tilespmem:s29], [sflag:$0x2], $0x1870, $0x38;
	[tilespmem:$0x1D780] =	vst v63  }
0x3f: {  	_ =	swait.ge [sflag:s30], $0x1870  }
0x40: {  	[sflag:s30] =	ssyncset.done $0x0  }
0x41: {  	s20 =	rddreg [dreg:$0xd];
	[sflag:s30] =	ssyncadd.s32 $0xFFFFE790  }
0x42: {  	[spmem:s20] =	stream.linear.scatter [tilespmem:s29], [sflag:$0x2], $0x1870, $0x38;
	[tilespmem:$0x1D780] =	vst v63  }
0x43: {  	_ =	swait.ge [sflag:s30], $0x1870  }
0x44: {  	[sflag:s30] =	ssyncset.done $0x0  }
0x45: {  	[sflag:s30] =	ssyncadd.s32 $0xFFFFE790  }
0x46: {  	[spmem:s21] =	stream.linear.scatter [tilespmem:s29], [sflag:$0x2], $0x1870, $0x38;
	[tilespmem:$0x1D780] =	vst v63  }
0x47: {  	_ =	swait.ge [sflag:s30], $0x1870  }
0x48: {  	[sflag:s30] =	ssyncset.done $0x0  }
0x49: {  	[sflag:s30] =	ssyncadd.s32 $0xFFFFE790  }
0x4a: {  	[spmem:s22] =	stream.linear.scatter [tilespmem:s29], [sflag:$0x2], $0x1870, $0x38;
	[tilespmem:$0x1D780] =	vst v63  }
0x4b: {  	_ =	swait.ge [sflag:s30], $0x1870  }
0x4c: {  	[sflag:s30] =	ssyncset.done $0x0  }
0x4d: {  	[sflag:s30] =	ssyncadd.s32 $0xFFFFE790  }
0x4e: {  	[spmem:s23] =	stream.linear.scatter [tilespmem:s29], [sflag:$0x2], $0x1870, $0x38;
	[tilespmem:$0x1D780] =	vst v63  }
0x4f: {  	_ =	swait.ge [sflag:s30], $0x1870  }
0x50: {  	[sflag:s30] =	ssyncset.done $0x0  }
0x51: {  	[sflag:s30] =	ssyncadd.s32 $0xFFFFE790  }
0x52: {  	[spmem:s24] =	stream.linear.scatter [tilespmem:s29], [sflag:$0x2], $0x1870, $0x38;
	[tilespmem:$0x1D780] =	vst v63  }
0x53: {  	_ =	swait.ge [sflag:s30], $0x1870  }
0x54: {  	[sflag:s30] =	ssyncset.done $0x0  }
0x55: {  	[sflag:s30] =	ssyncadd.s32 $0xFFFFE790  }
0x56: {  	[spmem:s26] =	stream.linear.scatter [tilespmem:s29], [sflag:$0x2], $0x1870, $0x38;
	[tilespmem:$0x1D780] =	vst v63  }
0x57: {  	_ =	swait.ge [sflag:s30], $0x1870  }
0x58: {  	[sflag:s30] =	ssyncset.done $0x0  }
0x59: {  	[sflag:s30] =	ssyncadd.s32 $0xFFFFE790  }
0x5a: {  	[spmem:s28] =	stream.linear.scatter [tilespmem:s29], [sflag:$0x2], $0x1870, $0x38;
	[tilespmem:$0x1D780] =	vst v63  }
0x5b: {  	_ =	swait.ge [sflag:s30], $0x1870  }
0x5c: {  	[sflag:s30] =	ssyncset.done $0x0  }
0x5d: {  	[sflag:s30] =	ssyncadd.s32 $0xFFFFE790  }
0x5e: {  	s16 =	simm.s32 $0x0;
	s17 =	simm.s32 $0x0;
	[bflag:$0x0] =	sbarrier.arrive $0xFFFF  }
.LBB2_4:
0x5f: {  	s18 =	smul.u32 $0x190, s17;
	_ =	sdelay $0x1  }
0x60: {  	s18 =	sadd.s32 s9, s18  }
0x61: {  	s18 =	sshrl.u32 s18, $0x3  }
0x62: {  	s19 =	sadd.s32 s6, s18  }
0x63: {  	[tilespmem:s31], [sflag:$0x2] =	stream.linear.gather [hbm4b:s19+s16], $0x190, $0x38;
	[tilespmem:$0x1D780] =	vst v63  }
0x64: {  	_ =	swait.ge [sflag:s30], $0x190  }
0x65: {  	[sflag:s30] =	ssyncset.done $0x0  }
0x66: {  	s20 =	sadd.s32 s7, s18;
	[sflag:s30] =	ssyncadd.s32 $0xFFFFFE70  }
0x67: {  	v2 =	vmov s16;
	[tilespmem:s0], [sflag:$0x2] =	stream.linear.gather [hbm4b:s20+s16], $0x190, $0x38;
	[tilespmem:$0x1D780] =	vst v63  }
0x68: {  	v2 =	vshra.s32 v2, $0x4;
	_ =	swait.ge [sflag:s30], $0x190  }
0x69: {  	v2 =	vbroadcast v2, $0x0;
	[sflag:s30] =	ssyncset.done $0x0  }
0x6a: {  	s18 =	sadd.s32 s2, s18;
	[sflag:s30] =	ssyncadd.s32 $0xFFFFFE70  }
0x6b: {  	[tilespmem:s1], [sflag:$0x2] =	stream.linear.gather [hbm4b:s18+s16], $0x190, $0x38;
	[tilespmem:$0x1D780] =	vst v63  }
0x6c: {  	_ =	swait.ge [sflag:s30], $0x190  }
0x6d: {  	[sflag:s30] =	ssyncset.done $0x0  }
0x6e: {  	s19 =	simm.s32 $0x10;
	[sflag:s30] =	ssyncadd.s32 $0xFFFFFE70  }
0x6f: {  	v3 =	vmov s19;
	v2 =	vld.idx.msk [tilespmem:v2+s31+$0x0], $0xffff  }
0x70: {  	v3 =	vshra.s32 v3, $0x4  }
0x71: {  	v3 =	vbroadcast v3, $0x0;
	_ =	sdelay $0x2  }
0x72: {  	v2 =	vshll.u32 v2, $0x4  }
0x73: {  	s18 =	simm.s32 $0x1A600;
	v2 =	vor.u32 v1, v2  }
0x74: {  	s20 =	simm.s32 $0x20;
	[tilespmem:s18+$0x0] =	vst v2  }
0x75: {  	s19 =	simm.s32 $0x30;
	v2 =	vld.idx.msk [tilespmem:v3+s31+$0x0], $0xffff;
	v3 =	vmov s20  }
.LBB2_5:
0x76: {  	p0 =	sne.s32 s19, $0x18F0;
	v3 =	vshra.s32 v3, $0x4  }
0x77: {  	v3 =	vbroadcast v3, $0x0;
	_ =	sdelay $0x2  }
.Ltmp1:
0x78: {  	v2 =	vshll.u32 v2, $0x4;
	(pc) =	sbr.rel @p0 .LBB2_5-.Ltmp1, $4  }
0x79: {  	s18 =	sadd.s32 $0x10, s18;
	v2 =	vor.u32 v1, v2  }
0x7a: {  	[tilespmem:s18+$0x0] =	vst v2  }
0x7b: {  	v2 =	vld.idx.msk [tilespmem:v3+s31+$0x0], $0xffff  }
0x7c: {  	v3 =	vmov s19;
	s19 =	sadd.s32 $0x10, s19  }
0x7d: {  	v3 =	vshra.s32 v3, $0x4  }
0x7e: {  	v3 =	vbroadcast v3, $0x0;
	_ =	sdelay $0x2  }
0x7f: {  	v2 =	vshll.u32 v2, $0x4  }
0x80: {  	s18 =	sadd.s32 $0x10, s18;
	v2 =	vor.u32 v1, v2  }
0x81: {  	[tilespmem:s18+$0x0] =	vst v2  }
0x82: {  	v2 =	vld.idx.msk [tilespmem:v3+s31+$0x0], $0xffff;
	_ =	sdelay $0x2  }
0x83: {  	s19 =	simm.s32 $0x0  }
0x84: {  	v3 =	vmov s19  }
0x85: {  	v3 =	vshra.s32 v3, $0x4;
	v2 =	vshll.u32 v2, $0x4  }
0x86: {  	s18 =	sadd.s32 $0x10, s18;
	v4 =	vor.u32 v1, v2;
	v2 =	vbroadcast v3, $0x0  }
0x87: {  	s19 =	simm.s32 $0x18D00;
	[tilespmem:s18+$0x0] =	vst v4  }
0x88: {  	[tilespmem:s19], [sflag:$0x1] =	stream.indirect.gather [hbm4b:s5+s11], $0x1, s12, s11, $0xb8;
	[tilespmem:$0x1D780] =	vst v63  }
0x89: {  	_ =	swait.ge [sflag:s13], $0x1900  }
0x8a: {  	[sflag:s13] =	ssyncset.done $0x0  }
0x8b: {  	[sflag:s13] =	ssyncadd.s32 $0xFFFFE700  }
0x8c: {  	s18 =	simm.s32 $0x10;
	v3 =	vld.idx.msk [tilespmem:v2+s1+$0x0], $0xffff  }
0x8d: {  	s20 =	simm.s32 $0x20;
	v5 =	vmov s18;
	v4 =	vld [tilespmem:s19+$0x0]  }
.LBB2_7:
0x8e: {  	p0 =	sne.s32 s20, $0x18F0;
	v5 =	vshra.s32 v5, $0x4  }
0x8f: {  	v5 =	vbroadcast v5, $0x0;
	_ =	sdelay $0x2  }
.Ltmp2:
0x90: {  	v3 =	vmul.f32 v4, v3;
	(pc) =	sbr.rel @p0 .LBB2_7-.Ltmp2, $4  }
0x91: {  	_ = 	snop  }
0x92: {  	[tilespmem:s19+$0x0] =	vst v3  }
0x93: {  	s19 =	sadd.s32 $0x10, s19;
	v3 =	vld.idx.msk [tilespmem:v5+s1+$0x0], $0xffff  }
0x94: {  	v5 =	vmov s20;
	s20 =	sadd.s32 $0x10, s20;
	v4 =	vld [tilespmem:s19+$0x0]  }
0x95: {  	v5 =	vshra.s32 v5, $0x4  }
0x96: {  	v5 =	vbroadcast v5, $0x0;
	_ =	sdelay $0x2  }
0x97: {  	v3 =	vmul.f32 v4, v3;
	_ =	sdelay $0x1  }
0x98: {  	[tilespmem:s19+$0x0] =	vst v3  }
0x99: {  	s20 =	sadd.s32 $0x10, s19;
	v3 =	vld.idx.msk [tilespmem:v5+s1+$0x0], $0xffff  }
0x9a: {  	v4 =	vld [tilespmem:s20+$0x0];
	_ =	sdelay $0x4  }
0x9b: {  	v3 =	vmul.f32 v4, v3;
	_ =	sdelay $0x1  }
0x9c: {  	[tilespmem:s20+$0x0] =	vst v3  }
0x9d: {  	v3 =	vmov s18;
	v2 =	vld.idx.msk [tilespmem:v2+s0+$0x0], $0xffff  }
0x9e: {  	v3 =	vshra.s32 v3, $0x4  }
0x9f: {  	v3 =	vbroadcast v3, $0x0;
	_ =	sdelay $0x2  }
0xa0: {  	v2 =	vshll.u32 v2, $0x4  }
0xa1: {  	s18 =	simm.s32 $0x1A600;
	v2 =	vor.u32 v1, v2  }
0xa2: {  	s20 =	simm.s32 $0x20;
	[tilespmem:s18+$0x0] =	vst v2  }
0xa3: {  	s19 =	simm.s32 $0x30;
	v2 =	vld.idx.msk [tilespmem:v3+s0+$0x0], $0xffff;
	v3 =	vmov s20  }
.LBB2_9:
0xa4: {  	p0 =	sne.s32 s19, $0x18F0;
	v3 =	vshra.s32 v3, $0x4  }
0xa5: {  	v3 =	vbroadcast v3, $0x0;
	_ =	sdelay $0x2  }
.Ltmp3:
0xa6: {  	v2 =	vshll.u32 v2, $0x4;
	(pc) =	sbr.rel @p0 .LBB2_9-.Ltmp3, $4  }
0xa7: {  	s18 =	sadd.s32 $0x10, s18;
	v2 =	vor.u32 v1, v2  }
0xa8: {  	[tilespmem:s18+$0x0] =	vst v2  }
0xa9: {  	v2 =	vld.idx.msk [tilespmem:v3+s0+$0x0], $0xffff  }
0xaa: {  	v3 =	vmov s19;
	s19 =	sadd.s32 $0x10, s19  }
0xab: {  	v3 =	vshra.s32 v3, $0x4  }
0xac: {  	v3 =	vbroadcast v3, $0x0;
	_ =	sdelay $0x2  }
0xad: {  	v2 =	vshll.u32 v2, $0x4  }
0xae: {  	s18 =	sadd.s32 $0x10, s18;
	v2 =	vor.u32 v1, v2  }
0xaf: {  	[tilespmem:s18+$0x0] =	vst v2  }
0xb0: {  	v2 =	vld.idx.msk [tilespmem:v3+s0+$0x0], $0xffff;
	_ =	sdelay $0x4  }
0xb1: {  	s17 =	sadd.s32 $0x1, s17;
	v2 =	vshll.u32 v2, $0x4  }
0xb2: {  	p0 =	sne.s32 s17, $0x7D;
	s18 =	sadd.s32 $0x10, s18;
	v2 =	vor.u32 v1, v2  }
.Ltmp4:
0xb3: {  	[tilespmem:s18+$0x0] =	vst v2;
	(pc) =	sbr.rel @p0 .LBB2_4-.Ltmp4, $4  }
0xb4: {  	[spmem:s3] =	stream.indirect.scatter.add.f32 [tilespmem:s14], [sflag:$0x2], $0x1, s12, s11, $0xb8;
	[tilespmem:$0x1D780] =	vst v63  }
0xb5: {  	_ =	swait.ge [sflag:s30], $0x1900  }
0xb6: {  	[sflag:s30] =	ssyncset.done $0x0  }
0xb7: {  	[sflag:s30] =	ssyncadd.s32 $0xFFFFE700  }
0xb8: {  	[bflag:$0x0] =	sbarrier.arrive $0xFFFF  }
0xb9: {  	[tilespmem:s29], [sflag:$0x2] =	stream.linear.gather [spmem:s10], $0x1870, $0x38;
	[tilespmem:$0x1D780] =	vst v63  }
0xba: {  	_ =	swait.ge [sflag:s30], $0x1870  }
0xbb: {  	[sflag:s30] =	ssyncset.done $0x0  }
0xbc: {  	s16 =	sadd.s32 $0x0, s25;
	[sflag:s30] =	ssyncadd.s32 $0xFFFFE790  }
0xbd: {  	[hbm4b:s16+s4] =	stream.linear.scatter [tilespmem:s29], [sflag:$0x2], $0x1870, $0x38;
	[tilespmem:$0x1D780] =	vst v63  }
0xbe: {  	_ =	swait.ge [sflag:s30], $0x1870  }
0xbf: {  	s17 =	smov.u32 s10;
	s16 =	simm.s32 $0x30E;
	[sflag:s30] =	ssyncset.done $0x0  }
.LBB2_12:
0xc0: {  	p0 =	sne.s32 s16, $0x2DD2;
	[sflag:s30] =	ssyncadd.s32 $0xFFFFE790;
	s17 =	sadd.s32 $0x1870, s17  }
0xc1: {  	[tilespmem:s29], [sflag:$0x2] =	stream.linear.gather [spmem:s17], $0x1870, $0x38;
	[tilespmem:$0x1D780] =	vst v63  }
0xc2: {  	s18 =	smov.u32 s16;
	s16 =	sadd.s32 $0x30E, s16;
	_ =	swait.ge [sflag:s30], $0x1870  }
.Ltmp5:
0xc3: {  	[sflag:s30] =	ssyncset.done $0x0;
	(pc) =	sbr.rel @p0 .LBB2_12-.Ltmp5, $4  }
0xc4: {  	s18 =	sadd.s32 s18, s25;
	[sflag:s30] =	ssyncadd.s32 $0xFFFFE790  }
0xc5: {  	[hbm4b:s18+s4] =	stream.linear.scatter [tilespmem:s29], [sflag:$0x2], $0x1870, $0x38;
	[tilespmem:$0x1D780] =	vst v63  }
0xc6: {  	_ =	swait.ge [sflag:s30], $0x1870  }
0xc7: {  	[sflag:s30] =	ssyncset.done $0x0  }
0xc8: {  	s15 =	sadd.s32 $0x1, s15;
	s16 =	rddreg [dreg:$0x4]  }
0xc9: {  	p0 =	sne.s32 s15, s16  }
.Ltmp6:
0xca: {  	_ = 	snop;
	(pc) =	sbr.rel @p0 .LBB2_1-.Ltmp6, $2  }
0xcb: {  	_ =	sdelay $0x2  }
0xcc: {  	[sflag:s30] =	ssyncadd.s32 $0xFFFFE790  }
0xcd: {  	_ =	sfence.sel $0x180000  }
0xce: {  	[bflag:$0x0] =	sbarrier.arrive $0xFFFF  }
0xcf: {  	_ =	strace $0x9000004D  }
0xd0: {  	s0 =	stileid.u32;
	[bflag:$0x2] =	sbarrier.arrive $0xFFFF  }
0xd1: {  	p0 =	sne.s32 s0, $0x0;
	s0 =	rddreg [dreg:$0x3]  }
0xd2: {  	s0 =	sadd.s32 @!p0 $0x100000, s0  }
0xd3: {  	[sflag:s0] =	ssyncadd.tile.s32 @!p0 $0x1;
	_ =	shalt  }
.Lfunc_end2:
_tile_overlayer_lowered:
.L_overlay_start_2:
0xd4: {  	(tag) =	ssettag $0x2  }
0xd5: {  	s0 =	rddreg [dreg:$0x0];
	s2 =	stileid.u32  }
0xd6: {  	s1 =	rddreg [dreg:$0x1];
	p0 =	sne.s32 s2, $0x0  }
0xd7: {  	s3 =	rddreg [dreg:$0x2];
	[bflag:$0x3] =	sbarrier.arrive $0xFFFF;
	s2 =	simm.s32 @!p0 $0x1C02  }
0xd8: {  	[timem:s3], [sflag:s2] =	dma.local @!p0 [hbm:s0], s1  }
0xd9: {  	s0 =	simm.s32 @!p0 $0x2  }
0xda: {  	_ =	swait.ge @!p0 [sflag:s0], s1  }
0xdb: {  	s1 =	ssub.s32 @!p0 $0x0, s1;
	[sflag:s0] =	ssyncset.done @!p0 $0x0  }
0xdc: {  	[sflag:s0] =	ssyncadd.s32 @!p0 s1  }
0xdd: {  	[bflag:$0x3] =	sbarrier.arrive $0xFFFF  }
0xde: {  	_ =	shalt  }

// kernel: kernel.17.cloned.1.call-start
scs
__scs_entry_jumppad:
0x0: {  	(pc) =	sbr.rel $0x88, $3  }
0x1: {  	(tag) =	ssettag $0x0;
	lr =	simm.s32 $0x1  }
0x2: {  	[smem:$0x3F8C] =	sst lr;
	_ =	strace $0xD0000000  }
0x3: {  	_ = 	snop  }
0x4: {  	_ = 	snop  }
0x5: {  	_ = 	snop  }
0x6: {  	_ = 	snop  }
0x7: {  	_ = 	snop  }
__scs_overlays_trampoline_lowered:
0x8: {  	[smem:$0x3F9B] =	sst s0  }
0x9: {  	[smem:$0x3F9C] =	sst s1  }
0xa: {  	[smem:$0x3F9D] =	sst s2  }
0xb: {  	[smem:$0x3F9E] =	sst s3  }
0xc: {  	[smem:$0x3F9F] =	sst s4  }
0xd: {  	[smem:$0x3FA0] =	sst s5  }
0xe: {  	[smem:$0x3FA1] =	sst s6  }
0xf: {  	[smem:$0x3FA2] =	sst s7  }
0x10: {  	[smem:$0x3FA3] =	sst s8  }
0x11: {  	[smem:$0x3FA4] =	sst s9;
	s0 =	simm.s32 @!p0 $0x0  }
0x12: {  	s1 =	sld [smem:$0x3F8A];
	s0 =	simm.s32 @p0 $0x1  }
0x13: {  	[smem:$0x3FA5] =	sst s0;
	s0 =	simm.s32 @!p1 $0x0  }
0x14: {  	s2 =	sld [smem:$0x3F89];
	s0 =	simm.s32 @p1 $0x1  }
0x15: {  	[smem:$0x3FA6] =	sst s0;
	s0 =	simm.s32 @!p2 $0x0  }
0x16: {  	s3 =	sld [smem:$0x3FDB];
	s0 =	simm.s32 @p2 $0x1  }
0x17: {  	s4 =	simm.s32 $0x1BF5;
	[smem:$0x3FA8] =	sst s0  }
0x18: {  	s0 =	sld [smem:$0x3F8B];
	_ =	swait.ge [sflag:s4], $0x0  }
0x19: {  	s7 =	sld [smem:$0x3F8C]  }
0x1a: {  	s8 =	sadd.s32 $0xFFFFE003, lr  }
0x1b: {  	s9 =	sadd.s32 $0xFFFFFEF7, lr;
	s5 =	simm.s32 $0xFFFFFFFF;
	p2 =	slt.u32 s8, $0xFFFFF086  }
0x1c: {  	p1 =	slt.u32 s9, $0xF7A;
	s5 =	simm.s32 @!p2 $0x0  }
0x1d: {  	s5 =	simm.s32 @p1 $0x1;
	p0 =	seq.s32 s7, s2  }
0x1e: {  	s7 =	smul.u32 @!p0 $0xF7A, s2;
	p2 =	seq.s32 @!p0 s5, $0x0  }
0x1f: {  	s9 =	smul.u32 $0xF7A, s1;
	s8 =	simm.s32 @!p0 $0x1BF5;
	p2 =	por !p2, p0  }
0x20: {  	[sflag:s8] =	ssyncset.s32 @!p0 $0xFFFFF086;
	s6 =	sadd.s32 @!p0 s3, s7;
	s7 =	simm.s32 @!p0 $0x108  }
0x21: {  	s3 =	sadd.s32 s3, s9;
	s6 =	sadd.s32 @!p0 $0x88, s6;
	s7 =	simm.s32 @p2 $0x1082  }
0x22: {  	[simem:s7], [sflag:s8] =	dma.local @!p0 [hbm:s6], $0xF7A  }
0x23: {  	s9 =	sor.u32 $0xD0000000, s2;
	s6 =	simm.s32 $0x108;
	_ =	swait.ge @!p0 [sflag:s8], $0x0  }
0x24: {  	s3 =	sadd.s32 $0x88, s3;
	s6 =	simm.s32 @!p1 $0x1082;
	[sflag:s4] =	ssyncset.s32 $0xFFFFF086  }
0x25: {  	[simem:s6], [sflag:s4] =	dma.local [hbm:s3], $0xF7A  }
0x26: {  	[smem:$0x3F8C] =	sst s1;
	(tag) =	ssettag s2;
	_ =	strace s9  }
0x27: {  	s1 =	sld [smem:$0x3F9C]  }
0x28: {  	s2 =	sld [smem:$0x3F9D]  }
0x29: {  	s4 =	sld [smem:$0x3F9F]  }
0x2a: {  	p0 =	seq.s32 s5, $0x0;
	s5 =	sld [smem:$0x3FA0]  }
0x2b: {  	s6 =	sld [smem:$0x3FA1]  }
0x2c: {  	s7 =	sld [smem:$0x3FA2]  }
0x2d: {  	s3 =	simm.s32 $0x108;
	s8 =	sld [smem:$0x3FA3]  }
0x2e: {  	s3 =	simm.s32 @!p0 $0x1082;
	s9 =	sld [smem:$0x3FA4]  }
0x2f: {  	lr =	sadd.s32 s0, s3;
	s0 =	sld [smem:$0x3F9B]  }
0x30: {  	s3 =	sld [smem:$0x3F9E]  }
0x31: {  	[smem:$0x3FA7] =	sst s10  }
0x32: {  	s10 =	sld [smem:$0x3FA5];
	_ =	sdelay $0x3  }
0x33: {  	p0 =	seq.s32 s10, $0x1;
	s10 =	sld [smem:$0x3FA7];
	_ =	sdelay $0x3  }
0x34: {  	[smem:$0x3FA7] =	sst s10  }
0x35: {  	s10 =	sld [smem:$0x3FA6];
	_ =	sdelay $0x3  }
0x36: {  	p1 =	seq.s32 s10, $0x1;
	s10 =	sld [smem:$0x3FA7];
	_ =	sdelay $0x3  }
0x37: {  	[smem:$0x3FA7] =	sst s10  }
0x38: {  	s10 =	sld [smem:$0x3FA8]  }
0x39: {  	_ = 	snop;
	(pc) =	sbr.ind lr, $3  }
0x3a: {  	_ = 	snop  }
0x3b: {  	_ = 	snop  }
0x3c: {  	p2 =	seq.s32 s10, $0x1;
	s10 =	sld [smem:$0x3FA7]  }
0x3d: {  	_ =	shalt  }
0x3e: {  	_ =	shalt  }
0x3f: {  	_ =	shalt  }
0x40: {  	_ =	shalt  }
0x41: {  	_ =	shalt  }
0x42: {  	_ =	shalt  }
0x43: {  	_ =	shalt  }
0x44: {  	_ =	shalt  }
0x45: {  	_ =	shalt  }
0x46: {  	_ =	shalt  }
0x47: {  	_ =	shalt  }
0x48: {  	_ =	shalt  }
0x49: {  	_ =	shalt  }
0x4a: {  	_ =	shalt  }
0x4b: {  	_ =	shalt  }
0x4c: {  	_ =	shalt  }
0x4d: {  	_ =	shalt  }
0x4e: {  	_ =	shalt  }
0x4f: {  	_ =	shalt  }
0x50: {  	_ =	shalt  }
0x51: {  	_ =	shalt  }
0x52: {  	_ =	shalt  }
0x53: {  	_ =	shalt  }
0x54: {  	_ =	shalt  }
0x55: {  	_ =	shalt  }
0x56: {  	_ =	shalt  }
0x57: {  	_ =	shalt  }
0x58: {  	_ =	shalt  }
0x59: {  	_ =	shalt  }
0x5a: {  	_ =	shalt  }
0x5b: {  	_ =	shalt  }
0x5c: {  	_ =	shalt  }
0x5d: {  	_ =	shalt  }
0x5e: {  	_ =	shalt  }
0x5f: {  	_ =	shalt  }
0x60: {  	_ =	shalt  }
0x61: {  	_ =	shalt  }
0x62: {  	_ =	shalt  }
0x63: {  	_ =	shalt  }
0x64: {  	_ =	shalt  }
0x65: {  	_ =	shalt  }
0x66: {  	_ =	shalt  }
0x67: {  	_ =	shalt  }
0x68: {  	_ =	shalt  }
0x69: {  	_ =	shalt  }
0x6a: {  	_ =	shalt  }
0x6b: {  	_ =	shalt  }
0x6c: {  	_ =	shalt  }
0x6d: {  	_ =	shalt  }
0x6e: {  	_ =	shalt  }
0x6f: {  	_ =	shalt  }
0x70: {  	_ =	shalt  }
0x71: {  	_ =	shalt  }
0x72: {  	_ =	shalt  }
0x73: {  	_ =	shalt  }
0x74: {  	_ =	shalt  }
0x75: {  	_ =	shalt  }
0x76: {  	_ =	shalt  }
0x77: {  	_ =	shalt  }
0x78: {  	_ =	shalt  }
0x79: {  	_ =	shalt  }
0x7a: {  	_ =	shalt  }
0x7b: {  	_ =	shalt  }
0x7c: {  	_ =	shalt  }
0x7d: {  	_ =	shalt  }
0x7e: {  	_ =	shalt  }
0x7f: {  	_ =	shalt  }
0x80: {  	_ =	shalt  }
0x81: {  	_ =	shalt  }
0x82: {  	_ =	shalt  }
0x83: {  	_ =	shalt  }
0x84: {  	_ =	shalt  }
0x85: {  	_ =	shalt  }
0x86: {  	_ =	shalt  }
0x87: {  	_ =	shalt  }
.Lfunc_end0:
.L_simem_size_0:
called_computation.3_lowered:
.L_overlay_start_0:
0x88: {  	s2 =	sld [smem:$0x3FD9]  }
0x89: {  	s3 =	sld [smem:$0x3FFE];
	_ =	sdelay $0x1  }
0x8a: {  	s1 =	srdreg.scid  }
0x8b: {  	s0 =	sand.u32 $0x1, s1  }
0x8c: {  	s17 =	sshll.u32 s0, $0xA;
	s2 =	sadd.s32 s3, s2  }
0x8d: {  	s2 =	sadd.s32 s2, s17  }
0x8e: {  	[smem:$0x3FB3] =	sst s2  }
0x8f: {  	_ = 	snop  }
0x90: {  	(tm) =	ssettm $0x1  }
0x91: {  	s18 =	sld [smem:$0x3FFB];
	_ =	sdelay $0x3  }
0x92: {  	_ =	strace s18  }
0x93: {  	s2 =	sld [smem:$0x3FFC];
	_ =	sdelay $0x3  }
0x94: {  	_ =	strace s2  }
0x95: {  	s2 =	sld [smem:$0x3FFD];
	_ =	sdelay $0x3  }
0x96: {  	_ =	strace s2  }
0x97: {  	_ =	strace $0x8FFFFFFF  }
0x98: {  	s19 =	sld [smem:$0x3FDB];
	_ =	sdelay $0x1  }
0x99: {  	s20 =	simm.s32 $_scs_section_size  }
0x9a: {  	s4 =	simm.s32 $_size__tile_overlayer_lowered;
	s5 =	simm.s32 $_tile_overlayer_lowered  }
0x9b: {  	s6 =	simm.s32 $0x1BFF;
	s21 =	sshll.u32 s5, $0x1;
	s3 =	sadd.s32 s20, s19  }
0x9c: {  	s22 =	simm.s32 $0x0;
	s4 =	sshll.u32 s4, $0x1;
	s5 =	sadd.s32 s21, s3  }
0x9d: {  	[timem:s22], [sflag:s6] =	dma.local [hbm:s5], s4  }
0x9e: {  	_ =	swait.ge [sflag:s6], s4  }
0x9f: {  	s4 =	ssub.s32 $0x0, s4;
	[sflag:s6] =	ssyncset.done $0x0  }
0xa0: {  	[sflag:s6] =	ssyncadd.s32 s4;
	_ =	sdelay $0x1  }
0xa1: {  	s23 =	simm.s32 $0x1B8B  }
0xa2: {  	_ =	swait.ge [sflag:s23], $0x1  }
0xa3: {  	[sflag:s23] =	ssyncset.done $0x0  }
0xa4: {  	[sflag:s23] =	ssyncadd.s32 $0xFFFFFFFF  }
0xa5: {  	s4 =	sld [smem:$0x0]  }
0xa6: {  	s5 =	sand.u32 $0xFFFFFFFE, s1  }
0xa7: {  	p0 =	sne.s32 s1, s5  }
0xa8: {  	s5 =	sshll.u32 @p0 s5, $0xE  }
0xa9: {  	s5 =	sadd.s32 @p0 $0x11B8D, s5;
	s6 =	sshll.u32 @p0 s4, $0x11  }
0xaa: {  	s5 =	sor.u32 @p0 s6, s5  }
0xab: {  	[sflag:s5] =	ssyncadd.remote.s32 @p0 $0x1;
	_ =	sdelay $0x1  }
0xac: {  	s5 =	simm.s32 @p0 $0x1B8D  }
0xad: {  	_ =	swait.eq @p0 [sflag:s5], $0x1  }
0xae: {  	[sflag:s5] =	ssyncadd.s32 @p0 $0xFFFFFFFF  }
0xaf: {  	s6 =	sshll.u32 @!p0 s1, $0xE  }
0xb0: {  	s6 =	sor.u32 @!p0 $0x4000, s6;
	s5 =	simm.s32 @!p0 $0x1B8D  }
0xb1: {  	s4 =	sshll.u32 @!p0 s4, $0x11;
	s6 =	sadd.s32 @!p0 $0x11B8D, s6;
	_ =	swait.eq @!p0 [sflag:s5], $0x1  }
0xb2: {  	s4 =	sor.u32 @!p0 s4, s6;
	[sflag:s5] =	ssyncadd.s32 @!p0 $0xFFFFFFFF  }
0xb3: {  	s25 =	simm.s32 $0x1B8E;
	s24 =	sld [smem:$0x3FFE];
	[sflag:s4] =	ssyncadd.remote.s32 @!p0 $0x1  }
0xb4: {  	s26 =	simm.s32 $execute0_lowered;
	[smem:$0x3FD2] =	sst s25  }
0xb5: {  	s5 =	sshll.u32 s26, $0x1;
	_ =	strace $0x8000004F;
	[dreg:$0x1] =	wrdreg $0xFFFFFFFF  }
0xb6: {  	s28 =	simm.s32 $_size_execute0_lowered;
	s3 =	sadd.s32 s3, s5;
	[dreg:$0x0] =	wrdreg $0x0  }
0xb7: {  	s5 =	sshll.u32 s28, $0x1;
	[dreg:$0x2] =	wrdreg s3  }
0xb8: {  	[dreg:$0x3] =	wrdreg s5  }
0xb9: {  	[dreg:$0x4] =	wrdreg $0xC0  }
0xba: {  	_ =	task [dreg:s22], $0x5FFFF  }
0xbb: {  	[dreg:$0x1] =	wrdreg $0xFFFFFFFF  }
0xbc: {  	[dreg:$0x0] =	wrdreg $0x60  }
0xbd: {  	[dreg:$0x2] =	wrdreg s24  }
0xbe: {  	[dreg:$0x3] =	wrdreg $0xA  }
0xbf: {  	_ =	task.clear_ibuf [dreg:s22], $0x4FFFF;
	_ =	strace $0x9000004F  }
0xc0: {  	s29 =	simm.s32 $0xA;
	_ =	strace $0x80000051  }
0xc1: {  	_ =	swait.ge [sflag:s29], $0x1  }
0xc2: {  	[sflag:s29] =	ssyncadd.s32 $0xFFFFFFFF  }
0xc3: {  	_ =	strace $0x90000051  }
0xc4: {  	_ =	sfence  }
0xc5: {  	s30 =	sld [smem:$0x0];
	_ =	sdelay $0x2  }
0xc6: {  	s31 =	sshll.u32 s1, $0xD;
	s1 =	sshrl.u32 s1, $0x2  }
0xc7: {  	s4 =	sand.u32 $0x4000, s31;
	s1 =	sadd.s32 s1, s30  }
0xc8: {  	s0 =	sor.u32 s4, s0;
	s1 =	sshll.u32 s1, $0x11  }
0xc9: {  	s0 =	sor.u32 s1, s0  }
0xca: {  	s0 =	sadd.s32 $0x8F2B, s0  }
0xcb: {  	[sflag:s0] =	ssyncadd.remote.s32 $0x1  }
0xcc: {  	_ =	sfence.sel $0xFFFF  }
0xcd: {  	[dreg:$0x0] =	wrdreg $0xFFFFFFFF;
	(pc) =	sbr.abs _section_cstart, $3  }
0xce: {  	[dreg:$0x1] =	wrdreg $0xFFFFFFFF  }
0xcf: {  	_ =	task.clear_ibuf [dreg:s22], $0x2FFFF;
	_ =	strace $0x9FFFFFFF  }
0xd0: {  	(tm) =	ssettm $0x7FFFFFFF  }
0xd1: {  	_ =	shalt  }
tec
execute0_lowered:
.L_overlay_start_1:
0x0: {  	(tag) =	ssettag $0x1  }
0x1: {  	s6 =	rddreg [dreg:$0x0]  }
0x2: {  	s1 =	srdreg.scid;
	s0 =	rddreg [dreg:$0x1];
	s2 =	simm.s32 $0x0  }
0x3: {  	s10 =	simm.s32 $0x19880;
	s11 =	simm.s32 $0x1A880;
	s13 =	simm.s32 $0x1000  }
0x4: {  	s14 =	simm.s32 $0x1C880;
	s15 =	simm.s32 $0x1D880;
	s16 =	simm.s32 $0x1  }
0x5: {  	s17 =	simm.s32 $0x0;
	s3 =	sand.u32 $0x1, s1;
	s1 =	stileid.u32  }
0x6: {  	[smem:$0x7FF] =	sst s2;
	s5 =	sadd.s32 $0x3800, s6;
	s4 =	sshll.u32 s3, $0x4  }
.Ltmp0:
0x7: {  	s8 =	ssub.s32 $0x2, s3;
	s12 =	sor.u32 s1, s4;
	(pc) =	sbr.rel .LBB2_1-.Ltmp0, $4  }
0x8: {  	_ =	strace $0x80000050;
	s9 =	sshrl.u32 s8, $0x1;
	s7 =	smul.u32 $0x3100, s12  }
0x9: {  	s3 =	sadd.s32 $0xF7E00, s6;
	s4 =	sadd.s32 $0x34600, s6;
	s31 =	ssub.s32 s8, s9  }
0xa: {  	v1 =	vimm.f32 $0.0e+00;
	s8 =	simm.s32 $0x18880;
	s9 =	simm.s32 $0x2;
	s6 =	sadd.s32 s7, s6  }
0xb: {  	v2 =	vlaneseq.u32;
	v3 =	vimm.s32 $0x0;
	v0 =	vmov s12;
	s12 =	simm.s32 $0x1B880;
	s7 =	smax.u32 s31, $0x1;
	s6 =	sadd.s32 $0x159A00, s6  }
.LBB2_20:
0xc: {  	s17 =	sadd.s32 $0x1, s17  }
0xd: {  	p0 =	sne.s32 s17, s7  }
.Ltmp1:
0xe: {  	_ = 	snop;
	(pc) =	sbr.rel @!p0 .LBB2_21-.Ltmp1, $4  }
0xf: {  	[hbm4b:s6+s2] =	stream.linear.scatter [tilespmem:s2], [sflag:$0x2], $0x18800, $0x38;
	[tilespmem:$0x1E900] =	vst v63  }
0x10: {  	_ =	swait.ge [sflag:s9], $0x18800  }
0x11: {  	[sflag:s9] =	ssyncset.done $0x0  }
0x12: {  	[sflag:s9] =	ssyncadd.s32 $0xFFFE7800  }
.LBB2_1:
0x13: {  	s18 =	simm.s32 $0x0  }
.LBB2_2:
0x14: {  	p0 =	sne.s32 s18, $0x62040  }
.Ltmp2:
0x15: {  	_ = 	snop;
	(pc) =	sbr.rel @p0 .LBB2_2-.Ltmp2, $3  }
0x16: {  	_ =	sdelay $0x1  }
0x17: {  	s19 =	sshra.s32 s18, $0x2  }
0x18: {  	s18 =	sadd.s32 $0x40, s18;
	[tilespmem:s19+$0x0] =	vst v1  }
0x19: {  	s18 =	simm.s32 $0x0  }
0x1a: {  	s19 =	simm.s32 $0x1A880;
	v4 =	vor.u32 s18, v2  }
0x1b: {  	s20 =	simm.s32 $0x10;
	[tilespmem:s19+$0x0] =	vst v4  }
.LBB2_4:
0x1c: {  	p0 =	sne.s32 s20, $0xFB0  }
.Ltmp3:
0x1d: {  	_ = 	snop;
	(pc) =	sbr.rel @p0 .LBB2_4-.Ltmp3, $3  }
0x1e: {  	_ =	sdelay $0x1  }
0x1f: {  	v4 =	vor.u32 s20, v2;
	s20 =	sadd.s32 $0x10, s20;
	s19 =	sadd.s32 $0x10, s19  }
0x20: {  	[tilespmem:s19+$0x0] =	vst v4  }
.Ltmp4:
0x21: {  	_ = 	snop;
	(pc) =	sbr.rel .LBB2_5-.Ltmp4, $1  }
0x22: {  	_ =	sdelay $0x3  }
.LBB2_19:
0x23: {  	s18 =	sadd.s32 $0x1, s18  }
0x24: {  	p0 =	sne.s32 s18, $0x190  }
.Ltmp5:
0x25: {  	_ = 	snop;
	(pc) =	sbr.rel @!p0 .LBB2_20-.Ltmp5, $1  }
0x26: {  	_ =	sdelay $0x3  }
.LBB2_5:
0x27: {  	s19 =	smul.u32 $0x1F4, s18;
	_ =	sdelay $0x1  }
0x28: {  	s21 =	simm.s32 $0x0;
	s20 =	sadd.s32 s4, s19  }
0x29: {  	[tilespmem:s8], [sflag:$0x2] =	stream.linear.gather [hbm4b:s20+s21], $0xFA0, $0x38;
	[tilespmem:$0x1E900] =	vst v63  }
0x2a: {  	_ =	swait.ge [sflag:s9], $0xFA0  }
0x2b: {  	[sflag:s9] =	ssyncset.done $0x0  }
0x2c: {  	s19 =	sadd.s32 s5, s19;
	[sflag:s9] =	ssyncadd.s32 $0xFFFFF060  }
0x2d: {  	[tilespmem:s10], [sflag:$0x2] =	stream.linear.gather [hbm4b:s19+s21], $0xFA0, $0x38;
	[tilespmem:$0x1E900] =	vst v63  }
0x2e: {  	_ =	swait.ge [sflag:s9], $0xFA0  }
0x2f: {  	[sflag:s9] =	ssyncset.done $0x0  }
0x30: {  	s19 =	simm.s32 $0x0;
	[sflag:s9] =	ssyncadd.s32 $0xFFFFF060  }
0x31: {  	v6 =	vimm.s32 $0x0;
	v5 =	vimm.s32 $0x0;
	s20 =	simm.s32 $0x40;
	v4 =	vld [tilespmem:s19+$0x19880]  }
.LBB2_6:
0x32: {  	p0 =	sne.s32 s20, $0x3E40;
	_ =	sdelay $0x3  }
0x33: {  	v7 =	vand.u32 $0x1F, v4  }
0x34: {  	vm0 =	veq.s32 v7, v0  }
0x35: {  	v7 =	vsel vm0, $0x1, v3;
	v8 =	vmpcnt.ones.xlane vm0  }
0x36: {  	(xrf0) =	vadd.scan.msk.s32 $0xffff, v7  }
0x37: {  	v6 =	vadd.s32 v6, v8;
	_ =	sdelay $0x4  }
0x38: {  	v7, _, _ =	vpop (xrf0)  }
0x39: {  	v7 =	vadd.s32 v7, v5;
	v5 =	vmov v6  }
0x3a: {  	v8 =	vld [tilespmem:s19+$0x18880];
	v7 =	vadd.s32 $0xFFFFFFFF, v7;
	_ =	sdelay $0x2  }
.Ltmp6:
0x3b: {  	(pc) =	sbr.rel @p0 .LBB2_6-.Ltmp6, $4  }
0x3c: {  	_ = 	snop  }
0x3d: {  	v4 =	vshra.s32 v4, $0x5;
	[tilespmem:v7+s11+$0x0] =	vst.idx.msk vm0, v8  }
0x3e: {  	s19 =	sshra.s32 s20, $0x2;
	[tilespmem:v7+s12+$0x0] =	vst.idx.msk vm0, v4  }
0x3f: {  	s20 =	sadd.s32 $0x40, s20;
	v4 =	vld [tilespmem:s19+$0x19880]  }
0x40: {  	_ =	sdelay $0x3  }
0x41: {  	v7 =	vand.u32 $0x1F, v4  }
0x42: {  	vm0 =	veq.s32 v7, v0  }
0x43: {  	v7 =	vmpcnt.ones.xlane vm0;
	_ =	sdelay $0x1  }
0x44: {  	v6 =	vadd.s32 v6, v7  }
0x45: {  	(v2sf) =	vpush v6, $0x0;
	_ =	sdelay $0x5  }
0x46: {  	v62 =	vsel vm0, $0x1, v3  }
0x47: {  	(xrf0) =	vadd.scan.msk.s32 $0xffff, v62;
	_ =	sdelay $0x5  }
0x48: {  	v6, _, _ =	vpop (xrf0)  }
0x49: {  	v5 =	vadd.s32 v6, v5  }
0x4a: {  	v63 =	vld [tilespmem:s19+$0x18880];
	v5 =	vadd.s32 $0xFFFFFFFF, v5;
	s19 =	spop (v2sf)  }
0x4b: {  	p0 =	slt.s32 s19, $0x1  }
.Ltmp7:
0x4c: {  	_ = 	snop;
	(pc) =	sbr.rel @p0 .LBB2_19-.Ltmp7, $3  }
0x4d: {  	_ =	sdelay $0x1  }
0x4e: {  	v4 =	vshra.s32 v4, $0x5;
	[tilespmem:v5+s11+$0x0] =	vst.idx.msk vm0, v63  }
0x4f: {  	[tilespmem:v5+s12+$0x0] =	vst.idx.msk vm0, v4  }
.Ltmp8:
0x50: {  	(pc) =	sbr.rel .LBB2_9-.Ltmp8, $3  }
0x51: {  	_ =	sdelay $0x1  }
0x52: {  	s20 =	sadd.s32 $0xFFFFFFFF, s19  }
0x53: {  	s21 =	smov.u32 s19;
	s22 =	simm.s32 $0x0;
	v4 =	vmov s20;
	s20 =	simm.s32 $0x0  }
.LBB2_13:
0x54: {  	s24 =	simm.s32 $0x1D890  }
.LBB2_17:
0x55: {  	_ =	sdelay $0x2  }
0x56: {  	[tilespmem:s28+$0x10] =	vst @p0 v6  }
0x57: {  	v5 =	vld.idx.msk [tilespmem:v5+s12+$0x0], $0xffff;
	_ =	sdelay $0x4  }
0x58: {  	(v2sf) =	vpush v5, $0x0;
	_ =	sdelay $0xe  }
0x59: {  	s24 =	sadd.s32 @p0 $0x20, s24;
	s25 =	spop (v2sf)  }
0x5a: {  	s23 =	smov.u32 @p0 s24;
	s25 =	sshll.u32 s25, $0x7  }
0x5b: {  	v5 =	vld [tilespmem:s23+$0xFFFFFFF0];
	s31 =	sshra.s32 s25, $0x2  }
0x5c: {  	v6 =	vld [tilespmem:s31+$0x0];
	_ =	sdelay $0x4  }
0x5d: {  	v5 =	vmax.f32 v6, v5  }
0x5e: {  	[tilespmem:s31+$0x0] =	vst v5;
	v5 =	vld [tilespmem:s31+$0x10]  }
0x5f: {  	v6 =	vld [tilespmem:s23+$0x0];
	_ =	sdelay $0x4  }
0x60: {  	v5 =	vmax.f32 v5, v6  }
0x61: {  	[tilespmem:s31+$0x10] =	vst v5  }
.LBB2_18:
0x62: {  	s22 =	sadd.s32 $0x80, s22  }
0x63: {  	p0 =	slt.s32 s22, s19  }
.Ltmp9:
0x64: {  	_ = 	snop;
	(pc) =	sbr.rel @!p0 .LBB2_19-.Ltmp9, $2  }
0x65: {  	_ =	sdelay $0x2  }
0x66: {  	s21 =	sadd.s32 $0xFFFFFF80, s21  }
.LBB2_9:
0x67: {  	v6 =	vmov s20  }
0x68: {  	v5 =	vmov s22;
	v6 =	vshrl.u32 v6, $0x5  }
0x69: {  	v6 =	vor.u32 v5, v6  }
0x6a: {  	vm0 =	vlt.s32 v6, v4  }
0x6b: {  	v6 =	vsel vm0, v6, v4;
	_ =	sdelay $0x2  }
0x6c: {  	s23 =	simm.s32 $0x10  }
0x6d: {  	v7 =	vmov s23  }
0x6e: {  	v7 =	vshrl.u32 v7, $0x5;
	v6 =	vld.idx.msk [tilespmem:v6+s11+$0x0], $0xffff  }
0x6f: {  	v7 =	vor.u32 v5, v7  }
0x70: {  	vm15 =	vlt.s32 v7, v4  }
0x71: {  	v8 =	vsel vm15, v7, v4  }
0x72: {  	v7 =	vor.u32 s20, v2  }
0x73: {  	v7 =	vand.u32 $0x1F, v7;
	v6 =	vshll.u32 v6, $0x5  }
0x74: {  	p0 =	sgt.s32 s21, $0x1;
	s24 =	smov.u32 s21;
	s25 =	simm.s32 $0x1C880;
	v6 =	vor.u32 v7, v6  }
0x75: {  	s26 =	simm.s32 $0x20;
	s24 =	simm.s32 @!p0 $0x1;
	[tilespmem:s25+$0x0] =	vst v6  }
0x76: {  	s28 =	simm.s32 $0x30;
	s24 =	smin.u32 s24, $0x80;
	v7 =	vmov s26;
	v6 =	vld.idx.msk [tilespmem:v8+s11+$0x0], $0xffff  }
.LBB2_10:
0x77: {  	p0 =	sne.s32 s28, $0xFF0;
	v7 =	vshrl.u32 v7, $0x5  }
0x78: {  	v7 =	vor.u32 v5, v7  }
0x79: {  	vm0 =	vlt.s32 v7, v4  }
0x7a: {  	v8 =	vsel vm0, v7, v4  }
.Ltmp10:
0x7b: {  	v7 =	vor.u32 s23, v2;
	s23 =	smov.u32 s26;
	s26 =	smov.u32 s28;
	(pc) =	sbr.rel @p0 .LBB2_10-.Ltmp10, $4  }
0x7c: {  	v6 =	vshll.u32 v6, $0x5;
	v7 =	vand.u32 $0x1F, v7  }
0x7d: {  	s25 =	sadd.s32 $0x10, s25;
	v6 =	vor.u32 v7, v6  }
0x7e: {  	[tilespmem:s25+$0x0] =	vst v6  }
0x7f: {  	s28 =	sadd.s32 $0x10, s28;
	v7 =	vmov s26;
	v6 =	vld.idx.msk [tilespmem:v8+s11+$0x0], $0xffff  }
0x80: {  	v7 =	vshrl.u32 v7, $0x5  }
0x81: {  	v5 =	vor.u32 v5, v7  }
0x82: {  	vm0 =	vlt.s32 v5, v4  }
0x83: {  	v5 =	vsel vm0, v5, v4  }
0x84: {  	v7 =	vor.u32 s23, v2  }
0x85: {  	v7 =	vand.u32 $0x1F, v7;
	v6 =	vshll.u32 v6, $0x5  }
0x86: {  	s30 =	sadd.s32 $0x10, s25;
	v6 =	vor.u32 v7, v6  }
0x87: {  	[tilespmem:s30+$0x0] =	vst v6  }
0x88: {  	v5 =	vld.idx.msk [tilespmem:v5+s11+$0x0], $0xffff;
	_ =	sdelay $0x3  }
0x89: {  	v6 =	vor.u32 s26, v2  }
0x8a: {  	s31 =	ssub.s32 s19, s22;
	v6 =	vand.u32 $0x1F, v6;
	v5 =	vshll.u32 v5, $0x5  }
0x8b: {  	s23 =	sadd.s32 $0x10, s30;
	p0 =	slt.s32 s31, $0x1;
	v5 =	vor.u32 v6, v5  }
.Ltmp11:
0x8c: {  	[tilespmem:s23+$0x0] =	vst v5;
	(pc) =	sbr.rel @p0 .LBB2_18-.Ltmp11, $4  }
0x8d: {  	[tilespmem:s15], [sflag:$0x1] =	stream.indirect.gather [hbm4b:s3+s13], $0x1, s14, s13, $0xb8;
	[tilespmem:$0x1E900] =	vst v63  }
0x8e: {  	_ =	swait.ge [sflag:s16], $0x1000  }
0x8f: {  	[sflag:s16] =	ssyncset.done $0x0  }
0x90: {  	s23 =	simm.s32 $0x1D890;
	[sflag:s16] =	ssyncadd.s32 $0xFFFFF000  }
0x91: {  	p1 =	sne.s32 s24, $0x1  }
.Ltmp12:
0x92: {  	_ = 	snop;
	(pc) =	sbr.rel @!p1 .LBB2_13-.Ltmp12, $2  }
0x93: {  	_ =	sdelay $0x2  }
0x94: {  	s24 =	sadd.s32 $0xFFFFFFFF, s24;
	v5 =	vmov s22;
	p0 =	por $0x0, $0x0  }
0x95: {  	_ =	sdelay $0x3  }
0x96: {  	v5 =	vld.idx.msk [tilespmem:v5+s12+$0x0], $0xffff;
	_ =	sdelay $0x4  }
0x97: {  	(v2sf) =	vpush v5, $0x0;
	_ =	sdelay $0xe  }
0x98: {  	s25 =	spop (v2sf)  }
0x99: {  	s25 =	sshll.u32 s25, $0x7  }
0x9a: {  	v5 =	vld [tilespmem:s23+$0xFFFFFFF0];
	s28 =	sshra.s32 s25, $0x2  }
0x9b: {  	v6 =	vld [tilespmem:s28+$0x0];
	_ =	sdelay $0x4  }
0x9c: {  	v5 =	vmax.f32 v6, v5  }
0x9d: {  	v6 =	vld [tilespmem:s28+$0x10];
	[tilespmem:s28+$0x0] =	vst v5  }
0x9e: {  	p1 =	sne.s32 s24, $0x1;
	v7 =	vld [tilespmem:s23+$0x0]  }
.Ltmp13:
0x9f: {  	s25 =	sadd.s32 $0x1, s22;
	(pc) =	sbr.rel @!p1 .LBB2_15-.Ltmp13, $2  }
0xa0: {  	v5 =	vmov s25;
	_ =	sdelay $0x2  }
0xa1: {  	s26 =	sadd.s32 $0xFFFFFFFF, s24;
	p0 =	por $0x1, $0x1;
	s24 =	simm.s32 $0x1D890;
	v6 =	vmax.f32 v6, v7  }
.LBB2_16:
0xa2: {  	p1 =	sne.s32 s26, $0x1;
	s26 =	sadd.s32 $0xFFFFFFFF, s26;
	[tilespmem:s28+$0x10] =	vst v6;
	s24 =	sadd.s32 $0x20, s24  }
0xa3: {  	v5 =	vld.idx.msk [tilespmem:v5+s12+$0x0], $0xffff;
	_ =	sdelay $0x5  }
0xa4: {  	(v2sf) =	vpush v5, $0x0;
	_ =	sdelay $0xe  }
0xa5: {  	s28 =	spop (v2sf)  }
0xa6: {  	s28 =	sshll.u32 s28, $0x7  }
0xa7: {  	v5 =	vld [tilespmem:s24+$0xFFFFFFF0];
	s28 =	sshra.s32 s28, $0x2  }
0xa8: {  	v6 =	vld [tilespmem:s28+$0x0];
	_ =	sdelay $0x4  }
0xa9: {  	v5 =	vmax.f32 v6, v5  }
0xaa: {  	[tilespmem:s28+$0x0] =	vst v5;
	v6 =	vld [tilespmem:s28+$0x10]  }
0xab: {  	v7 =	vld [tilespmem:s24+$0x0]  }
.Ltmp14:
0xac: {  	s25 =	sadd.s32 $0x1, s25;
	(pc) =	sbr.rel @p1 .LBB2_16-.Ltmp14, $2  }
0xad: {  	v5 =	vmov s25;
	_ =	sdelay $0x2  }
0xae: {  	v6 =	vmax.f32 v6, v7  }
.Ltmp15:
0xaf: {  	_ = 	snop;
	(pc) =	sbr.rel .LBB2_17-.Ltmp15, $1  }
0xb0: {  	_ =	sdelay $0x3  }
.LBB2_15:
.Ltmp16:
0xb1: {  	(pc) =	sbr.rel .LBB2_17-.Ltmp16, $2  }
0xb2: {  	_ =	sdelay $0x2  }
0xb3: {  	s24 =	simm.s32 $0x1D890  }
.LBB2_21:
0xb4: {  	_ =	sfence.sel $0x180000  }
0xb5: {  	[bflag:$0x0] =	sbarrier.arrive $0xFFFF  }
0xb6: {  	p0 =	sne.s32 s1, $0x0;
	_ =	strace $0x90000050  }
0xb7: {  	s0 =	sadd.s32 @!p0 $0x100000, s0;
	[bflag:$0x2] =	sbarrier.arrive $0xFFFF  }
0xb8: {  	[sflag:s0] =	ssyncadd.tile.s32 @!p0 $0x1;
	_ =	shalt  }
.Lfunc_end2:
_tile_overlayer_lowered:
.L_overlay_start_2:
0xb9: {  	(tag) =	ssettag $0x2  }
0xba: {  	s0 =	rddreg [dreg:$0x0];
	s2 =	stileid.u32  }
0xbb: {  	s1 =	rddreg [dreg:$0x1];
	p0 =	sne.s32 s2, $0x0  }
0xbc: {  	s3 =	rddreg [dreg:$0x2];
	[bflag:$0x3] =	sbarrier.arrive $0xFFFF;
	s2 =	simm.s32 @!p0 $0x1C02  }
0xbd: {  	[timem:s3], [sflag:s2] =	dma.local @!p0 [hbm:s0], s1  }
0xbe: {  	s0 =	simm.s32 @!p0 $0x2  }
0xbf: {  	_ =	swait.ge @!p0 [sflag:s0], s1  }
0xc0: {  	s1 =	ssub.s32 @!p0 $0x0, s1;
	[sflag:s0] =	ssyncset.done @!p0 $0x0  }
0xc1: {  	[sflag:s0] =	ssyncadd.s32 @!p0 s1  }
0xc2: {  	[bflag:$0x3] =	sbarrier.arrive $0xFFFF  }
0xc3: {  	_ =	shalt  }

// kernel: kernel.8.cloned.1.call-start
scs
__scs_entry_jumppad:
0x0: {  	(pc) =	sbr.rel $0x88, $3  }
0x1: {  	(tag) =	ssettag $0x0;
	lr =	simm.s32 $0x1  }
0x2: {  	[smem:$0x3F8C] =	sst lr;
	_ =	strace $0xD0000000  }
0x3: {  	_ = 	snop  }
0x4: {  	_ = 	snop  }
0x5: {  	_ = 	snop  }
0x6: {  	_ = 	snop  }
0x7: {  	_ = 	snop  }
__scs_overlays_trampoline_lowered:
0x8: {  	[smem:$0x3F9B] =	sst s0  }
0x9: {  	[smem:$0x3F9C] =	sst s1  }
0xa: {  	[smem:$0x3F9D] =	sst s2  }
0xb: {  	[smem:$0x3F9E] =	sst s3  }
0xc: {  	[smem:$0x3F9F] =	sst s4  }
0xd: {  	[smem:$0x3FA0] =	sst s5  }
0xe: {  	[smem:$0x3FA1] =	sst s6  }
0xf: {  	[smem:$0x3FA2] =	sst s7  }
0x10: {  	[smem:$0x3FA3] =	sst s8  }
0x11: {  	[smem:$0x3FA4] =	sst s9;
	s0 =	simm.s32 @!p0 $0x0  }
0x12: {  	s1 =	sld [smem:$0x3F8A];
	s0 =	simm.s32 @p0 $0x1  }
0x13: {  	[smem:$0x3FA5] =	sst s0;
	s0 =	simm.s32 @!p1 $0x0  }
0x14: {  	s2 =	sld [smem:$0x3F89];
	s0 =	simm.s32 @p1 $0x1  }
0x15: {  	[smem:$0x3FA6] =	sst s0;
	s0 =	simm.s32 @!p2 $0x0  }
0x16: {  	s3 =	sld [smem:$0x3FDB];
	s0 =	simm.s32 @p2 $0x1  }
0x17: {  	s4 =	simm.s32 $0x1BF5;
	[smem:$0x3FA8] =	sst s0  }
0x18: {  	s0 =	sld [smem:$0x3F8B];
	_ =	swait.ge [sflag:s4], $0x0  }
0x19: {  	s7 =	sld [smem:$0x3F8C]  }
0x1a: {  	s8 =	sadd.s32 $0xFFFFE003, lr  }
0x1b: {  	s9 =	sadd.s32 $0xFFFFFEF7, lr;
	s5 =	simm.s32 $0xFFFFFFFF;
	p2 =	slt.u32 s8, $0xFFFFF086  }
0x1c: {  	p1 =	slt.u32 s9, $0xF7A;
	s5 =	simm.s32 @!p2 $0x0  }
0x1d: {  	s5 =	simm.s32 @p1 $0x1;
	p0 =	seq.s32 s7, s2  }
0x1e: {  	s7 =	smul.u32 @!p0 $0xF7A, s2;
	p2 =	seq.s32 @!p0 s5, $0x0  }
0x1f: {  	s9 =	smul.u32 $0xF7A, s1;
	s8 =	simm.s32 @!p0 $0x1BF5;
	p2 =	por !p2, p0  }
0x20: {  	[sflag:s8] =	ssyncset.s32 @!p0 $0xFFFFF086;
	s6 =	sadd.s32 @!p0 s3, s7;
	s7 =	simm.s32 @!p0 $0x108  }
0x21: {  	s3 =	sadd.s32 s3, s9;
	s6 =	sadd.s32 @!p0 $0x88, s6;
	s7 =	simm.s32 @p2 $0x1082  }
0x22: {  	[simem:s7], [sflag:s8] =	dma.local @!p0 [hbm:s6], $0xF7A  }
0x23: {  	s9 =	sor.u32 $0xD0000000, s2;
	s6 =	simm.s32 $0x108;
	_ =	swait.ge @!p0 [sflag:s8], $0x0  }
0x24: {  	s3 =	sadd.s32 $0x88, s3;
	s6 =	simm.s32 @!p1 $0x1082;
	[sflag:s4] =	ssyncset.s32 $0xFFFFF086  }
0x25: {  	[simem:s6], [sflag:s4] =	dma.local [hbm:s3], $0xF7A  }
0x26: {  	[smem:$0x3F8C] =	sst s1;
	(tag) =	ssettag s2;
	_ =	strace s9  }
0x27: {  	s1 =	sld [smem:$0x3F9C]  }
0x28: {  	s2 =	sld [smem:$0x3F9D]  }
0x29: {  	s4 =	sld [smem:$0x3F9F]  }
0x2a: {  	p0 =	seq.s32 s5, $0x0;
	s5 =	sld [smem:$0x3FA0]  }
0x2b: {  	s6 =	sld [smem:$0x3FA1]  }
0x2c: {  	s7 =	sld [smem:$0x3FA2]  }
0x2d: {  	s3 =	simm.s32 $0x108;
	s8 =	sld [smem:$0x3FA3]  }
0x2e: {  	s3 =	simm.s32 @!p0 $0x1082;
	s9 =	sld [smem:$0x3FA4]  }
0x2f: {  	lr =	sadd.s32 s0, s3;
	s0 =	sld [smem:$0x3F9B]  }
0x30: {  	s3 =	sld [smem:$0x3F9E]  }
0x31: {  	[smem:$0x3FA7] =	sst s10  }
0x32: {  	s10 =	sld [smem:$0x3FA5];
	_ =	sdelay $0x3  }
0x33: {  	p0 =	seq.s32 s10, $0x1;
	s10 =	sld [smem:$0x3FA7];
	_ =	sdelay $0x3  }
0x34: {  	[smem:$0x3FA7] =	sst s10  }
0x35: {  	s10 =	sld [smem:$0x3FA6];
	_ =	sdelay $0x3  }
0x36: {  	p1 =	seq.s32 s10, $0x1;
	s10 =	sld [smem:$0x3FA7];
	_ =	sdelay $0x3  }
0x37: {  	[smem:$0x3FA7] =	sst s10  }
0x38: {  	s10 =	sld [smem:$0x3FA8]  }
0x39: {  	_ = 	snop;
	(pc) =	sbr.ind lr, $3  }
0x3a: {  	_ = 	snop  }
0x3b: {  	_ = 	snop  }
0x3c: {  	p2 =	seq.s32 s10, $0x1;
	s10 =	sld [smem:$0x3FA7]  }
0x3d: {  	_ =	shalt  }
0x3e: {  	_ =	shalt  }
0x3f: {  	_ =	shalt  }
0x40: {  	_ =	shalt  }
0x41: {  	_ =	shalt  }
0x42: {  	_ =	shalt  }
0x43: {  	_ =	shalt  }
0x44: {  	_ =	shalt  }
0x45: {  	_ =	shalt  }
0x46: {  	_ =	shalt  }
0x47: {  	_ =	shalt  }
0x48: {  	_ =	shalt  }
0x49: {  	_ =	shalt  }
0x4a: {  	_ =	shalt  }
0x4b: {  	_ =	shalt  }
0x4c: {  	_ =	shalt  }
0x4d: {  	_ =	shalt  }
0x4e: {  	_ =	shalt  }
0x4f: {  	_ =	shalt  }
0x50: {  	_ =	shalt  }
0x51: {  	_ =	shalt  }
0x52: {  	_ =	shalt  }
0x53: {  	_ =	shalt  }
0x54: {  	_ =	shalt  }
0x55: {  	_ =	shalt  }
0x56: {  	_ =	shalt  }
0x57: {  	_ =	shalt  }
0x58: {  	_ =	shalt  }
0x59: {  	_ =	shalt  }
0x5a: {  	_ =	shalt  }
0x5b: {  	_ =	shalt  }
0x5c: {  	_ =	shalt  }
0x5d: {  	_ =	shalt  }
0x5e: {  	_ =	shalt  }
0x5f: {  	_ =	shalt  }
0x60: {  	_ =	shalt  }
0x61: {  	_ =	shalt  }
0x62: {  	_ =	shalt  }
0x63: {  	_ =	shalt  }
0x64: {  	_ =	shalt  }
0x65: {  	_ =	shalt  }
0x66: {  	_ =	shalt  }
0x67: {  	_ =	shalt  }
0x68: {  	_ =	shalt  }
0x69: {  	_ =	shalt  }
0x6a: {  	_ =	shalt  }
0x6b: {  	_ =	shalt  }
0x6c: {  	_ =	shalt  }
0x6d: {  	_ =	shalt  }
0x6e: {  	_ =	shalt  }
0x6f: {  	_ =	shalt  }
0x70: {  	_ =	shalt  }
0x71: {  	_ =	shalt  }
0x72: {  	_ =	shalt  }
0x73: {  	_ =	shalt  }
0x74: {  	_ =	shalt  }
0x75: {  	_ =	shalt  }
0x76: {  	_ =	shalt  }
0x77: {  	_ =	shalt  }
0x78: {  	_ =	shalt  }
0x79: {  	_ =	shalt  }
0x7a: {  	_ =	shalt  }
0x7b: {  	_ =	shalt  }
0x7c: {  	_ =	shalt  }
0x7d: {  	_ =	shalt  }
0x7e: {  	_ =	shalt  }
0x7f: {  	_ =	shalt  }
0x80: {  	_ =	shalt  }
0x81: {  	_ =	shalt  }
0x82: {  	_ =	shalt  }
0x83: {  	_ =	shalt  }
0x84: {  	_ =	shalt  }
0x85: {  	_ =	shalt  }
0x86: {  	_ =	shalt  }
0x87: {  	_ =	shalt  }
.Lfunc_end0:
.L_simem_size_0:
called_computation_lowered:
.L_overlay_start_0:
0x88: {  	s2 =	sld [smem:$0x3FD9]  }
0x89: {  	s3 =	sld [smem:$0x3FFE];
	_ =	sdelay $0x1  }
0x8a: {  	s1 =	srdreg.scid  }
0x8b: {  	s0 =	sand.u32 $0x1, s1  }
0x8c: {  	s17 =	sshll.u32 s0, $0xA;
	s2 =	sadd.s32 s3, s2  }
0x8d: {  	s2 =	sadd.s32 s2, s17  }
0x8e: {  	[smem:$0x3FB3] =	sst s2  }
0x8f: {  	_ = 	snop  }
0x90: {  	s2 =	sld [smem:$0x3FC7];
	(tm) =	ssettm $0x1  }
0x91: {  	s18 =	sld [smem:$0x3FFB];
	_ =	sdelay $0x3  }
0x92: {  	_ =	strace s18  }
0x93: {  	s3 =	sld [smem:$0x3FFC];
	_ =	sdelay $0x3  }
0x94: {  	_ =	strace s3  }
0x95: {  	s3 =	sld [smem:$0x3FFD];
	_ =	sdelay $0x3  }
0x96: {  	_ =	strace s3  }
0x97: {  	_ =	strace $0x8FFFFFFF  }
0x98: {  	s19 =	sld [smem:$0x3FDB];
	_ =	sdelay $0x1  }
0x99: {  	s4 =	simm.s32 $_scs_section_size  }
0x9a: {  	s5 =	simm.s32 $_size__tile_overlayer_lowered;
	s6 =	simm.s32 $_tile_overlayer_lowered  }
0x9b: {  	s22 =	simm.s32 $0x1BFF;
	s21 =	sshll.u32 s6, $0x1;
	s3 =	sadd.s32 s4, s19  }
0x9c: {  	s7 =	simm.s32 $0x0;
	s20 =	sshll.u32 s5, $0x1;
	s5 =	sadd.s32 s21, s3  }
0x9d: {  	[timem:s7], [sflag:s22] =	dma.local [hbm:s5], s20  }
0x9e: {  	_ =	swait.ge [sflag:s22], s20  }
0x9f: {  	s4 =	ssub.s32 $0x0, s20;
	[sflag:s22] =	ssyncset.done $0x0  }
0xa0: {  	[sflag:s22] =	ssyncadd.s32 s4;
	_ =	sdelay $0x1  }
0xa1: {  	s23 =	simm.s32 $0x1B8B  }
0xa2: {  	_ =	swait.ge [sflag:s23], $0x1  }
0xa3: {  	[sflag:s23] =	ssyncset.done $0x0  }
0xa4: {  	s25 =	simm.s32 $0x1B8E;
	s24 =	sld [smem:$0x3FFE];
	[sflag:s23] =	ssyncadd.s32 $0xFFFFFFFF  }
0xa5: {  	s26 =	simm.s32 $execute0_lowered;
	[smem:$0x3FD2] =	sst s25  }
0xa6: {  	s5 =	sshll.u32 s26, $0x1;
	_ =	strace $0x80000046;
	[dreg:$0x1] =	wrdreg $0xFFFFFFFF  }
0xa7: {  	s28 =	simm.s32 $_size_execute0_lowered;
	s3 =	sadd.s32 s3, s5;
	[dreg:$0x0] =	wrdreg $0x0  }
0xa8: {  	s5 =	sshll.u32 s28, $0x1;
	[dreg:$0x2] =	wrdreg s3  }
0xa9: {  	[dreg:$0x3] =	wrdreg s5  }
0xaa: {  	[dreg:$0x4] =	wrdreg $0xC0  }
0xab: {  	_ =	task [dreg:s7], $0x5FFFF  }
0xac: {  	[dreg:$0x1] =	wrdreg $0xFFFFFFFF  }
0xad: {  	[dreg:$0x0] =	wrdreg $0x60  }
0xae: {  	[dreg:$0x2] =	wrdreg s24  }
0xaf: {  	[dreg:$0x3] =	wrdreg s2  }
0xb0: {  	[dreg:$0x4] =	wrdreg $0x0  }
0xb1: {  	[dreg:$0x5] =	wrdreg $0x9  }
0xb2: {  	_ =	task.clear_ibuf [dreg:s7], $0x6FFFF;
	_ =	strace $0x90000046  }
0xb3: {  	s29 =	simm.s32 $0x9;
	_ =	strace $0x80000048  }
0xb4: {  	_ =	swait.ge [sflag:s29], $0x1  }
0xb5: {  	[sflag:s29] =	ssyncadd.s32 $0xFFFFFFFF  }
0xb6: {  	_ =	strace $0x90000048  }
0xb7: {  	_ =	sfence  }
0xb8: {  	s30 =	sld [smem:$0x0];
	_ =	sdelay $0x2  }
0xb9: {  	s31 =	sshll.u32 s1, $0xD;
	s1 =	sshrl.u32 s1, $0x2  }
0xba: {  	s3 =	sand.u32 $0x4000, s31;
	s1 =	sadd.s32 s1, s30  }
0xbb: {  	s0 =	sor.u32 s3, s0;
	s1 =	sshll.u32 s1, $0x11  }
0xbc: {  	s0 =	sor.u32 s1, s0  }
0xbd: {  	s0 =	sadd.s32 $0x8F2B, s0  }
0xbe: {  	[sflag:s0] =	ssyncadd.remote.s32 $0x1  }
0xbf: {  	_ =	sfence.sel $0xFFFF  }
0xc0: {  	[dreg:$0x0] =	wrdreg $0xFFFFFFFF;
	(pc) =	sbr.abs _section_cstart, $3  }
0xc1: {  	[dreg:$0x1] =	wrdreg $0xFFFFFFFF  }
0xc2: {  	_ =	task.clear_ibuf [dreg:s7], $0x2FFFF;
	_ =	strace $0x9FFFFFFF  }
0xc3: {  	(tm) =	ssettm $0x7FFFFFFF  }
tec
execute0_lowered:
.L_overlay_start_1:
0x0: {  	(tag) =	ssettag $0x1  }
0x1: {  	s8 =	rddreg [dreg:$0x0]  }
0x2: {  	s2 =	rddreg [dreg:$0x1]  }
0x3: {  	s3 =	rddreg [dreg:$0x2]  }
0x4: {  	s0 =	rddreg [dreg:$0x3]  }
0x5: {  	s5 =	srdreg.scid;
	s1 =	stileid.u32;
	s4 =	simm.s32 $0x0  }
0x6: {  	s16 =	simm.s32 $0x68E0;
	s17 =	simm.s32 $0x2;
	s18 =	simm.s32 $0x30E0  }
0x7: {  	s19 =	simm.s32 $0x38E0;
	s20 =	simm.s32 $0x40E0;
	s21 =	simm.s32 $0xFA0  }
0x8: {  	s22 =	simm.s32 $0x58E0;
	s23 =	simm.s32 $0x1;
	s24 =	simm.s32 $0x48E0  }
0x9: {  	s25 =	simm.s32 $0x0;
	s9 =	sand.u32 $0x1, s5;
	s10 =	smul.u32 $0x30E0, s1  }
0xa: {  	[smem:$0x7FF] =	sst s4;
	s5 =	sadd.s32 $0x1EBE00, s8;
	s13 =	smul.u32 $0xC380, s1  }
0xb: {  	s6 =	sadd.s32 $0x34600, s8;
	s7 =	sadd.s32 $0x3800, s8;
	s11 =	smul.u32 $0x30E00, s9  }
0xc: {  	_ =	strace $0x80000047;
	s12 =	ssub.s32 $0x2, s9;
	s9 =	sshll.u32 s9, $0x4  }
0xd: {  	s29 =	sshrl.u32 s12, $0x1;
	s9 =	sor.u32 s1, s9;
	s31 =	sshrl.u32 s13, $0x2  }
0xe: {  	s11 =	sadd.s32 s10, s11;
	s30 =	ssub.s32 s12, s29;
	s10 =	sadd.s32 s10, s3  }
0xf: {  	s9 =	smul.u32 $0xC350, s9;
	s11 =	sshrl.u32 s11, $0x3;
	s14 =	sadd.s32 $0x1870, s10  }
0x10: {  	v0 =	vlaneseq.u32;
	s15 =	sadd.s32 s11, s8;
	s8 =	sadd.s32 s31, s3;
	s11 =	smax.u32 s30, $0x1  }
0x11: {  	v1 =	vimm.f32 $0.0e+00;
	v2 =	vand.u32 $0x1, v0;
	s12 =	sadd.s32 $0x1870, s8;
	s13 =	sadd.s32 $0x1F2000, s15;
	s15 =	sadd.s32 $0x1F230E, s15  }
.LBB2_1:
0x12: {  	s26 =	simm.s32 $0x40;
	s28 =	simm.s32 $0x0  }
.LBB2_2:
0x13: {  	p0 =	sne.s32 s26, $0x6180;
	[tilespmem:s28+$0x68E0] =	vst v1;
	s28 =	smov.u32 s26;
	s26 =	sadd.s32 $0x40, s26  }
.Ltmp0:
0x14: {  	(pc) =	sbr.rel @p0 .LBB2_2-.Ltmp0, $2  }
0x15: {  	_ =	sdelay $0x2  }
0x16: {  	s28 =	sshra.s32 s28, $0x2  }
0x17: {  	[tilespmem:s28+$0x68E0] =	vst v1  }
0x18: {  	[spmem:s8] =	stream.linear.scatter [tilespmem:s16], [sflag:$0x2], $0x1870, $0x38;
	[tilespmem:$0x8160] =	vst v63  }
0x19: {  	_ =	swait.ge [sflag:s17], $0x1870  }
0x1a: {  	[sflag:s17] =	ssyncset.done $0x0  }
0x1b: {  	[sflag:s17] =	ssyncadd.s32 $0xFFFFE790  }
0x1c: {  	[spmem:s12] =	stream.linear.scatter [tilespmem:s16], [sflag:$0x2], $0x1870, $0x38;
	[tilespmem:$0x8160] =	vst v63  }
0x1d: {  	_ =	swait.ge [sflag:s17], $0x1870  }
0x1e: {  	[sflag:s17] =	ssyncset.done $0x0  }
0x1f: {  	[sflag:s17] =	ssyncadd.s32 $0xFFFFE790  }
0x20: {  	s26 =	simm.s32 $0x0;
	s28 =	simm.s32 $0x0;
	[bflag:$0x0] =	sbarrier.arrive $0xFFFF  }
.LBB2_4:
0x21: {  	s29 =	smul.u32 $0x7D0, s28;
	_ =	sdelay $0x1  }
0x22: {  	s29 =	sadd.s32 s9, s29  }
0x23: {  	s29 =	sshrl.u32 s29, $0x3  }
0x24: {  	s30 =	sadd.s32 s6, s29  }
0x25: {  	[tilespmem:s18], [sflag:$0x2] =	stream.linear.gather [hbm4b:s30+s26], $0x7D0, $0x38;
	[tilespmem:$0x8160] =	vst v63  }
0x26: {  	_ =	swait.ge [sflag:s17], $0x7D0  }
0x27: {  	[sflag:s17] =	ssyncset.done $0x0  }
0x28: {  	s30 =	sadd.s32 s7, s29;
	[sflag:s17] =	ssyncadd.s32 $0xFFFFF830  }
0x29: {  	[tilespmem:s19], [sflag:$0x2] =	stream.linear.gather [hbm4b:s30+s26], $0x7D0, $0x38;
	[tilespmem:$0x8160] =	vst v63  }
0x2a: {  	_ =	swait.ge [sflag:s17], $0x7D0  }
0x2b: {  	v3 =	vor.u32 s26, v0;
	[sflag:s17] =	ssyncset.done $0x0  }
0x2c: {  	v3 =	vshrl.u32 v3, $0x1;
	s29 =	sadd.s32 s2, s29;
	[sflag:s17] =	ssyncadd.s32 $0xFFFFF830  }
0x2d: {  	[tilespmem:s20], [sflag:$0x2] =	stream.linear.gather [hbm4b:s29+s26], $0x7D0, $0x38;
	[tilespmem:$0x8160] =	vst v63  }
0x2e: {  	_ =	swait.ge [sflag:s17], $0x7D0  }
0x2f: {  	[sflag:s17] =	ssyncset.done $0x0  }
0x30: {  	[sflag:s17] =	ssyncadd.s32 $0xFFFFF830  }
0x31: {  	v3 =	vld.idx.msk [tilespmem:v3+s18+$0x0], $0xffff  }
0x32: {  	s29 =	simm.s32 $0x10  }
0x33: {  	v4 =	vor.u32 s29, v0  }
0x34: {  	v4 =	vshrl.u32 v4, $0x1;
	_ =	sdelay $0x1  }
0x35: {  	v3 =	vshll.u32 v3, $0x1  }
0x36: {  	s29 =	simm.s32 $0x58E0;
	v3 =	vor.u32 v2, v3  }
0x37: {  	[tilespmem:s29+$0x0] =	vst v3  }
0x38: {  	v3 =	vld.idx.msk [tilespmem:v4+s18+$0x0], $0xffff  }
0x39: {  	s30 =	simm.s32 $0x20  }
0x3a: {  	v4 =	vor.u32 s30, v0;
	s30 =	simm.s32 $0x30  }
.LBB2_5:
0x3b: {  	p0 =	sne.s32 s30, $0xF90;
	v4 =	vshrl.u32 v4, $0x1;
	_ =	sdelay $0x1  }
0x3c: {  	v3 =	vshll.u32 v3, $0x1  }
0x3d: {  	s29 =	sadd.s32 $0x10, s29;
	v3 =	vor.u32 v2, v3  }
.Ltmp1:
0x3e: {  	[tilespmem:s29+$0x0] =	vst v3;
	(pc) =	sbr.rel @p0 .LBB2_5-.Ltmp1, $2  }
0x3f: {  	v3 =	vld.idx.msk [tilespmem:v4+s18+$0x0], $0xffff;
	_ =	sdelay $0x2  }
0x40: {  	v4 =	vor.u32 s30, v0;
	s30 =	sadd.s32 $0x10, s30  }
0x41: {  	v4 =	vshrl.u32 v4, $0x1;
	_ =	sdelay $0x1  }
0x42: {  	v3 =	vshll.u32 v3, $0x1  }
0x43: {  	s29 =	sadd.s32 $0x10, s29;
	v3 =	vor.u32 v2, v3  }
0x44: {  	[tilespmem:s29+$0x0] =	vst v3  }
0x45: {  	v3 =	vld.idx.msk [tilespmem:v4+s18+$0x0], $0xffff;
	_ =	sdelay $0x4  }
0x46: {  	s30 =	simm.s32 $0x0;
	v3 =	vshll.u32 v3, $0x1  }
0x47: {  	s29 =	sadd.s32 $0x10, s29;
	v4 =	vor.u32 s30, v0;
	v3 =	vor.u32 v2, v3  }
0x48: {  	[tilespmem:s29+$0x0] =	vst v3;
	s29 =	simm.s32 $0x48E0;
	v3 =	vshrl.u32 v4, $0x1  }
0x49: {  	[tilespmem:s29], [sflag:$0x1] =	stream.indirect.gather [hbm4b:s5+s21], $0x1, s22, s21, $0xb8;
	[tilespmem:$0x8160] =	vst v63  }
0x4a: {  	_ =	swait.ge [sflag:s23], $0xFA0  }
0x4b: {  	[sflag:s23] =	ssyncset.done $0x0  }
0x4c: {  	[sflag:s23] =	ssyncadd.s32 $0xFFFFF060  }
0x4d: {  	v4 =	vld.idx.msk [tilespmem:v3+s20+$0x0], $0xffff  }
0x4e: {  	v5 =	vld [tilespmem:s29+$0x0]  }
0x4f: {  	s30 =	simm.s32 $0x10  }
0x50: {  	s31 =	simm.s32 $0x20;
	v6 =	vor.u32 s30, v0  }
.LBB2_7:
0x51: {  	p0 =	sne.s32 s31, $0xF90;
	v6 =	vshrl.u32 v6, $0x1;
	_ =	sdelay $0x1  }
0x52: {  	v4 =	vmul.f32 v5, v4;
	_ =	sdelay $0x1  }
.Ltmp2:
0x53: {  	[tilespmem:s29+$0x0] =	vst v4;
	(pc) =	sbr.rel @p0 .LBB2_7-.Ltmp2, $3  }
0x54: {  	s29 =	sadd.s32 $0x10, s29;
	v4 =	vld.idx.msk [tilespmem:v6+s20+$0x0], $0xffff  }
0x55: {  	v5 =	vld [tilespmem:s29+$0x0];
	_ =	sdelay $0x1  }
0x56: {  	v6 =	vor.u32 s31, v0;
	s31 =	sadd.s32 $0x10, s31  }
0x57: {  	v6 =	vshrl.u32 v6, $0x1;
	_ =	sdelay $0x1  }
0x58: {  	v4 =	vmul.f32 v5, v4;
	_ =	sdelay $0x1  }
0x59: {  	[tilespmem:s29+$0x0] =	vst v4  }
0x5a: {  	s29 =	sadd.s32 $0x10, s29;
	v4 =	vld.idx.msk [tilespmem:v6+s20+$0x0], $0xffff  }
0x5b: {  	v5 =	vld [tilespmem:s29+$0x0];
	_ =	sdelay $0x4  }
0x5c: {  	v4 =	vmul.f32 v5, v4;
	_ =	sdelay $0x1  }
0x5d: {  	[tilespmem:s29+$0x0] =	vst v4  }
0x5e: {  	v3 =	vld.idx.msk [tilespmem:v3+s19+$0x0], $0xffff;
	_ =	sdelay $0x1  }
0x5f: {  	v4 =	vor.u32 s30, v0  }
0x60: {  	v4 =	vshrl.u32 v4, $0x1;
	_ =	sdelay $0x1  }
0x61: {  	v3 =	vshll.u32 v3, $0x1  }
0x62: {  	s29 =	simm.s32 $0x58E0;
	v3 =	vor.u32 v2, v3  }
0x63: {  	[tilespmem:s29+$0x0] =	vst v3  }
0x64: {  	v3 =	vld.idx.msk [tilespmem:v4+s19+$0x0], $0xffff  }
0x65: {  	s30 =	simm.s32 $0x20  }
0x66: {  	v4 =	vor.u32 s30, v0;
	s30 =	simm.s32 $0x30  }
.LBB2_9:
0x67: {  	p0 =	sne.s32 s30, $0xF90;
	v4 =	vshrl.u32 v4, $0x1;
	_ =	sdelay $0x1  }
0x68: {  	v3 =	vshll.u32 v3, $0x1  }
0x69: {  	s29 =	sadd.s32 $0x10, s29;
	v3 =	vor.u32 v2, v3  }
.Ltmp3:
0x6a: {  	[tilespmem:s29+$0x0] =	vst v3;
	(pc) =	sbr.rel @p0 .LBB2_9-.Ltmp3, $2  }
0x6b: {  	v3 =	vld.idx.msk [tilespmem:v4+s19+$0x0], $0xffff;
	_ =	sdelay $0x2  }
0x6c: {  	v4 =	vor.u32 s30, v0;
	s30 =	sadd.s32 $0x10, s30  }
0x6d: {  	v4 =	vshrl.u32 v4, $0x1;
	_ =	sdelay $0x1  }
0x6e: {  	v3 =	vshll.u32 v3, $0x1  }
0x6f: {  	s29 =	sadd.s32 $0x10, s29;
	v3 =	vor.u32 v2, v3  }
0x70: {  	[tilespmem:s29+$0x0] =	vst v3  }
0x71: {  	v3 =	vld.idx.msk [tilespmem:v4+s19+$0x0], $0xffff;
	_ =	sdelay $0x4  }
0x72: {  	s28 =	sadd.s32 $0x1, s28;
	v3 =	vshll.u32 v3, $0x1  }
0x73: {  	p0 =	sne.s32 s28, $0x19;
	s29 =	sadd.s32 $0x10, s29;
	v3 =	vor.u32 v2, v3  }
.Ltmp4:
0x74: {  	[tilespmem:s29+$0x0] =	vst v3;
	(pc) =	sbr.rel @p0 .LBB2_4-.Ltmp4, $4  }
0x75: {  	[spmem:s3] =	stream.indirect.scatter.add.f32 [tilespmem:s24], [sflag:$0x2], $0x1, s22, s21, $0xb8;
	[tilespmem:$0x8160] =	vst v63  }
0x76: {  	_ =	swait.ge [sflag:s17], $0xFA0  }
0x77: {  	[sflag:s17] =	ssyncset.done $0x0  }
0x78: {  	[sflag:s17] =	ssyncadd.s32 $0xFFFFF060  }
0x79: {  	[bflag:$0x0] =	sbarrier.arrive $0xFFFF  }
0x7a: {  	[tilespmem:s16], [sflag:$0x2] =	stream.linear.gather [spmem:s10], $0x1870, $0x38;
	[tilespmem:$0x8160] =	vst v63  }
0x7b: {  	_ =	swait.ge [sflag:s17], $0x1870  }
0x7c: {  	[sflag:s17] =	ssyncset.done $0x0  }
0x7d: {  	[sflag:s17] =	ssyncadd.s32 $0xFFFFE790  }
0x7e: {  	[hbm4b:s13+s4] =	stream.linear.scatter [tilespmem:s16], [sflag:$0x2], $0x1870, $0x38;
	[tilespmem:$0x8160] =	vst v63  }
0x7f: {  	_ =	swait.ge [sflag:s17], $0x1870  }
0x80: {  	[sflag:s17] =	ssyncset.done $0x0  }
0x81: {  	[sflag:s17] =	ssyncadd.s32 $0xFFFFE790  }
0x82: {  	[tilespmem:s16], [sflag:$0x2] =	stream.linear.gather [spmem:s14], $0x1870, $0x38;
	[tilespmem:$0x8160] =	vst v63  }
0x83: {  	s25 =	sadd.s32 $0x1, s25;
	_ =	swait.ge [sflag:s17], $0x1870  }
0x84: {  	p0 =	sne.s32 s25, s11;
	[sflag:s17] =	ssyncset.done $0x0  }
.Ltmp5:
0x85: {  	[sflag:s17] =	ssyncadd.s32 $0xFFFFE790;
	(pc) =	sbr.rel @p0 .LBB2_1-.Ltmp5, $4  }
0x86: {  	[hbm4b:s15+s4] =	stream.linear.scatter [tilespmem:s16], [sflag:$0x2], $0x1870, $0x38;
	[tilespmem:$0x8160] =	vst v63  }
0x87: {  	_ =	swait.ge [sflag:s17], $0x1870  }
0x88: {  	[sflag:s17] =	ssyncset.done $0x0  }
0x89: {  	[sflag:s17] =	ssyncadd.s32 $0xFFFFE790  }
0x8a: {  	_ =	sfence.sel $0x180000  }
0x8b: {  	[bflag:$0x0] =	sbarrier.arrive $0xFFFF  }
0x8c: {  	p0 =	sne.s32 s1, $0x0;
	_ =	strace $0x90000047  }
0x8d: {  	s0 =	sadd.s32 @!p0 $0x100000, s0;
	[bflag:$0x2] =	sbarrier.arrive $0xFFFF  }
0x8e: {  	[sflag:s0] =	ssyncadd.tile.s32 @!p0 $0x1;
	_ =	shalt  }
.Lfunc_end2:
_tile_overlayer_lowered:
.L_overlay_start_2:
0x8f: {  	(tag) =	ssettag $0x2  }
0x90: {  	s0 =	rddreg [dreg:$0x0];
	s2 =	stileid.u32  }
0x91: {  	s1 =	rddreg [dreg:$0x1];
	p0 =	sne.s32 s2, $0x0  }
0x92: {  	s3 =	rddreg [dreg:$0x2];
	[bflag:$0x3] =	sbarrier.arrive $0xFFFF;
	s2 =	simm.s32 @!p0 $0x1C02  }
0x93: {  	[timem:s3], [sflag:s2] =	dma.local @!p0 [hbm:s0], s1  }
0x94: {  	s0 =	simm.s32 @!p0 $0x2  }
0x95: {  	_ =	swait.ge @!p0 [sflag:s0], s1  }
0x96: {  	s1 =	ssub.s32 @!p0 $0x0, s1;
	[sflag:s0] =	ssyncset.done @!p0 $0x0  }
0x97: {  	[sflag:s0] =	ssyncadd.s32 @!p0 s1  }
0x98: {  	[bflag:$0x3] =	sbarrier.arrive $0xFFFF  }
0x99: {  	_ =	shalt  }

</sc_bundles>
